<compile_context>
chip_gen: v7x
topology: tpu7x:2x2x1
jax: 0.10.2.dev20260603
libtpu: 0.0.44.dev20260713+nightly
codegen_flags: <defaults>
</compile_context>

<pallas_src>
import functools
import math

import jax
import jax.numpy as jnp
from jax import lax
from jax.experimental import pallas as pl
from jax.experimental.pallas import tpu as pltpu

f32 = jnp.float32
bf16 = jnp.bfloat16
i32 = jnp.int32
HIGHEST = lax.Precision.HIGHEST

MOE_BLK = 128
MOE_MAXB = 55
MOE_PAD = MOE_BLK * MOE_MAXB


def _erf(x):
    s = jnp.sign(x)
    a = jnp.abs(x)
    t = 1.0 / (1.0 + 0.3275911 * a)
    poly = t * (0.254829592 + t * (-0.284496736 + t * (1.421413741
             + t * (-1.453152027 + t * 1.061405429))))
    return s * (1.0 - poly * jnp.exp(-a * a))


def _gelu(x):
    return x * 0.5 * (1.0 + _erf(x * 0.7071067811865476))


_MM_DIMS = (((1,), (0,)), ((), ()))


def _mm(x, w, b, *, act=None, res=None, bn=512, precision=None, out_dtype=f32):
    n, k = x.shape
    m = w.shape[1]
    bn = min(bn, n)
    b2 = b.reshape(1, m)

    def body(*refs):
        if res is not None:
            x_ref, w_ref, b_ref, r_ref, o_ref = refs
        else:
            x_ref, w_ref, b_ref, o_ref = refs
            r_ref = None
        acc = lax.dot_general(x_ref[...], w_ref[...], _MM_DIMS,
                              precision=precision, preferred_element_type=f32)
        acc = acc + b_ref[...].astype(f32)
        if act is not None:
            acc = act(acc)
        if r_ref is not None:
            acc = acc + r_ref[...].astype(f32)
        o_ref[...] = acc.astype(o_ref.dtype)

    in_specs = [
        pl.BlockSpec((bn, k), lambda i: (i, 0)),
        pl.BlockSpec((k, m), lambda i: (0, 0)),
        pl.BlockSpec((1, m), lambda i: (0, 0)),
    ]
    args = [x, w, b2]
    if res is not None:
        in_specs.append(pl.BlockSpec((bn, m), lambda i: (i, 0)))
        args.append(res)
    return pl.pallas_call(
        body, grid=(n // bn,), in_specs=in_specs,
        out_specs=pl.BlockSpec((bn, m), lambda i: (i, 0)),
        out_shape=jax.ShapeDtypeStruct((n, m), out_dtype))(*args)


def _attention(q, kv, nh, hd, qb=None, exact_softmax=True):
    sq, _ = q.shape
    sk = kv.shape[0]
    qb = min(qb or sq, sq)
    scale = 1.0 / math.sqrt(hd)

    qh = q.reshape(sq, nh, hd).transpose(1, 0, 2)
    kh = kv[:, :nh * hd].reshape(sk, nh, hd).transpose(1, 0, 2)
    vh = kv[:, nh * hd:].reshape(sk, nh, hd).transpose(1, 0, 2)

    def body(q_ref, k_ref, v_ref, o_ref):
        qs = q_ref[0] * jnp.asarray(scale, q_ref.dtype)
        s = lax.dot_general(qs, k_ref[0], (((1,), (1,)), ((), ())),
                            preferred_element_type=f32)
        if exact_softmax:
            m = jnp.max(s, axis=1, keepdims=True)
            e = jnp.exp(s - m)
            p = e / jnp.sum(e, axis=1, keepdims=True)
        else:
            e = jnp.exp(s)
            p = e * (1.0 / jnp.sum(e, axis=1, keepdims=True))
        o_ref[0] = lax.dot_general(p.astype(v_ref.dtype), v_ref[0],
                                   _MM_DIMS,
                                   preferred_element_type=f32).astype(o_ref.dtype)

    out = pl.pallas_call(
        body, grid=(nh, sq // qb),
        in_specs=[
            pl.BlockSpec((1, qb, hd), lambda h, i: (h, i, 0)),
            pl.BlockSpec((1, sk, hd), lambda h, i: (h, 0, 0)),
            pl.BlockSpec((1, sk, hd), lambda h, i: (h, 0, 0)),
        ],
        out_specs=pl.BlockSpec((1, qb, hd), lambda h, i: (h, i, 0)),
        out_shape=jax.ShapeDtypeStruct((nh, sq, hd), q.dtype))(qh, kh, vh)
    return out.transpose(1, 0, 2).reshape(sq, nh * hd)


def _router(cat, r1_W, r1_b, r2_W, r2_b, bn=1024):
    n, k = cat.shape
    m = r1_W.shape[1]
    ne = r2_W.shape[1]
    e8 = ne // 2
    bn = min(bn, n)

    def body(c_ref, w1_ref, b1_ref, w2_ref, b2_ref, wv_ref, wt_ref):
        h = lax.dot_general(c_ref[...], w1_ref[...], _MM_DIMS,
                            preferred_element_type=f32)
        h = _gelu(h + b1_ref[...]).astype(bf16)
        lg = lax.dot_general(h, w2_ref[...], _MM_DIMS,
                             preferred_element_type=f32)
        lg = lg + b2_ref[...]
        mx = jnp.max(lg, axis=1, keepdims=True)
        ex = jnp.exp(lg - mx)
        p = ex / jnp.sum(ex, axis=1, keepdims=True)
        for mi, out_ref in ((0, wv_ref), (1, wt_ref)):
            pm = lax.slice(p, (0, mi * e8), (p.shape[0], mi * e8 + e8))
            col = lax.broadcasted_iota(jnp.int32, pm.shape, 1)
            rank = jnp.zeros(pm.shape, f32)
            for j in range(e8):
                pj = lax.slice(pm, (0, j), (pm.shape[0], j + 1))
                beats = (pj > pm) | ((pj == pm) & (j < col))
                rank = rank + beats.astype(f32)
            m1 = (rank == 0.0).astype(f32)
            m2 = (rank == 1.0).astype(f32)
            m3 = (rank == 2.0).astype(f32)
            p1 = jnp.sum(pm * m1, axis=1, keepdims=True)
            p2 = jnp.sum(pm * m2, axis=1, keepdims=True)
            p3 = jnp.sum(pm * m3, axis=1, keepdims=True)
            lam = jnp.clip(0.5 + (p2 - p3) * (1.0 / 6e-5), 0.0, 1.0)
            dA = 1.0 / jnp.maximum(p1 + p2, 1e-12)
            dB = 1.0 / jnp.maximum(p1 + p3, 1e-12)
            w1c = p1 * (lam * dA + (1.0 - lam) * dB)
            out_ref[...] = (m1 * w1c + m2 * (lam * p2 * dA)
                            + m3 * ((1.0 - lam) * p3 * dB))

    out_sd = jax.ShapeDtypeStruct((n, e8), f32)
    return pl.pallas_call(
        body, grid=(n // bn,),
        in_specs=[
            pl.BlockSpec((bn, k), lambda i: (i, 0)),
            pl.BlockSpec((k, m), lambda i: (0, 0)),
            pl.BlockSpec((1, m), lambda i: (0, 0)),
            pl.BlockSpec((m, ne), lambda i: (0, 0)),
            pl.BlockSpec((1, ne), lambda i: (0, 0)),
        ],
        out_specs=[pl.BlockSpec((bn, e8), lambda i: (i, 0))] * 2,
        out_shape=[out_sd, out_sd],
    )(cat, r1_W, r1_b.reshape(1, m), r2_W, r2_b.reshape(1, ne))


def _rank_counts(w, bs=512):
    S, E = w.shape

    def body(w_ref, rank_ref, cnt_ref, carry):
        g = pl.program_id(0)

        @pl.when(g == 0)
        def _():
            carry[...] = jnp.zeros((1, E), f32)

        ind = (w_ref[...] > 0.0).astype(f32)
        r = lax.broadcasted_iota(i32, (bs, bs), 0)
        c = lax.broadcasted_iota(i32, (bs, bs), 1)
        ltri = (c < r).astype(f32)
        rank_ref[...] = carry[...] + lax.dot_general(
            ltri, ind, _MM_DIMS, precision=HIGHEST, preferred_element_type=f32)
        carry[...] = carry[...] + jnp.sum(ind, axis=0, keepdims=True)
        cnt_ref[...] = carry[...]

    return pl.pallas_call(
        body, grid=(S // bs,),
        in_specs=[pl.BlockSpec((bs, E), lambda g: (g, 0))],
        out_specs=[pl.BlockSpec((bs, E), lambda g: (g, 0)),
                   pl.BlockSpec((1, E), lambda g: (0, 0))],
        out_shape=[jax.ShapeDtypeStruct((S, E), f32),
                   jax.ShapeDtypeStruct((1, E), f32)],
        scratch_shapes=[pltpu.VMEM((1, E), f32)],
    )(w)


def _moe_grouped(x, posT, block_expert, nlive, W1, b1, W2, b2):
    S = x.shape[0]
    E, D, FF = W1.shape
    BLK = MOE_BLK

    def body(be_ref, nl_ref, pos_ref, x_ref, W1_ref, b1_ref, W2_ref, b2_ref,
             ys_ref):
        g = pl.program_id(0)

        @pl.when(g < nl_ref[0])
        def _():
            rowpos = lax.broadcasted_iota(i32, (BLK, S), 0) + g * BLK
            P = (rowpos == pos_ref[0]).astype(bf16)
            xg = lax.dot_general(P, x_ref[...], _MM_DIMS,
                                 preferred_element_type=f32).astype(bf16)
            h = lax.dot_general(xg, W1_ref[0], _MM_DIMS,
                                preferred_element_type=f32)
            h = _gelu(h + b1_ref[0]).astype(bf16)
            y = lax.dot_general(h, W2_ref[0], _MM_DIMS,
                                preferred_element_type=f32)
            ys_ref[...] = y + b2_ref[0]

    grid_spec = pltpu.PrefetchScalarGridSpec(
        num_scalar_prefetch=2,
        grid=(MOE_MAXB,),
        in_specs=[
            pl.BlockSpec((1, 1, S), lambda g, be, nl: (be[g], 0, 0)),
            pl.BlockSpec((S, D), lambda g, be, nl: (0, 0)),
            pl.BlockSpec((1, D, FF), lambda g, be, nl: (be[g], 0, 0)),
            pl.BlockSpec((1, 1, FF), lambda g, be, nl: (be[g], 0, 0)),
            pl.BlockSpec((1, FF, D), lambda g, be, nl: (be[g], 0, 0)),
            pl.BlockSpec((1, 1, D), lambda g, be, nl: (be[g], 0, 0)),
        ],
        out_specs=pl.BlockSpec((BLK, D), lambda g, be, nl: (g, 0)),
    )
    return pl.pallas_call(
        body, grid_spec=grid_spec,
        out_shape=jax.ShapeDtypeStruct((MOE_PAD, D), f32),
    )(block_expert, nlive, posT, x, W1, b1.reshape(E, 1, FF), W2,
      b2.reshape(E, 1, D))


def _sc_gather_rows(ys_v, ys_t, idx_v, idx_t):
    from jax.experimental.pallas import tpu_sc as plsc

    n = idx_v.shape[0]
    d = ys_v.shape[1]
    info = plsc.get_sparse_core_info()
    ns = info.num_subcores
    per_sub = n // ns
    CH = 64
    nch = per_sub // CH
    mesh = plsc.VectorSubcoreMesh(core_axis_name="c", subcore_axis_name="s")

    @functools.partial(
        pl.kernel, mesh=mesh,
        out_type=[jax.ShapeDtypeStruct((n, d), f32),
                  jax.ShapeDtypeStruct((n, d), f32)],
        scratch_types=[
            pltpu.VMEM((per_sub,), i32),
            pltpu.VMEM((CH, d), f32),
            pltpu.VMEM((CH, d), f32),
            pltpu.SemaphoreType.DMA,
            pltpu.SemaphoreType.DMA,
        ],
    )
    def k(ysv_hbm, yst_hbm, idxv_hbm, idxt_hbm, outv_hbm, outt_hbm,
          idx_vm, rows_a, rows_b, sem_a, sem_b):
        c = lax.axis_index("c")
        s = lax.axis_index("s")
        base = s * per_sub
        bufs = (rows_a, rows_b)
        sems = (sem_a, sem_b)

        def run(idx_hbm, ys_hbm, out_hbm):
            pltpu.sync_copy(idx_hbm.at[pl.ds(base, per_sub)], idx_vm)

            def fire(j):
                return pltpu.async_copy(
                    ys_hbm.at[idx_vm.at[pl.ds(j * CH, CH)]],
                    bufs[j % 2], sems[j % 2])

            handles = [fire(0)]
            for j in range(nch):
                if j + 1 < nch:
                    handles.append(fire(j + 1))
                handles[j].wait()
                pltpu.sync_copy(bufs[j % 2],
                                out_hbm.at[pl.ds(base + j * CH, CH)])

        @pl.when(c == 0)
        def _():
            run(idxv_hbm, ysv_hbm, outv_hbm)

        @pl.when(c == 1)
        def _():
            run(idxt_hbm, yst_hbm, outt_hbm)

    return k(ys_v, ys_t, idx_v, idx_t)


def _combine(g3, wk, bs=512):
    S, K, D = g3.shape

    def body(g_ref, w_ref, o_ref):
        acc = jnp.zeros((bs, D), f32)
        for k in range(K):
            gk = g_ref[:, k, :]
            wc = lax.slice(w_ref[...], (0, k), (bs, k + 1))
            acc = acc + gk * wc
        o_ref[...] = acc

    return pl.pallas_call(
        body, grid=(S // bs,),
        in_specs=[pl.BlockSpec((bs, K, D), lambda g: (g, 0, 0)),
                  pl.BlockSpec((bs, K), lambda g: (g, 0))],
        out_specs=pl.BlockSpec((bs, D), lambda g: (g, 0)),
        out_shape=jax.ShapeDtypeStruct((S, D), f32),
    )(g3, wk)


def _moe_sparse(att, w_dense, W1, b1, W2, b2):
    S, E = w_dense.shape
    rank, cnt = _rank_counts(w_dense)
    cnt = cnt[0].astype(i32)
    nb = (cnt + MOE_BLK - 1) // MOE_BLK
    starts = MOE_BLK * (jnp.cumsum(nb) - nb)
    nlive = jnp.sum(nb).astype(i32).reshape(1)
    block_expert = jnp.repeat(jnp.arange(E, dtype=i32), nb,
                              total_repeat_length=MOE_MAXB)
    sel = w_dense > 0.0
    pos = jnp.where(sel, starts[None, :] + rank.astype(i32), -1)
    nzr = jnp.cumsum(sel.astype(i32), axis=1) - sel.astype(i32)
    pos_k, w_k = [], []
    for k in range(3):
        ohk = sel & (nzr == k)
        pos_k.append(jnp.sum(jnp.where(ohk, pos, 0), axis=1))
        w_k.append(jnp.sum(jnp.where(ohk, w_dense, 0.0), axis=1))
    idx = jnp.stack(pos_k, 1).reshape(3 * S)
    wk = jnp.stack(w_k, 1)
    ys = _moe_grouped(att.astype(bf16), pos.T.reshape(E, 1, S), block_expert,
                      nlive,
                      W1.astype(bf16), b1, W2.astype(bf16), b2)
    return ys, idx, wk


def _finalize(y, Wo, bo, g, b, bs=512):
    S2, D = y.shape
    S = S2 // 2
    bs = min(bs, S)
    nblk = S // bs

    def body(y1_ref, y2_ref, w_ref, b_ref, g_ref, bb_ref, o_ref):
        d1 = lax.dot_general(y1_ref[...], w_ref[...], _MM_DIMS,
                             preferred_element_type=f32)
        d2 = lax.dot_general(y2_ref[...], w_ref[...], _MM_DIMS,
                             preferred_element_type=f32)
        fat = (d1 + d2) * 0.5 + b_ref[...]
        mu = jnp.mean(fat, axis=1, keepdims=True)
        d = fat - mu
        var = jnp.mean(d * d, axis=1, keepdims=True)
        o_ref[...] = d / jnp.sqrt(var + 1e-5) * g_ref[...] + bb_ref[...]

    return pl.pallas_call(
        body, grid=(nblk,),
        in_specs=[
            pl.BlockSpec((bs, D), lambda i: (i, 0)),
            pl.BlockSpec((bs, D), lambda i, _n=nblk: (i + _n, 0)),
            pl.BlockSpec((D, D), lambda i: (0, 0)),
            pl.BlockSpec((1, D), lambda i: (0, 0)),
            pl.BlockSpec((1, D), lambda i: (0, 0)),
            pl.BlockSpec((1, D), lambda i: (0, 0)),
        ],
        out_specs=pl.BlockSpec((bs, D), lambda i: (i, 0)),
        out_shape=jax.ShapeDtypeStruct((S, D), f32),
    )(y, y, Wo, bo.reshape(1, D), g.reshape(1, D), b.reshape(1, D))


def kernel(vision, text, proj_W_vision, proj_b_vision, proj_W_text, proj_b_text,
           ca_vision_text_Wq, ca_vision_text_Wk, ca_vision_text_Wv, ca_vision_text_Wo,
           ca_vision_text_bq, ca_vision_text_bk, ca_vision_text_bv, ca_vision_text_bo,
           ca_text_vision_Wq, ca_text_vision_Wk, ca_text_vision_Wv, ca_text_vision_Wo,
           ca_text_vision_bq, ca_text_vision_bk, ca_text_vision_bv, ca_text_vision_bo,
           r1_W, r1_b, r2_W, r2_b,
           exp_vision_W1, exp_vision_b1, exp_vision_W2, exp_vision_b2,
           exp_text_W1, exp_text_b1, exp_text_W2, exp_text_b2,
           f_Wq, f_Wk, f_Wv, f_Wo, f_bq, f_bk, f_bv, f_bo,
           ln_g, ln_b):
    v = vision[0].astype(bf16)
    t = text[0].astype(bf16)

    pv = _mm(v, proj_W_vision.astype(bf16), proj_b_vision)
    pt = _mm(t, proj_W_text.astype(bf16), proj_b_text)
    pvb = pv.astype(bf16)
    ptb = pt.astype(bf16)

    qv = _mm(pvb, ca_vision_text_Wq.astype(bf16), ca_vision_text_bq,
             out_dtype=bf16)
    kv_vt = _mm(ptb,
                jnp.concatenate([ca_vision_text_Wk, ca_vision_text_Wv],
                                1).astype(bf16),
                jnp.concatenate([ca_vision_text_bk, ca_vision_text_bv], 0),
                out_dtype=bf16)
    av = _attention(qv, kv_vt, nh=12, hd=64, qb=1024)
    att_v = _mm(av, ca_vision_text_Wo.astype(bf16), ca_vision_text_bo, res=pv)

    qt = _mm(ptb, ca_text_vision_Wq.astype(bf16), ca_text_vision_bq,
             out_dtype=bf16)
    kv_tv = _mm(pvb,
                jnp.concatenate([ca_text_vision_Wk, ca_text_vision_Wv],
                                1).astype(bf16),
                jnp.concatenate([ca_text_vision_bk, ca_text_vision_bv], 0),
                out_dtype=bf16)
    at = _attention(qt, kv_tv, nh=12, hd=64, qb=1024)
    att_t = _mm(at, ca_text_vision_Wo.astype(bf16), ca_text_vision_bo, res=pt)

    cat = jnp.concatenate([att_v, att_t], axis=1).astype(bf16)
    w_v, w_t = _router(cat, r1_W.astype(bf16), r1_b, r2_W.astype(bf16), r2_b)

    ys_v, idx_v, wk_v = _moe_sparse(att_v, w_v, exp_vision_W1, exp_vision_b1,
                                    exp_vision_W2, exp_vision_b2)
    ys_t, idx_t, wk_t = _moe_sparse(att_t, w_t, exp_text_W1, exp_text_b1,
                                    exp_text_W2, exp_text_b2)
    g_v, g_t = _sc_gather_rows(ys_v, ys_t, idx_v, idx_t)
    S = att_v.shape[0]
    outs_v = _combine(g_v.reshape(S, 3, -1), wk_v)
    outs_t = _combine(g_t.reshape(S, 3, -1), wk_t)

    X = jnp.concatenate([outs_v, outs_t], axis=0).astype(bf16)
    qf = _mm(X, f_Wq.astype(bf16), f_bq, out_dtype=bf16)
    kvf = _mm(X, jnp.concatenate([f_Wk, f_Wv], 1).astype(bf16),
              jnp.concatenate([f_bk, f_bv], 0), out_dtype=bf16)
    Yf = _attention(qf, kvf, nh=8, hd=96, qb=1024, exact_softmax=False)

    out = _finalize(Yf, f_Wo.astype(bf16), f_bo, ln_g, ln_b)
    return out[None]

# --- scband reference (transcript-rebuilt; emitter-appended) ---
"""Pipeline reference for scband-multi-modal-cross-attention-mo-e-5291399709241 (READ-ONLY COPY).

The authoritative reference and input builder live on the scoring server;
editing this copy changes nothing except your own understanding.
"""

import jax, jax.numpy as jnp
import numpy as np

D = 768; E = 8; FF = 3072; B = 1; S = 2048
MODS = ["vision", "text"]


def setup_inputs(seed: int = 0) -> dict:
    key = jax.random.key(seed)
    ks = iter(jax.random.split(key, 80))
    def nrm(shape, scale=0.02):
        return jax.random.normal(next(ks), shape, dtype=jnp.float32) * scale
    p = {}
    for m in MODS:
        p[m] = jax.random.normal(next(ks), (B, S, D), dtype=jnp.float32)
    for m in MODS:
        p[f"proj_W_{m}"] = nrm((D, D))
        p[f"proj_b_{m}"] = jnp.zeros((D,), jnp.float32)
    for a in MODS:
        for b in MODS:
            if a != b:
                for w in ["Wq", "Wk", "Wv", "Wo"]:
                    p[f"ca_{a}_{b}_{w}"] = nrm((D, D))
                for bn in ["bq", "bk", "bv", "bo"]:
                    p[f"ca_{a}_{b}_{bn}"] = jnp.zeros((D,), jnp.float32)
    p["r1_W"] = nrm((2 * D, 2 * D)); p["r1_b"] = jnp.zeros((2 * D,), jnp.float32)
    p["r2_W"] = nrm((2 * D, E * len(MODS))); p["r2_b"] = jnp.zeros((E * len(MODS),), jnp.float32)
    for m in MODS:
        p[f"exp_{m}_W1"] = nrm((E, D, FF)); p[f"exp_{m}_b1"] = jnp.zeros((E, FF), jnp.float32)
        p[f"exp_{m}_W2"] = nrm((E, FF, D)); p[f"exp_{m}_b2"] = jnp.zeros((E, D), jnp.float32)
    for w in ["Wq", "Wk", "Wv", "Wo"]:
        p[f"f_{w}"] = nrm((D, D))
    for bn in ["bq", "bk", "bv", "bo"]:
        p[f"f_{bn}"] = jnp.zeros((D,), jnp.float32)
    p["ln_g"] = jnp.ones((D,), jnp.float32); p["ln_b"] = jnp.zeros((D,), jnp.float32)
    return p


def _mha(q_in, k_in, v_in, Wq, bq, Wk, bk, Wv, bv, Wo, bo, nh):
    Bq, Sq, Dm = q_in.shape
    Sk = k_in.shape[1]
    hd = Dm // nh
    q = (q_in @ Wq + bq).reshape(Bq, Sq, nh, hd).transpose(0, 2, 1, 3)
    k = (k_in @ Wk + bk).reshape(Bq, Sk, nh, hd).transpose(0, 2, 1, 3)
    v = (v_in @ Wv + bv).reshape(Bq, Sk, nh, hd).transpose(0, 2, 1, 3)
    att = jax.nn.softmax(jnp.einsum('bhqd,bhkd->bhqk', q, k) / jnp.sqrt(jnp.float32(hd)), axis=-1)
    o = jnp.einsum('bhqk,bhkd->bhqd', att, v).transpose(0, 2, 1, 3).reshape(Bq, Sq, Dm)
    return o @ Wo + bo


def _forward(p):
    # modality projection
    proj = {m: p[m] @ p[f"proj_W_{m}"] + p[f"proj_b_{m}"] for m in MODS}
    # pairwise cross-modal attention: attended[a] = proj[a] + sum_b MHA(a, b, b)
    att = {}
    for a in MODS:
        acc = proj[a]
        for b in MODS:
            if a != b:
                acc = acc + _mha(proj[a], proj[b], proj[b],
                                 p[f"ca_{a}_{b}_Wq"], p[f"ca_{a}_{b}_bq"],
                                 p[f"ca_{a}_{b}_Wk"], p[f"ca_{a}_{b}_bk"],
                                 p[f"ca_{a}_{b}_Wv"], p[f"ca_{a}_{b}_bv"],
                                 p[f"ca_{a}_{b}_Wo"], p[f"ca_{a}_{b}_bo"], 12)
        att[a] = acc
    # cross-modal router over concatenated features, softmax over ALL experts
    cat = jnp.concatenate([att[m] for m in MODS], axis=-1)
    hh = jax.nn.gelu(cat @ p["r1_W"] + p["r1_b"], approximate=False)
    probs = jax.nn.softmax(hh @ p["r2_W"] + p["r2_b"], axis=-1)
    # per-modality top-2 expert dispatch (vectorized: compute all experts, gather top-2)
    outs = []
    for i, m in enumerate(MODS):
        mr = probs[..., i * E:(i + 1) * E]
        topp, topi = jax.lax.top_k(mr, 2)
        topp = topp / jnp.maximum(jnp.sum(topp, axis=-1, keepdims=True), 1e-12)
        x = att[m]
        h1 = jax.nn.gelu(jnp.einsum('bsd,edf->bsef', x, p[f"exp_{m}_W1"]) + p[f"exp_{m}_b1"], approximate=False)
        allo = jnp.einsum('bsef,efd->bsed', h1, p[f"exp_{m}_W2"]) + p[f"exp_{m}_b2"]
        sel = jnp.take_along_axis(allo, topi[..., None], axis=2)
        outs.append(jnp.sum(topp[..., None] * sel, axis=2))
    # cross-attention fusion over stacked modality outputs
    stacked = jnp.stack(outs, axis=2)  # [B, S, M, D]
    Bx, Sx, Mx, Dx = stacked.shape
    resh = stacked.reshape(Bx, Sx * Mx, Dx)
    fat = _mha(resh, resh, resh, p["f_Wq"], p["f_bq"], p["f_Wk"], p["f_bk"], p["f_Wv"], p["f_bv"], p["f_Wo"], p["f_bo"], 8)
    fat = fat.reshape(Bx, Sx, Mx, Dx).mean(axis=2)
    mu = fat.mean(-1, keepdims=True)
    var = ((fat - mu) ** 2).mean(-1, keepdims=True)
    return (fat - mu) / jnp.sqrt(var + 1e-5) * p["ln_g"] + p["ln_b"]


def reference(vision, text,
              proj_W_vision, proj_b_vision, proj_W_text, proj_b_text,
              ca_vision_text_Wq, ca_vision_text_Wk, ca_vision_text_Wv, ca_vision_text_Wo,
              ca_vision_text_bq, ca_vision_text_bk, ca_vision_text_bv, ca_vision_text_bo,
              ca_text_vision_Wq, ca_text_vision_Wk, ca_text_vision_Wv, ca_text_vision_Wo,
              ca_text_vision_bq, ca_text_vision_bk, ca_text_vision_bv, ca_text_vision_bo,
              r1_W, r1_b, r2_W, r2_b,
              exp_vision_W1, exp_vision_b1, exp_vision_W2, exp_vision_b2,
              exp_text_W1, exp_text_b1, exp_text_W2, exp_text_b2,
              f_Wq, f_Wk, f_Wv, f_Wo, f_bq, f_bk, f_bv, f_bo,
              ln_g, ln_b):
    return _forward(dict(locals()))

if __name__ == "__main__":
    import jax
    _d = setup_inputs()
    print(jax.jit(kernel)(*tuple(_d.values())))

</pallas_src>

<mosaic_0001>
#map = affine_map<(d0, d1) -> (0, 0)>
#map1 = affine_map<(d0, d1) -> (0)>
module attributes {stable_mosaic.version = 14 : i64} {
  func.func @k(%arg0: i32, %arg1: i32, %arg2: memref<7040x768xf32, #tpu.memory_space<hbm>>, %arg3: memref<7040x768xf32, #tpu.memory_space<hbm>>, %arg4: memref<6144xi32, #tpu.memory_space<hbm>>, %arg5: memref<6144xi32, #tpu.memory_space<hbm>>, %arg6: memref<6144x768xf32, #tpu.memory_space<hbm>>, %arg7: memref<6144x768xf32, #tpu.memory_space<hbm>>, %arg8: memref<384xi32, #tpu.memory_space<vmem>>, %arg9: memref<64x768xf32, #tpu.memory_space<vmem>>, %arg10: memref<64x768xf32, #tpu.memory_space<vmem>>, %arg11: memref<!tpu.dma_semaphore, #tpu.memory_space<semaphore_mem>>, %arg12: memref<!tpu.dma_semaphore, #tpu.memory_space<semaphore_mem>>) attributes {dimension_semantics = [#tpu.dimension_semantics<core_parallel>, #tpu.dimension_semantics<subcore_parallel>], iteration_bounds = array<i64: 2, 16>, scalar_prefetch = 0 : i64, scratch_operands = 5 : i64, tpu.core_type = #tpu.core_type<sc_vector_subcore>, window_params = [{transform_indices = #map}, {transform_indices = #map}, {transform_indices = #map1}, {transform_indices = #map1}, {transform_indices = #map}, {transform_indices = #map}]} {
    %mul3A = arith.constant 384 : i32
    %mul3A_0 = arith.muli %arg1, %mul3A : i32
    %eq3A = arith.constant 0 : i32
    %eq3A_1 = arith.cmpi eq, %arg0, %eq3A : i32
    %convert_element_type3A = arith.extui %eq3A_1 : i1 to i32
    %cond3A = arith.constant 0 : i32
    %cond3A_2 = arith.cmpi ne, %convert_element_type3A, %cond3A : i32
    scf.if %cond3A_2 {
      "tpu.region"() ({
        %run_scoped3A = tpu.sem_alloc : memref<!tpu.dma_semaphore, #tpu.memory_space<semaphore_mem>>
        %dma_start3A_77 = tpu.memref_slice %arg4[%mul3A_0] : memref<6144xi32, #tpu.memory_space<hbm>> -> memref<384xi32, #tpu.memory_space<hbm>>
        %dma_start3A_78 = tpu.memref_slice %arg4[%mul3A_0] : memref<6144xi32, #tpu.memory_space<hbm>> -> memref<384xi32, #tpu.memory_space<hbm>>
        tpu.enqueue_dma source(%dma_start3A_78 : memref<384xi32, #tpu.memory_space<hbm>>) target(%arg8 : memref<384xi32, #tpu.memory_space<vmem>>) target_semaphore(%run_scoped3A : memref<!tpu.dma_semaphore, #tpu.memory_space<semaphore_mem>>)
        %dma_wait3A_79 = tpu.memref_slice %arg4[%mul3A_0] : memref<6144xi32, #tpu.memory_space<hbm>> -> memref<384xi32, #tpu.memory_space<hbm>>
        %dma_wait3A_80 = tpu.memref_slice %arg4[%mul3A_0] : memref<6144xi32, #tpu.memory_space<hbm>> -> memref<384xi32, #tpu.memory_space<hbm>>
        tpu.wait_dma2 semaphore(%run_scoped3A : memref<!tpu.dma_semaphore, #tpu.memory_space<semaphore_mem>>) src(%dma_wait3A_80 : memref<384xi32, #tpu.memory_space<hbm>>) dst(%arg8 : memref<384xi32, #tpu.memory_space<vmem>>)
        tpu.yield
      }) : () -> ()
      %dma_start3A = arith.constant 0 : i32
      %dma_start3A_8 = tpu.memref_slice %arg8[%dma_start3A] : memref<384xi32, #tpu.memory_space<vmem>> -> memref<64xi32, #tpu.memory_space<vmem>>
      %dma_start3A_9 = arith.constant 0 : i32
      %dma_start3A_10 = arith.constant 0 : i32
      %dma_start3A_11 = tpu.memref_slice %arg2[%dma_start3A_9, %dma_start3A_10] : memref<7040x768xf32, #tpu.memory_space<hbm>> -> memref<7040x768xf32, #tpu.memory_space<hbm>>
      tpu.enqueue_indirect_dma source(%dma_start3A_11 : memref<7040x768xf32, #tpu.memory_space<hbm>>) target(%arg9 : memref<64x768xf32, #tpu.memory_space<vmem>>) offsets(%dma_start3A_8 : memref<64xi32, #tpu.memory_space<vmem>>) semaphore(%arg11 : memref<!tpu.dma_semaphore, #tpu.memory_space<semaphore_mem>>)
      %dma_start3A_12 = arith.constant 64 : i32
      %dma_start3A_13 = tpu.memref_slice %arg8[%dma_start3A_12] : memref<384xi32, #tpu.memory_space<vmem>> -> memref<64xi32, #tpu.memory_space<vmem>>
      %dma_start3A_14 = arith.constant 0 : i32
      %dma_start3A_15 = arith.constant 0 : i32
      %dma_start3A_16 = tpu.memref_slice %arg2[%dma_start3A_14, %dma_start3A_15] : memref<7040x768xf32, #tpu.memory_space<hbm>> -> memref<7040x768xf32, #tpu.memory_space<hbm>>
      tpu.enqueue_indirect_dma source(%dma_start3A_16 : memref<7040x768xf32, #tpu.memory_space<hbm>>) target(%arg10 : memref<64x768xf32, #tpu.memory_space<vmem>>) offsets(%dma_start3A_13 : memref<64xi32, #tpu.memory_space<vmem>>) semaphore(%arg12 : memref<!tpu.dma_semaphore, #tpu.memory_space<semaphore_mem>>)
      %dma_wait3A = arith.constant 0 : i32
      %dma_wait3A_17 = tpu.memref_slice %arg8[%dma_wait3A] : memref<384xi32, #tpu.memory_space<vmem>> -> memref<64xi32, #tpu.memory_space<vmem>>
      %dma_wait3A_18 = arith.constant 0 : i32
      %dma_wait3A_19 = arith.constant 0 : i32
      %dma_wait3A_20 = tpu.memref_slice %arg2[%dma_wait3A_18, %dma_wait3A_19] : memref<7040x768xf32, #tpu.memory_space<hbm>> -> memref<7040x768xf32, #tpu.memory_space<hbm>>
      tpu.wait_indirect_dma semaphore(%arg11 : memref<!tpu.dma_semaphore, #tpu.memory_space<semaphore_mem>>) src(%dma_wait3A_20 : memref<7040x768xf32, #tpu.memory_space<hbm>>) dst(%arg9 : memref<64x768xf32, #tpu.memory_space<vmem>>)
      %add3A = arith.constant 0 : i32
      %add3A_21 = arith.addi %mul3A_0, %add3A : i32
      "tpu.region"() ({
        %run_scoped3A = tpu.sem_alloc : memref<!tpu.dma_semaphore, #tpu.memory_space<semaphore_mem>>
        %dma_start3A_77 = arith.constant 0 : i32
        %dma_start3A_78 = tpu.memref_slice %arg6[%add3A_21, %dma_start3A_77] : memref<6144x768xf32, #tpu.memory_space<hbm>> -> memref<64x768xf32, #tpu.memory_space<hbm>>
        %dma_start3A_79 = arith.constant 0 : i32
        %dma_start3A_80 = tpu.memref_slice %arg6[%add3A_21, %dma_start3A_79] : memref<6144x768xf32, #tpu.memory_space<hbm>> -> memref<64x768xf32, #tpu.memory_space<hbm>>
        tpu.enqueue_dma source(%arg9 : memref<64x768xf32, #tpu.memory_space<vmem>>) target(%dma_start3A_80 : memref<64x768xf32, #tpu.memory_space<hbm>>) target_semaphore(%run_scoped3A : memref<!tpu.dma_semaphore, #tpu.memory_space<semaphore_mem>>)
        %dma_wait3A_81 = arith.constant 0 : i32
        %dma_wait3A_82 = tpu.memref_slice %arg6[%add3A_21, %dma_wait3A_81] : memref<6144x768xf32, #tpu.memory_space<hbm>> -> memref<64x768xf32, #tpu.memory_space<hbm>>
        %dma_wait3A_83 = arith.constant 0 : i32
        %dma_wait3A_84 = tpu.memref_slice %arg6[%add3A_21, %dma_wait3A_83] : memref<6144x768xf32, #tpu.memory_space<hbm>> -> memref<64x768xf32, #tpu.memory_space<hbm>>
        tpu.wait_dma2 semaphore(%run_scoped3A : memref<!tpu.dma_semaphore, #tpu.memory_space<semaphore_mem>>) src(%arg9 : memref<64x768xf32, #tpu.memory_space<vmem>>) dst(%dma_wait3A_84 : memref<64x768xf32, #tpu.memory_space<hbm>>)
        tpu.yield
      }) : () -> ()
      %dma_start3A_22 = arith.constant 128 : i32
      %dma_start3A_23 = tpu.memref_slice %arg8[%dma_start3A_22] : memref<384xi32, #tpu.memory_space<vmem>> -> memref<64xi32, #tpu.memory_space<vmem>>
      %dma_start3A_24 = arith.constant 0 : i32
      %dma_start3A_25 = arith.constant 0 : i32
      %dma_start3A_26 = tpu.memref_slice %arg2[%dma_start3A_24, %dma_start3A_25] : memref<7040x768xf32, #tpu.memory_space<hbm>> -> memref<7040x768xf32, #tpu.memory_space<hbm>>
      tpu.enqueue_indirect_dma source(%dma_start3A_26 : memref<7040x768xf32, #tpu.memory_space<hbm>>) target(%arg9 : memref<64x768xf32, #tpu.memory_space<vmem>>) offsets(%dma_start3A_23 : memref<64xi32, #tpu.memory_space<vmem>>) semaphore(%arg11 : memref<!tpu.dma_semaphore, #tpu.memory_space<semaphore_mem>>)
      %dma_wait3A_27 = arith.constant 64 : i32
      %dma_wait3A_28 = tpu.memref_slice %arg8[%dma_wait3A_27] : memref<384xi32, #tpu.memory_space<vmem>> -> memref<64xi32, #tpu.memory_space<vmem>>
      %dma_wait3A_29 = arith.constant 0 : i32
      %dma_wait3A_30 = arith.constant 0 : i32
      %dma_wait3A_31 = tpu.memref_slice %arg2[%dma_wait3A_29, %dma_wait3A_30] : memref<7040x768xf32, #tpu.memory_space<hbm>> -> memref<7040x768xf32, #tpu.memory_space<hbm>>
      tpu.wait_indirect_dma semaphore(%arg12 : memref<!tpu.dma_semaphore, #tpu.memory_space<semaphore_mem>>) src(%dma_wait3A_31 : memref<7040x768xf32, #tpu.memory_space<hbm>>) dst(%arg10 : memref<64x768xf32, #tpu.memory_space<vmem>>)
      %add3A_32 = arith.constant 64 : i32
      %add3A_33 = arith.addi %mul3A_0, %add3A_32 : i32
      "tpu.region"() ({
        %run_scoped3A = tpu.sem_alloc : memref<!tpu.dma_semaphore, #tpu.memory_space<semaphore_mem>>
        %dma_start3A_77 = arith.constant 0 : i32
        %dma_start3A_78 = tpu.memref_slice %arg6[%add3A_33, %dma_start3A_77] : memref<6144x768xf32, #tpu.memory_space<hbm>> -> memref<64x768xf32, #tpu.memory_space<hbm>>
        %dma_start3A_79 = arith.constant 0 : i32
        %dma_start3A_80 = tpu.memref_slice %arg6[%add3A_33, %dma_start3A_79] : memref<6144x768xf32, #tpu.memory_space<hbm>> -> memref<64x768xf32, #tpu.memory_space<hbm>>
        tpu.enqueue_dma source(%arg10 : memref<64x768xf32, #tpu.memory_space<vmem>>) target(%dma_start3A_80 : memref<64x768xf32, #tpu.memory_space<hbm>>) target_semaphore(%run_scoped3A : memref<!tpu.dma_semaphore, #tpu.memory_space<semaphore_mem>>)
        %dma_wait3A_81 = arith.constant 0 : i32
        %dma_wait3A_82 = tpu.memref_slice %arg6[%add3A_33, %dma_wait3A_81] : memref<6144x768xf32, #tpu.memory_space<hbm>> -> memref<64x768xf32, #tpu.memory_space<hbm>>
        %dma_wait3A_83 = arith.constant 0 : i32
        %dma_wait3A_84 = tpu.memref_slice %arg6[%add3A_33, %dma_wait3A_83] : memref<6144x768xf32, #tpu.memory_space<hbm>> -> memref<64x768xf32, #tpu.memory_space<hbm>>
        tpu.wait_dma2 semaphore(%run_scoped3A : memref<!tpu.dma_semaphore, #tpu.memory_space<semaphore_mem>>) src(%arg10 : memref<64x768xf32, #tpu.memory_space<vmem>>) dst(%dma_wait3A_84 : memref<64x768xf32, #tpu.memory_space<hbm>>)
        tpu.yield
      }) : () -> ()
      %dma_start3A_34 = arith.constant 192 : i32
      %dma_start3A_35 = tpu.memref_slice %arg8[%dma_start3A_34] : memref<384xi32, #tpu.memory_space<vmem>> -> memref<64xi32, #tpu.memory_space<vmem>>
      %dma_start3A_36 = arith.constant 0 : i32
      %dma_start3A_37 = arith.constant 0 : i32
      %dma_start3A_38 = tpu.memref_slice %arg2[%dma_start3A_36, %dma_start3A_37] : memref<7040x768xf32, #tpu.memory_space<hbm>> -> memref<7040x768xf32, #tpu.memory_space<hbm>>
      tpu.enqueue_indirect_dma source(%dma_start3A_38 : memref<7040x768xf32, #tpu.memory_space<hbm>>) target(%arg10 : memref<64x768xf32, #tpu.memory_space<vmem>>) offsets(%dma_start3A_35 : memref<64xi32, #tpu.memory_space<vmem>>) semaphore(%arg12 : memref<!tpu.dma_semaphore, #tpu.memory_space<semaphore_mem>>)
      %dma_wait3A_39 = arith.constant 128 : i32
      %dma_wait3A_40 = tpu.memref_slice %arg8[%dma_wait3A_39] : memref<384xi32, #tpu.memory_space<vmem>> -> memref<64xi32, #tpu.memory_space<vmem>>
      %dma_wait3A_41 = arith.constant 0 : i32
      %dma_wait3A_42 = arith.constant 0 : i32
      %dma_wait3A_43 = tpu.memref_slice %arg2[%dma_wait3A_41, %dma_wait3A_42] : memref<7040x768xf32, #tpu.memory_space<hbm>> -> memref<7040x768xf32, #tpu.memory_space<hbm>>
      tpu.wait_indirect_dma semaphore(%arg11 : memref<!tpu.dma_semaphore, #tpu.memory_space<semaphore_mem>>) src(%dma_wait3A_43 : memref<7040x768xf32, #tpu.memory_space<hbm>>) dst(%arg9 : memref<64x768xf32, #tpu.memory_space<vmem>>)
      %add3A_44 = arith.constant 128 : i32
      %add3A_45 = arith.addi %mul3A_0, %add3A_44 : i32
      "tpu.region"() ({
        %run_scoped3A = tpu.sem_alloc : memref<!tpu.dma_semaphore, #tpu.memory_space<semaphore_mem>>
        %dma_start3A_77 = arith.constant 0 : i32
        %dma_start3A_78 = tpu.memref_slice %arg6[%add3A_45, %dma_start3A_77] : memref<6144x768xf32, #tpu.memory_space<hbm>> -> memref<64x768xf32, #tpu.memory_space<hbm>>
        %dma_start3A_79 = arith.constant 0 : i32
        %dma_start3A_80 = tpu.memref_slice %arg6[%add3A_45, %dma_start3A_79] : memref<6144x768xf32, #tpu.memory_space<hbm>> -> memref<64x768xf32, #tpu.memory_space<hbm>>
        tpu.enqueue_dma source(%arg9 : memref<64x768xf32, #tpu.memory_space<vmem>>) target(%dma_start3A_80 : memref<64x768xf32, #tpu.memory_space<hbm>>) target_semaphore(%run_scoped3A : memref<!tpu.dma_semaphore, #tpu.memory_space<semaphore_mem>>)
        %dma_wait3A_81 = arith.constant 0 : i32
        %dma_wait3A_82 = tpu.memref_slice %arg6[%add3A_45, %dma_wait3A_81] : memref<6144x768xf32, #tpu.memory_space<hbm>> -> memref<64x768xf32, #tpu.memory_space<hbm>>
        %dma_wait3A_83 = arith.constant 0 : i32
        %dma_wait3A_84 = tpu.memref_slice %arg6[%add3A_45, %dma_wait3A_83] : memref<6144x768xf32, #tpu.memory_space<hbm>> -> memref<64x768xf32, #tpu.memory_space<hbm>>
        tpu.wait_dma2 semaphore(%run_scoped3A : memref<!tpu.dma_semaphore, #tpu.memory_space<semaphore_mem>>) src(%arg9 : memref<64x768xf32, #tpu.memory_space<vmem>>) dst(%dma_wait3A_84 : memref<64x768xf32, #tpu.memory_space<hbm>>)
        tpu.yield
      }) : () -> ()
      %dma_start3A_46 = arith.constant 256 : i32
      %dma_start3A_47 = tpu.memref_slice %arg8[%dma_start3A_46] : memref<384xi32, #tpu.memory_space<vmem>> -> memref<64xi32, #tpu.memory_space<vmem>>
      %dma_start3A_48 = arith.constant 0 : i32
      %dma_start3A_49 = arith.constant 0 : i32
      %dma_start3A_50 = tpu.memref_slice %arg2[%dma_start3A_48, %dma_start3A_49] : memref<7040x768xf32, #tpu.memory_space<hbm>> -> memref<7040x768xf32, #tpu.memory_space<hbm>>
      tpu.enqueue_indirect_dma source(%dma_start3A_50 : memref<7040x768xf32, #tpu.memory_space<hbm>>) target(%arg9 : memref<64x768xf32, #tpu.memory_space<vmem>>) offsets(%dma_start3A_47 : memref<64xi32, #tpu.memory_space<vmem>>) semaphore(%arg11 : memref<!tpu.dma_semaphore, #tpu.memory_space<semaphore_mem>>)
      %dma_wait3A_51 = arith.constant 192 : i32
      %dma_wait3A_52 = tpu.memref_slice %arg8[%dma_wait3A_51] : memref<384xi32, #tpu.memory_space<vmem>> -> memref<64xi32, #tpu.memory_space<vmem>>
      %dma_wait3A_53 = arith.constant 0 : i32
      %dma_wait3A_54 = arith.constant 0 : i32
      %dma_wait3A_55 = tpu.memref_slice %arg2[%dma_wait3A_53, %dma_wait3A_54] : memref<7040x768xf32, #tpu.memory_space<hbm>> -> memref<7040x768xf32, #tpu.memory_space<hbm>>
      tpu.wait_indirect_dma semaphore(%arg12 : memref<!tpu.dma_semaphore, #tpu.memory_space<semaphore_mem>>) src(%dma_wait3A_55 : memref<7040x768xf32, #tpu.memory_space<hbm>>) dst(%arg10 : memref<64x768xf32, #tpu.memory_space<vmem>>)
      %add3A_56 = arith.constant 192 : i32
      %add3A_57 = arith.addi %mul3A_0, %add3A_56 : i32
      "tpu.region"() ({
        %run_scoped3A = tpu.sem_alloc : memref<!tpu.dma_semaphore, #tpu.memory_space<semaphore_mem>>
        %dma_start3A_77 = arith.constant 0 : i32
        %dma_start3A_78 = tpu.memref_slice %arg6[%add3A_57, %dma_start3A_77] : memref<6144x768xf32, #tpu.memory_space<hbm>> -> memref<64x768xf32, #tpu.memory_space<hbm>>
        %dma_start3A_79 = arith.constant 0 : i32
        %dma_start3A_80 = tpu.memref_slice %arg6[%add3A_57, %dma_start3A_79] : memref<6144x768xf32, #tpu.memory_space<hbm>> -> memref<64x768xf32, #tpu.memory_space<hbm>>
        tpu.enqueue_dma source(%arg10 : memref<64x768xf32, #tpu.memory_space<vmem>>) target(%dma_start3A_80 : memref<64x768xf32, #tpu.memory_space<hbm>>) target_semaphore(%run_scoped3A : memref<!tpu.dma_semaphore, #tpu.memory_space<semaphore_mem>>)
        %dma_wait3A_81 = arith.constant 0 : i32
        %dma_wait3A_82 = tpu.memref_slice %arg6[%add3A_57, %dma_wait3A_81] : memref<6144x768xf32, #tpu.memory_space<hbm>> -> memref<64x768xf32, #tpu.memory_space<hbm>>
        %dma_wait3A_83 = arith.constant 0 : i32
        %dma_wait3A_84 = tpu.memref_slice %arg6[%add3A_57, %dma_wait3A_83] : memref<6144x768xf32, #tpu.memory_space<hbm>> -> memref<64x768xf32, #tpu.memory_space<hbm>>
        tpu.wait_dma2 semaphore(%run_scoped3A : memref<!tpu.dma_semaphore, #tpu.memory_space<semaphore_mem>>) src(%arg10 : memref<64x768xf32, #tpu.memory_space<vmem>>) dst(%dma_wait3A_84 : memref<64x768xf32, #tpu.memory_space<hbm>>)
        tpu.yield
      }) : () -> ()
      %dma_start3A_58 = arith.constant 320 : i32
      %dma_start3A_59 = tpu.memref_slice %arg8[%dma_start3A_58] : memref<384xi32, #tpu.memory_space<vmem>> -> memref<64xi32, #tpu.memory_space<vmem>>
      %dma_start3A_60 = arith.constant 0 : i32
      %dma_start3A_61 = arith.constant 0 : i32
      %dma_start3A_62 = tpu.memref_slice %arg2[%dma_start3A_60, %dma_start3A_61] : memref<7040x768xf32, #tpu.memory_space<hbm>> -> memref<7040x768xf32, #tpu.memory_space<hbm>>
      tpu.enqueue_indirect_dma source(%dma_start3A_62 : memref<7040x768xf32, #tpu.memory_space<hbm>>) target(%arg10 : memref<64x768xf32, #tpu.memory_space<vmem>>) offsets(%dma_start3A_59 : memref<64xi32, #tpu.memory_space<vmem>>) semaphore(%arg12 : memref<!tpu.dma_semaphore, #tpu.memory_space<semaphore_mem>>)
      %dma_wait3A_63 = arith.constant 256 : i32
      %dma_wait3A_64 = tpu.memref_slice %arg8[%dma_wait3A_63] : memref<384xi32, #tpu.memory_space<vmem>> -> memref<64xi32, #tpu.memory_space<vmem>>
      %dma_wait3A_65 = arith.constant 0 : i32
      %dma_wait3A_66 = arith.constant 0 : i32
      %dma_wait3A_67 = tpu.memref_slice %arg2[%dma_wait3A_65, %dma_wait3A_66] : memref<7040x768xf32, #tpu.memory_space<hbm>> -> memref<7040x768xf32, #tpu.memory_space<hbm>>
      tpu.wait_indirect_dma semaphore(%arg11 : memref<!tpu.dma_semaphore, #tpu.memory_space<semaphore_mem>>) src(%dma_wait3A_67 : memref<7040x768xf32, #tpu.memory_space<hbm>>) dst(%arg9 : memref<64x768xf32, #tpu.memory_space<vmem>>)
      %add3A_68 = arith.constant 256 : i32
      %add3A_69 = arith.addi %mul3A_0, %add3A_68 : i32
      "tpu.region"() ({
        %run_scoped3A = tpu.sem_alloc : memref<!tpu.dma_semaphore, #tpu.memory_space<semaphore_mem>>
        %dma_start3A_77 = arith.constant 0 : i32
        %dma_start3A_78 = tpu.memref_slice %arg6[%add3A_69, %dma_start3A_77] : memref<6144x768xf32, #tpu.memory_space<hbm>> -> memref<64x768xf32, #tpu.memory_space<hbm>>
        %dma_start3A_79 = arith.constant 0 : i32
        %dma_start3A_80 = tpu.memref_slice %arg6[%add3A_69, %dma_start3A_79] : memref<6144x768xf32, #tpu.memory_space<hbm>> -> memref<64x768xf32, #tpu.memory_space<hbm>>
        tpu.enqueue_dma source(%arg9 : memref<64x768xf32, #tpu.memory_space<vmem>>) target(%dma_start3A_80 : memref<64x768xf32, #tpu.memory_space<hbm>>) target_semaphore(%run_scoped3A : memref<!tpu.dma_semaphore, #tpu.memory_space<semaphore_mem>>)
        %dma_wait3A_81 = arith.constant 0 : i32
        %dma_wait3A_82 = tpu.memref_slice %arg6[%add3A_69, %dma_wait3A_81] : memref<6144x768xf32, #tpu.memory_space<hbm>> -> memref<64x768xf32, #tpu.memory_space<hbm>>
        %dma_wait3A_83 = arith.constant 0 : i32
        %dma_wait3A_84 = tpu.memref_slice %arg6[%add3A_69, %dma_wait3A_83] : memref<6144x768xf32, #tpu.memory_space<hbm>> -> memref<64x768xf32, #tpu.memory_space<hbm>>
        tpu.wait_dma2 semaphore(%run_scoped3A : memref<!tpu.dma_semaphore, #tpu.memory_space<semaphore_mem>>) src(%arg9 : memref<64x768xf32, #tpu.memory_space<vmem>>) dst(%dma_wait3A_84 : memref<64x768xf32, #tpu.memory_space<hbm>>)
        tpu.yield
      }) : () -> ()
      %dma_wait3A_70 = arith.constant 320 : i32
      %dma_wait3A_71 = tpu.memref_slice %arg8[%dma_wait3A_70] : memref<384xi32, #tpu.memory_space<vmem>> -> memref<64xi32, #tpu.memory_space<vmem>>
      %dma_wait3A_72 = arith.constant 0 : i32
      %dma_wait3A_73 = arith.constant 0 : i32
      %dma_wait3A_74 = tpu.memref_slice %arg2[%dma_wait3A_72, %dma_wait3A_73] : memref<7040x768xf32, #tpu.memory_space<hbm>> -> memref<7040x768xf32, #tpu.memory_space<hbm>>
      tpu.wait_indirect_dma semaphore(%arg12 : memref<!tpu.dma_semaphore, #tpu.memory_space<semaphore_mem>>) src(%dma_wait3A_74 : memref<7040x768xf32, #tpu.memory_space<hbm>>) dst(%arg10 : memref<64x768xf32, #tpu.memory_space<vmem>>)
      %add3A_75 = arith.constant 320 : i32
      %add3A_76 = arith.addi %mul3A_0, %add3A_75 : i32
      "tpu.region"() ({
        %run_scoped3A = tpu.sem_alloc : memref<!tpu.dma_semaphore, #tpu.memory_space<semaphore_mem>>
        %dma_start3A_77 = arith.constant 0 : i32
        %dma_start3A_78 = tpu.memref_slice %arg6[%add3A_76, %dma_start3A_77] : memref<6144x768xf32, #tpu.memory_space<hbm>> -> memref<64x768xf32, #tpu.memory_space<hbm>>
        %dma_start3A_79 = arith.constant 0 : i32
        %dma_start3A_80 = tpu.memref_slice %arg6[%add3A_76, %dma_start3A_79] : memref<6144x768xf32, #tpu.memory_space<hbm>> -> memref<64x768xf32, #tpu.memory_space<hbm>>
        tpu.enqueue_dma source(%arg10 : memref<64x768xf32, #tpu.memory_space<vmem>>) target(%dma_start3A_80 : memref<64x768xf32, #tpu.memory_space<hbm>>) target_semaphore(%run_scoped3A : memref<!tpu.dma_semaphore, #tpu.memory_space<semaphore_mem>>)
        %dma_wait3A_81 = arith.constant 0 : i32
        %dma_wait3A_82 = tpu.memref_slice %arg6[%add3A_76, %dma_wait3A_81] : memref<6144x768xf32, #tpu.memory_space<hbm>> -> memref<64x768xf32, #tpu.memory_space<hbm>>
        %dma_wait3A_83 = arith.constant 0 : i32
        %dma_wait3A_84 = tpu.memref_slice %arg6[%add3A_76, %dma_wait3A_83] : memref<6144x768xf32, #tpu.memory_space<hbm>> -> memref<64x768xf32, #tpu.memory_space<hbm>>
        tpu.wait_dma2 semaphore(%run_scoped3A : memref<!tpu.dma_semaphore, #tpu.memory_space<semaphore_mem>>) src(%arg10 : memref<64x768xf32, #tpu.memory_space<vmem>>) dst(%dma_wait3A_84 : memref<64x768xf32, #tpu.memory_space<hbm>>)
        tpu.yield
      }) : () -> ()
    } else {
    }
    %eq3A_3 = arith.constant 1 : i32
    %eq3A_4 = arith.cmpi eq, %arg0, %eq3A_3 : i32
    %convert_element_type3A_5 = arith.extui %eq3A_4 : i1 to i32
    %cond3A_6 = arith.constant 0 : i32
    %cond3A_7 = arith.cmpi ne, %convert_element_type3A_5, %cond3A_6 : i32
    scf.if %cond3A_7 {
      "tpu.region"() ({
        %run_scoped3A = tpu.sem_alloc : memref<!tpu.dma_semaphore, #tpu.memory_space<semaphore_mem>>
        %dma_start3A_77 = tpu.memref_slice %arg5[%mul3A_0] : memref<6144xi32, #tpu.memory_space<hbm>> -> memref<384xi32, #tpu.memory_space<hbm>>
        %dma_start3A_78 = tpu.memref_slice %arg5[%mul3A_0] : memref<6144xi32, #tpu.memory_space<hbm>> -> memref<384xi32, #tpu.memory_space<hbm>>
        tpu.enqueue_dma source(%dma_start3A_78 : memref<384xi32, #tpu.memory_space<hbm>>) target(%arg8 : memref<384xi32, #tpu.memory_space<vmem>>) target_semaphore(%run_scoped3A : memref<!tpu.dma_semaphore, #tpu.memory_space<semaphore_mem>>)
        %dma_wait3A_79 = tpu.memref_slice %arg5[%mul3A_0] : memref<6144xi32, #tpu.memory_space<hbm>> -> memref<384xi32, #tpu.memory_space<hbm>>
        %dma_wait3A_80 = tpu.memref_slice %arg5[%mul3A_0] : memref<6144xi32, #tpu.memory_space<hbm>> -> memref<384xi32, #tpu.memory_space<hbm>>
        tpu.wait_dma2 semaphore(%run_scoped3A : memref<!tpu.dma_semaphore, #tpu.memory_space<semaphore_mem>>) src(%dma_wait3A_80 : memref<384xi32, #tpu.memory_space<hbm>>) dst(%arg8 : memref<384xi32, #tpu.memory_space<vmem>>)
        tpu.yield
      }) : () -> ()
      %dma_start3A = arith.constant 0 : i32
      %dma_start3A_8 = tpu.memref_slice %arg8[%dma_start3A] : memref<384xi32, #tpu.memory_space<vmem>> -> memref<64xi32, #tpu.memory_space<vmem>>
      %dma_start3A_9 = arith.constant 0 : i32
      %dma_start3A_10 = arith.constant 0 : i32
      %dma_start3A_11 = tpu.memref_slice %arg3[%dma_start3A_9, %dma_start3A_10] : memref<7040x768xf32, #tpu.memory_space<hbm>> -> memref<7040x768xf32, #tpu.memory_space<hbm>>
      tpu.enqueue_indirect_dma source(%dma_start3A_11 : memref<7040x768xf32, #tpu.memory_space<hbm>>) target(%arg9 : memref<64x768xf32, #tpu.memory_space<vmem>>) offsets(%dma_start3A_8 : memref<64xi32, #tpu.memory_space<vmem>>) semaphore(%arg11 : memref<!tpu.dma_semaphore, #tpu.memory_space<semaphore_mem>>)
      %dma_start3A_12 = arith.constant 64 : i32
      %dma_start3A_13 = tpu.memref_slice %arg8[%dma_start3A_12] : memref<384xi32, #tpu.memory_space<vmem>> -> memref<64xi32, #tpu.memory_space<vmem>>
      %dma_start3A_14 = arith.constant 0 : i32
      %dma_start3A_15 = arith.constant 0 : i32
      %dma_start3A_16 = tpu.memref_slice %arg3[%dma_start3A_14, %dma_start3A_15] : memref<7040x768xf32, #tpu.memory_space<hbm>> -> memref<7040x768xf32, #tpu.memory_space<hbm>>
      tpu.enqueue_indirect_dma source(%dma_start3A_16 : memref<7040x768xf32, #tpu.memory_space<hbm>>) target(%arg10 : memref<64x768xf32, #tpu.memory_space<vmem>>) offsets(%dma_start3A_13 : memref<64xi32, #tpu.memory_space<vmem>>) semaphore(%arg12 : memref<!tpu.dma_semaphore, #tpu.memory_space<semaphore_mem>>)
      %dma_wait3A = arith.constant 0 : i32
      %dma_wait3A_17 = tpu.memref_slice %arg8[%dma_wait3A] : memref<384xi32, #tpu.memory_space<vmem>> -> memref<64xi32, #tpu.memory_space<vmem>>
      %dma_wait3A_18 = arith.constant 0 : i32
      %dma_wait3A_19 = arith.constant 0 : i32
      %dma_wait3A_20 = tpu.memref_slice %arg3[%dma_wait3A_18, %dma_wait3A_19] : memref<7040x768xf32, #tpu.memory_space<hbm>> -> memref<7040x768xf32, #tpu.memory_space<hbm>>
      tpu.wait_indirect_dma semaphore(%arg11 : memref<!tpu.dma_semaphore, #tpu.memory_space<semaphore_mem>>) src(%dma_wait3A_20 : memref<7040x768xf32, #tpu.memory_space<hbm>>) dst(%arg9 : memref<64x768xf32, #tpu.memory_space<vmem>>)
      %add3A = arith.constant 0 : i32
      %add3A_21 = arith.addi %mul3A_0, %add3A : i32
      "tpu.region"() ({
        %run_scoped3A = tpu.sem_alloc : memref<!tpu.dma_semaphore, #tpu.memory_space<semaphore_mem>>
        %dma_start3A_77 = arith.constant 0 : i32
        %dma_start3A_78 = tpu.memref_slice %arg7[%add3A_21, %dma_start3A_77] : memref<6144x768xf32, #tpu.memory_space<hbm>> -> memref<64x768xf32, #tpu.memory_space<hbm>>
        %dma_start3A_79 = arith.constant 0 : i32
        %dma_start3A_80 = tpu.memref_slice %arg7[%add3A_21, %dma_start3A_79] : memref<6144x768xf32, #tpu.memory_space<hbm>> -> memref<64x768xf32, #tpu.memory_space<hbm>>
        tpu.enqueue_dma source(%arg9 : memref<64x768xf32, #tpu.memory_space<vmem>>) target(%dma_start3A_80 : memref<64x768xf32, #tpu.memory_space<hbm>>) target_semaphore(%run_scoped3A : memref<!tpu.dma_semaphore, #tpu.memory_space<semaphore_mem>>)
        %dma_wait3A_81 = arith.constant 0 : i32
        %dma_wait3A_82 = tpu.memref_slice %arg7[%add3A_21, %dma_wait3A_81] : memref<6144x768xf32, #tpu.memory_space<hbm>> -> memref<64x768xf32, #tpu.memory_space<hbm>>
        %dma_wait3A_83 = arith.constant 0 : i32
        %dma_wait3A_84 = tpu.memref_slice %arg7[%add3A_21, %dma_wait3A_83] : memref<6144x768xf32, #tpu.memory_space<hbm>> -> memref<64x768xf32, #tpu.memory_space<hbm>>
        tpu.wait_dma2 semaphore(%run_scoped3A : memref<!tpu.dma_semaphore, #tpu.memory_space<semaphore_mem>>) src(%arg9 : memref<64x768xf32, #tpu.memory_space<vmem>>) dst(%dma_wait3A_84 : memref<64x768xf32, #tpu.memory_space<hbm>>)
        tpu.yield
      }) : () -> ()
      %dma_start3A_22 = arith.constant 128 : i32
      %dma_start3A_23 = tpu.memref_slice %arg8[%dma_start3A_22] : memref<384xi32, #tpu.memory_space<vmem>> -> memref<64xi32, #tpu.memory_space<vmem>>
      %dma_start3A_24 = arith.constant 0 : i32
      %dma_start3A_25 = arith.constant 0 : i32
      %dma_start3A_26 = tpu.memref_slice %arg3[%dma_start3A_24, %dma_start3A_25] : memref<7040x768xf32, #tpu.memory_space<hbm>> -> memref<7040x768xf32, #tpu.memory_space<hbm>>
      tpu.enqueue_indirect_dma source(%dma_start3A_26 : memref<7040x768xf32, #tpu.memory_space<hbm>>) target(%arg9 : memref<64x768xf32, #tpu.memory_space<vmem>>) offsets(%dma_start3A_23 : memref<64xi32, #tpu.memory_space<vmem>>) semaphore(%arg11 : memref<!tpu.dma_semaphore, #tpu.memory_space<semaphore_mem>>)
      %dma_wait3A_27 = arith.constant 64 : i32
      %dma_wait3A_28 = tpu.memref_slice %arg8[%dma_wait3A_27] : memref<384xi32, #tpu.memory_space<vmem>> -> memref<64xi32, #tpu.memory_space<vmem>>
      %dma_wait3A_29 = arith.constant 0 : i32
      %dma_wait3A_30 = arith.constant 0 : i32
      %dma_wait3A_31 = tpu.memref_slice %arg3[%dma_wait3A_29, %dma_wait3A_30] : memref<7040x768xf32, #tpu.memory_space<hbm>> -> memref<7040x768xf32, #tpu.memory_space<hbm>>
      tpu.wait_indirect_dma semaphore(%arg12 : memref<!tpu.dma_semaphore, #tpu.memory_space<semaphore_mem>>) src(%dma_wait3A_31 : memref<7040x768xf32, #tpu.memory_space<hbm>>) dst(%arg10 : memref<64x768xf32, #tpu.memory_space<vmem>>)
      %add3A_32 = arith.constant 64 : i32
      %add3A_33 = arith.addi %mul3A_0, %add3A_32 : i32
      "tpu.region"() ({
        %run_scoped3A = tpu.sem_alloc : memref<!tpu.dma_semaphore, #tpu.memory_space<semaphore_mem>>
        %dma_start3A_77 = arith.constant 0 : i32
        %dma_start3A_78 = tpu.memref_slice %arg7[%add3A_33, %dma_start3A_77] : memref<6144x768xf32, #tpu.memory_space<hbm>> -> memref<64x768xf32, #tpu.memory_space<hbm>>
        %dma_start3A_79 = arith.constant 0 : i32
        %dma_start3A_80 = tpu.memref_slice %arg7[%add3A_33, %dma_start3A_79] : memref<6144x768xf32, #tpu.memory_space<hbm>> -> memref<64x768xf32, #tpu.memory_space<hbm>>
        tpu.enqueue_dma source(%arg10 : memref<64x768xf32, #tpu.memory_space<vmem>>) target(%dma_start3A_80 : memref<64x768xf32, #tpu.memory_space<hbm>>) target_semaphore(%run_scoped3A : memref<!tpu.dma_semaphore, #tpu.memory_space<semaphore_mem>>)
        %dma_wait3A_81 = arith.constant 0 : i32
        %dma_wait3A_82 = tpu.memref_slice %arg7[%add3A_33, %dma_wait3A_81] : memref<6144x768xf32, #tpu.memory_space<hbm>> -> memref<64x768xf32, #tpu.memory_space<hbm>>
        %dma_wait3A_83 = arith.constant 0 : i32
        %dma_wait3A_84 = tpu.memref_slice %arg7[%add3A_33, %dma_wait3A_83] : memref<6144x768xf32, #tpu.memory_space<hbm>> -> memref<64x768xf32, #tpu.memory_space<hbm>>
        tpu.wait_dma2 semaphore(%run_scoped3A : memref<!tpu.dma_semaphore, #tpu.memory_space<semaphore_mem>>) src(%arg10 : memref<64x768xf32, #tpu.memory_space<vmem>>) dst(%dma_wait3A_84 : memref<64x768xf32, #tpu.memory_space<hbm>>)
        tpu.yield
      }) : () -> ()
      %dma_start3A_34 = arith.constant 192 : i32
      %dma_start3A_35 = tpu.memref_slice %arg8[%dma_start3A_34] : memref<384xi32, #tpu.memory_space<vmem>> -> memref<64xi32, #tpu.memory_space<vmem>>
      %dma_start3A_36 = arith.constant 0 : i32
      %dma_start3A_37 = arith.constant 0 : i32
      %dma_start3A_38 = tpu.memref_slice %arg3[%dma_start3A_36, %dma_start3A_37] : memref<7040x768xf32, #tpu.memory_space<hbm>> -> memref<7040x768xf32, #tpu.memory_space<hbm>>
      tpu.enqueue_indirect_dma source(%dma_start3A_38 : memref<7040x768xf32, #tpu.memory_space<hbm>>) target(%arg10 : memref<64x768xf32, #tpu.memory_space<vmem>>) offsets(%dma_start3A_35 : memref<64xi32, #tpu.memory_space<vmem>>) semaphore(%arg12 : memref<!tpu.dma_semaphore, #tpu.memory_space<semaphore_mem>>)
      %dma_wait3A_39 = arith.constant 128 : i32
      %dma_wait3A_40 = tpu.memref_slice %arg8[%dma_wait3A_39] : memref<384xi32, #tpu.memory_space<vmem>> -> memref<64xi32, #tpu.memory_space<vmem>>
      %dma_wait3A_41 = arith.constant 0 : i32
      %dma_wait3A_42 = arith.constant 0 : i32
      %dma_wait3A_43 = tpu.memref_slice %arg3[%dma_wait3A_41, %dma_wait3A_42] : memref<7040x768xf32, #tpu.memory_space<hbm>> -> memref<7040x768xf32, #tpu.memory_space<hbm>>
      tpu.wait_indirect_dma semaphore(%arg11 : memref<!tpu.dma_semaphore, #tpu.memory_space<semaphore_mem>>) src(%dma_wait3A_43 : memref<7040x768xf32, #tpu.memory_space<hbm>>) dst(%arg9 : memref<64x768xf32, #tpu.memory_space<vmem>>)
      %add3A_44 = arith.constant 128 : i32
      %add3A_45 = arith.addi %mul3A_0, %add3A_44 : i32
      "tpu.region"() ({
        %run_scoped3A = tpu.sem_alloc : memref<!tpu.dma_semaphore, #tpu.memory_space<semaphore_mem>>
        %dma_start3A_77 = arith.constant 0 : i32
        %dma_start3A_78 = tpu.memref_slice %arg7[%add3A_45, %dma_start3A_77] : memref<6144x768xf32, #tpu.memory_space<hbm>> -> memref<64x768xf32, #tpu.memory_space<hbm>>
        %dma_start3A_79 = arith.constant 0 : i32
        %dma_start3A_80 = tpu.memref_slice %arg7[%add3A_45, %dma_start3A_79] : memref<6144x768xf32, #tpu.memory_space<hbm>> -> memref<64x768xf32, #tpu.memory_space<hbm>>
        tpu.enqueue_dma source(%arg9 : memref<64x768xf32, #tpu.memory_space<vmem>>) target(%dma_start3A_80 : memref<64x768xf32, #tpu.memory_space<hbm>>) target_semaphore(%run_scoped3A : memref<!tpu.dma_semaphore, #tpu.memory_space<semaphore_mem>>)
        %dma_wait3A_81 = arith.constant 0 : i32
        %dma_wait3A_82 = tpu.memref_slice %arg7[%add3A_45, %dma_wait3A_81] : memref<6144x768xf32, #tpu.memory_space<hbm>> -> memref<64x768xf32, #tpu.memory_space<hbm>>
        %dma_wait3A_83 = arith.constant 0 : i32
        %dma_wait3A_84 = tpu.memref_slice %arg7[%add3A_45, %dma_wait3A_83] : memref<6144x768xf32, #tpu.memory_space<hbm>> -> memref<64x768xf32, #tpu.memory_space<hbm>>
        tpu.wait_dma2 semaphore(%run_scoped3A : memref<!tpu.dma_semaphore, #tpu.memory_space<semaphore_mem>>) src(%arg9 : memref<64x768xf32, #tpu.memory_space<vmem>>) dst(%dma_wait3A_84 : memref<64x768xf32, #tpu.memory_space<hbm>>)
        tpu.yield
      }) : () -> ()
      %dma_start3A_46 = arith.constant 256 : i32
      %dma_start3A_47 = tpu.memref_slice %arg8[%dma_start3A_46] : memref<384xi32, #tpu.memory_space<vmem>> -> memref<64xi32, #tpu.memory_space<vmem>>
      %dma_start3A_48 = arith.constant 0 : i32
      %dma_start3A_49 = arith.constant 0 : i32
      %dma_start3A_50 = tpu.memref_slice %arg3[%dma_start3A_48, %dma_start3A_49] : memref<7040x768xf32, #tpu.memory_space<hbm>> -> memref<7040x768xf32, #tpu.memory_space<hbm>>
      tpu.enqueue_indirect_dma source(%dma_start3A_50 : memref<7040x768xf32, #tpu.memory_space<hbm>>) target(%arg9 : memref<64x768xf32, #tpu.memory_space<vmem>>) offsets(%dma_start3A_47 : memref<64xi32, #tpu.memory_space<vmem>>) semaphore(%arg11 : memref<!tpu.dma_semaphore, #tpu.memory_space<semaphore_mem>>)
      %dma_wait3A_51 = arith.constant 192 : i32
      %dma_wait3A_52 = tpu.memref_slice %arg8[%dma_wait3A_51] : memref<384xi32, #tpu.memory_space<vmem>> -> memref<64xi32, #tpu.memory_space<vmem>>
      %dma_wait3A_53 = arith.constant 0 : i32
      %dma_wait3A_54 = arith.constant 0 : i32
      %dma_wait3A_55 = tpu.memref_slice %arg3[%dma_wait3A_53, %dma_wait3A_54] : memref<7040x768xf32, #tpu.memory_space<hbm>> -> memref<7040x768xf32, #tpu.memory_space<hbm>>
      tpu.wait_indirect_dma semaphore(%arg12 : memref<!tpu.dma_semaphore, #tpu.memory_space<semaphore_mem>>) src(%dma_wait3A_55 : memref<7040x768xf32, #tpu.memory_space<hbm>>) dst(%arg10 : memref<64x768xf32, #tpu.memory_space<vmem>>)
      %add3A_56 = arith.constant 192 : i32
      %add3A_57 = arith.addi %mul3A_0, %add3A_56 : i32
      "tpu.region"() ({
        %run_scoped3A = tpu.sem_alloc : memref<!tpu.dma_semaphore, #tpu.memory_space<semaphore_mem>>
        %dma_start3A_77 = arith.constant 0 : i32
        %dma_start3A_78 = tpu.memref_slice %arg7[%add3A_57, %dma_start3A_77] : memref<6144x768xf32, #tpu.memory_space<hbm>> -> memref<64x768xf32, #tpu.memory_space<hbm>>
        %dma_start3A_79 = arith.constant 0 : i32
        %dma_start3A_80 = tpu.memref_slice %arg7[%add3A_57, %dma_start3A_79] : memref<6144x768xf32, #tpu.memory_space<hbm>> -> memref<64x768xf32, #tpu.memory_space<hbm>>
        tpu.enqueue_dma source(%arg10 : memref<64x768xf32, #tpu.memory_space<vmem>>) target(%dma_start3A_80 : memref<64x768xf32, #tpu.memory_space<hbm>>) target_semaphore(%run_scoped3A : memref<!tpu.dma_semaphore, #tpu.memory_space<semaphore_mem>>)
        %dma_wait3A_81 = arith.constant 0 : i32
        %dma_wait3A_82 = tpu.memref_slice %arg7[%add3A_57, %dma_wait3A_81] : memref<6144x768xf32, #tpu.memory_space<hbm>> -> memref<64x768xf32, #tpu.memory_space<hbm>>
        %dma_wait3A_83 = arith.constant 0 : i32
        %dma_wait3A_84 = tpu.memref_slice %arg7[%add3A_57, %dma_wait3A_83] : memref<6144x768xf32, #tpu.memory_space<hbm>> -> memref<64x768xf32, #tpu.memory_space<hbm>>
        tpu.wait_dma2 semaphore(%run_scoped3A : memref<!tpu.dma_semaphore, #tpu.memory_space<semaphore_mem>>) src(%arg10 : memref<64x768xf32, #tpu.memory_space<vmem>>) dst(%dma_wait3A_84 : memref<64x768xf32, #tpu.memory_space<hbm>>)
        tpu.yield
      }) : () -> ()
      %dma_start3A_58 = arith.constant 320 : i32
      %dma_start3A_59 = tpu.memref_slice %arg8[%dma_start3A_58] : memref<384xi32, #tpu.memory_space<vmem>> -> memref<64xi32, #tpu.memory_space<vmem>>
      %dma_start3A_60 = arith.constant 0 : i32
      %dma_start3A_61 = arith.constant 0 : i32
      %dma_start3A_62 = tpu.memref_slice %arg3[%dma_start3A_60, %dma_start3A_61] : memref<7040x768xf32, #tpu.memory_space<hbm>> -> memref<7040x768xf32, #tpu.memory_space<hbm>>
      tpu.enqueue_indirect_dma source(%dma_start3A_62 : memref<7040x768xf32, #tpu.memory_space<hbm>>) target(%arg10 : memref<64x768xf32, #tpu.memory_space<vmem>>) offsets(%dma_start3A_59 : memref<64xi32, #tpu.memory_space<vmem>>) semaphore(%arg12 : memref<!tpu.dma_semaphore, #tpu.memory_space<semaphore_mem>>)
      %dma_wait3A_63 = arith.constant 256 : i32
      %dma_wait3A_64 = tpu.memref_slice %arg8[%dma_wait3A_63] : memref<384xi32, #tpu.memory_space<vmem>> -> memref<64xi32, #tpu.memory_space<vmem>>
      %dma_wait3A_65 = arith.constant 0 : i32
      %dma_wait3A_66 = arith.constant 0 : i32
      %dma_wait3A_67 = tpu.memref_slice %arg3[%dma_wait3A_65, %dma_wait3A_66] : memref<7040x768xf32, #tpu.memory_space<hbm>> -> memref<7040x768xf32, #tpu.memory_space<hbm>>
      tpu.wait_indirect_dma semaphore(%arg11 : memref<!tpu.dma_semaphore, #tpu.memory_space<semaphore_mem>>) src(%dma_wait3A_67 : memref<7040x768xf32, #tpu.memory_space<hbm>>) dst(%arg9 : memref<64x768xf32, #tpu.memory_space<vmem>>)
      %add3A_68 = arith.constant 256 : i32
      %add3A_69 = arith.addi %mul3A_0, %add3A_68 : i32
      "tpu.region"() ({
        %run_scoped3A = tpu.sem_alloc : memref<!tpu.dma_semaphore, #tpu.memory_space<semaphore_mem>>
        %dma_start3A_77 = arith.constant 0 : i32
        %dma_start3A_78 = tpu.memref_slice %arg7[%add3A_69, %dma_start3A_77] : memref<6144x768xf32, #tpu.memory_space<hbm>> -> memref<64x768xf32, #tpu.memory_space<hbm>>
        %dma_start3A_79 = arith.constant 0 : i32
        %dma_start3A_80 = tpu.memref_slice %arg7[%add3A_69, %dma_start3A_79] : memref<6144x768xf32, #tpu.memory_space<hbm>> -> memref<64x768xf32, #tpu.memory_space<hbm>>
        tpu.enqueue_dma source(%arg9 : memref<64x768xf32, #tpu.memory_space<vmem>>) target(%dma_start3A_80 : memref<64x768xf32, #tpu.memory_space<hbm>>) target_semaphore(%run_scoped3A : memref<!tpu.dma_semaphore, #tpu.memory_space<semaphore_mem>>)
        %dma_wait3A_81 = arith.constant 0 : i32
        %dma_wait3A_82 = tpu.memref_slice %arg7[%add3A_69, %dma_wait3A_81] : memref<6144x768xf32, #tpu.memory_space<hbm>> -> memref<64x768xf32, #tpu.memory_space<hbm>>
        %dma_wait3A_83 = arith.constant 0 : i32
        %dma_wait3A_84 = tpu.memref_slice %arg7[%add3A_69, %dma_wait3A_83] : memref<6144x768xf32, #tpu.memory_space<hbm>> -> memref<64x768xf32, #tpu.memory_space<hbm>>
        tpu.wait_dma2 semaphore(%run_scoped3A : memref<!tpu.dma_semaphore, #tpu.memory_space<semaphore_mem>>) src(%arg9 : memref<64x768xf32, #tpu.memory_space<vmem>>) dst(%dma_wait3A_84 : memref<64x768xf32, #tpu.memory_space<hbm>>)
        tpu.yield
      }) : () -> ()
      %dma_wait3A_70 = arith.constant 320 : i32
      %dma_wait3A_71 = tpu.memref_slice %arg8[%dma_wait3A_70] : memref<384xi32, #tpu.memory_space<vmem>> -> memref<64xi32, #tpu.memory_space<vmem>>
      %dma_wait3A_72 = arith.constant 0 : i32
      %dma_wait3A_73 = arith.constant 0 : i32
      %dma_wait3A_74 = tpu.memref_slice %arg3[%dma_wait3A_72, %dma_wait3A_73] : memref<7040x768xf32, #tpu.memory_space<hbm>> -> memref<7040x768xf32, #tpu.memory_space<hbm>>
      tpu.wait_indirect_dma semaphore(%arg12 : memref<!tpu.dma_semaphore, #tpu.memory_space<semaphore_mem>>) src(%dma_wait3A_74 : memref<7040x768xf32, #tpu.memory_space<hbm>>) dst(%arg10 : memref<64x768xf32, #tpu.memory_space<vmem>>)
      %add3A_75 = arith.constant 320 : i32
      %add3A_76 = arith.addi %mul3A_0, %add3A_75 : i32
      "tpu.region"() ({
        %run_scoped3A = tpu.sem_alloc : memref<!tpu.dma_semaphore, #tpu.memory_space<semaphore_mem>>
        %dma_start3A_77 = arith.constant 0 : i32
        %dma_start3A_78 = tpu.memref_slice %arg7[%add3A_76, %dma_start3A_77] : memref<6144x768xf32, #tpu.memory_space<hbm>> -> memref<64x768xf32, #tpu.memory_space<hbm>>
        %dma_start3A_79 = arith.constant 0 : i32
        %dma_start3A_80 = tpu.memref_slice %arg7[%add3A_76, %dma_start3A_79] : memref<6144x768xf32, #tpu.memory_space<hbm>> -> memref<64x768xf32, #tpu.memory_space<hbm>>
        tpu.enqueue_dma source(%arg10 : memref<64x768xf32, #tpu.memory_space<vmem>>) target(%dma_start3A_80 : memref<64x768xf32, #tpu.memory_space<hbm>>) target_semaphore(%run_scoped3A : memref<!tpu.dma_semaphore, #tpu.memory_space<semaphore_mem>>)
        %dma_wait3A_81 = arith.constant 0 : i32
        %dma_wait3A_82 = tpu.memref_slice %arg7[%add3A_76, %dma_wait3A_81] : memref<6144x768xf32, #tpu.memory_space<hbm>> -> memref<64x768xf32, #tpu.memory_space<hbm>>
        %dma_wait3A_83 = arith.constant 0 : i32
        %dma_wait3A_84 = tpu.memref_slice %arg7[%add3A_76, %dma_wait3A_83] : memref<6144x768xf32, #tpu.memory_space<hbm>> -> memref<64x768xf32, #tpu.memory_space<hbm>>
        tpu.wait_dma2 semaphore(%run_scoped3A : memref<!tpu.dma_semaphore, #tpu.memory_space<semaphore_mem>>) src(%arg10 : memref<64x768xf32, #tpu.memory_space<vmem>>) dst(%dma_wait3A_84 : memref<64x768xf32, #tpu.memory_space<hbm>>)
        tpu.yield
      }) : () -> ()
    } else {
    }
    return
  }
}

module attributes {stable_mosaic.version = 14 : i64} {
  func.func @body(%arg0: i32, %arg1: memref<512x768xbf16, #tpu.memory_space<vmem>>, %arg2: memref<768x768xbf16, #tpu.memory_space<vmem>>, %arg3: memref<1x768xf32, #tpu.memory_space<vmem>>, %arg4: memref<512x768xf32, #tpu.memory_space<vmem>>) attributes {dimension_semantics = [#tpu.dimension_semantics<arbitrary>], iteration_bounds = array<i64: 4>, scalar_prefetch = 0 : i64, scratch_operands = 0 : i64, tpu.core_type = #tpu.core_type<tc>, window_params = [{transform_indices = @transform_0, window_bounds = array<i64: 512, 768>}, {pipeline_mode = #tpu.pipeline_mode<synchronous>, transform_indices = @transform_1, window_bounds = array<i64: 768, 768>}, {pipeline_mode = #tpu.pipeline_mode<synchronous>, transform_indices = @transform_2, window_bounds = array<i64: 1, 768>}, {transform_indices = @transform_3, window_bounds = array<i64: 512, 768>}]} {
    %get3A = arith.constant 0 : index
    %get3A_0 = arith.constant 0 : index
    %get3A_1 = vector.load %arg1[%get3A, %get3A_0] : memref<512x768xbf16, #tpu.memory_space<vmem>>, vector<512x768xbf16>
    %get3A_2 = arith.constant 0 : index
    %get3A_3 = arith.constant 0 : index
    %get3A_4 = vector.load %arg2[%get3A_2, %get3A_3] : memref<768x768xbf16, #tpu.memory_space<vmem>>, vector<768x768xbf16>
    %dot_general3A = arith.constant dense<0.000000e+00> : vector<512x768xf32>
    %dot_general3A_5 = tpu.matmul %get3A_1, %get3A_4, %dot_general3A {dimension_numbers = #tpu.dot_dimension_numbers<[1], [0], [0], [1], [0, 0, 1, 1], [], []>, transpose_lhs_hint = false} : vector<512x768xbf16>, vector<768x768xbf16>, vector<512x768xf32> -> vector<512x768xf32>
    %get3A_6 = arith.constant 0 : index
    %get3A_7 = arith.constant 0 : index
    %get3A_8 = vector.load %arg3[%get3A_6, %get3A_7] : memref<1x768xf32, #tpu.memory_space<vmem>>, vector<1x768xf32>
    %add3A = vector.broadcast %get3A_8 : vector<1x768xf32> to vector<512x768xf32>
    %add3A_9 = arith.addf %dot_general3A_5, %add3A : vector<512x768xf32>
    %swap3A = arith.constant 0 : index
    %swap3A_10 = arith.constant 0 : index
    %swap3A_11 = vector.load %arg4[%swap3A, %swap3A_10] : memref<512x768xf32, #tpu.memory_space<vmem>>, vector<512x768xf32>
    tpu.vector_store %arg4[%swap3A, %swap3A_10], %add3A_9 {strides = array<i32>} : memref<512x768xf32, #tpu.memory_space<vmem>>, vector<512x768xf32>,
    return
  }
  func.func @transform_0(%arg0: i32) -> (i32, i32) {
    %c0_i32 = arith.constant 0 : i32
    %c0_i32_0 = arith.constant 0 : i32
    return %arg0, %c0_i32 : i32, i32
  }
  func.func @transform_1(%arg0: i32) -> (i32, i32) {
    %c0_i32 = arith.constant 0 : i32
    %c0_i32_0 = arith.constant 0 : i32
    %c0_i32_1 = arith.constant 0 : i32
    return %c0_i32, %c0_i32_0 : i32, i32
  }
  func.func @transform_2(%arg0: i32) -> (i32, i32) {
    %c0_i32 = arith.constant 0 : i32
    %c0_i32_0 = arith.constant 0 : i32
    %c0_i32_1 = arith.constant 0 : i32
    return %c0_i32, %c0_i32_0 : i32, i32
  }
  func.func @transform_3(%arg0: i32) -> (i32, i32) {
    %c0_i32 = arith.constant 0 : i32
    %c0_i32_0 = arith.constant 0 : i32
    return %arg0, %c0_i32 : i32, i32
  }
}

module attributes {stable_mosaic.version = 14 : i64} {
  func.func @body(%arg0: i32, %arg1: memref<512x768xbf16, #tpu.memory_space<vmem>>, %arg2: memref<768x1536xbf16, #tpu.memory_space<vmem>>, %arg3: memref<1x1536xf32, #tpu.memory_space<vmem>>, %arg4: memref<512x1536xbf16, #tpu.memory_space<vmem>>) attributes {dimension_semantics = [#tpu.dimension_semantics<arbitrary>], iteration_bounds = array<i64: 4>, scalar_prefetch = 0 : i64, scratch_operands = 0 : i64, tpu.core_type = #tpu.core_type<tc>, window_params = [{transform_indices = @transform_0, window_bounds = array<i64: 512, 768>}, {pipeline_mode = #tpu.pipeline_mode<synchronous>, transform_indices = @transform_1, window_bounds = array<i64: 768, 1536>}, {pipeline_mode = #tpu.pipeline_mode<synchronous>, transform_indices = @transform_2, window_bounds = array<i64: 1, 1536>}, {transform_indices = @transform_3, window_bounds = array<i64: 512, 1536>}]} {
    %get3A = arith.constant 0 : index
    %get3A_0 = arith.constant 0 : index
    %get3A_1 = vector.load %arg1[%get3A, %get3A_0] : memref<512x768xbf16, #tpu.memory_space<vmem>>, vector<512x768xbf16>
    %get3A_2 = arith.constant 0 : index
    %get3A_3 = arith.constant 0 : index
    %get3A_4 = vector.load %arg2[%get3A_2, %get3A_3] : memref<768x1536xbf16, #tpu.memory_space<vmem>>, vector<768x1536xbf16>
    %dot_general3A = arith.constant dense<0.000000e+00> : vector<512x1536xf32>
    %dot_general3A_5 = tpu.matmul %get3A_1, %get3A_4, %dot_general3A {dimension_numbers = #tpu.dot_dimension_numbers<[1], [0], [0], [1], [0, 0, 1, 1], [], []>, transpose_lhs_hint = false} : vector<512x768xbf16>, vector<768x1536xbf16>, vector<512x1536xf32> -> vector<512x1536xf32>
    %get3A_6 = arith.constant 0 : index
    %get3A_7 = arith.constant 0 : index
    %get3A_8 = vector.load %arg3[%get3A_6, %get3A_7] : memref<1x1536xf32, #tpu.memory_space<vmem>>, vector<1x1536xf32>
    %add3A = vector.broadcast %get3A_8 : vector<1x1536xf32> to vector<512x1536xf32>
    %add3A_9 = arith.addf %dot_general3A_5, %add3A : vector<512x1536xf32>
    %convert_element_type3A = arith.truncf %add3A_9 : vector<512x1536xf32> to vector<512x1536xbf16>
    %swap3A = arith.constant 0 : index
    %swap3A_10 = arith.constant 0 : index
    %swap3A_11 = vector.load %arg4[%swap3A, %swap3A_10] : memref<512x1536xbf16, #tpu.memory_space<vmem>>, vector<512x1536xbf16>
    tpu.vector_store %arg4[%swap3A, %swap3A_10], %convert_element_type3A {strides = array<i32>} : memref<512x1536xbf16, #tpu.memory_space<vmem>>, vector<512x1536xbf16>,
    return
  }
  func.func @transform_0(%arg0: i32) -> (i32, i32) {
    %c0_i32 = arith.constant 0 : i32
    %c0_i32_0 = arith.constant 0 : i32
    return %arg0, %c0_i32 : i32, i32
  }
  func.func @transform_1(%arg0: i32) -> (i32, i32) {
    %c0_i32 = arith.constant 0 : i32
    %c0_i32_0 = arith.constant 0 : i32
    %c0_i32_1 = arith.constant 0 : i32
    return %c0_i32, %c0_i32_0 : i32, i32
  }
  func.func @transform_2(%arg0: i32) -> (i32, i32) {
    %c0_i32 = arith.constant 0 : i32
    %c0_i32_0 = arith.constant 0 : i32
    %c0_i32_1 = arith.constant 0 : i32
    return %c0_i32, %c0_i32_0 : i32, i32
  }
  func.func @transform_3(%arg0: i32) -> (i32, i32) {
    %c0_i32 = arith.constant 0 : i32
    %c0_i32_0 = arith.constant 0 : i32
    return %arg0, %c0_i32 : i32, i32
  }
}

module attributes {stable_mosaic.version = 14 : i64} {
  func.func @body(%arg0: i32, %arg1: memref<512x768xbf16, #tpu.memory_space<vmem>>, %arg2: memref<768x768xbf16, #tpu.memory_space<vmem>>, %arg3: memref<1x768xf32, #tpu.memory_space<vmem>>, %arg4: memref<512x768xbf16, #tpu.memory_space<vmem>>) attributes {dimension_semantics = [#tpu.dimension_semantics<arbitrary>], iteration_bounds = array<i64: 4>, scalar_prefetch = 0 : i64, scratch_operands = 0 : i64, tpu.core_type = #tpu.core_type<tc>, window_params = [{transform_indices = @transform_0, window_bounds = array<i64: 512, 768>}, {pipeline_mode = #tpu.pipeline_mode<synchronous>, transform_indices = @transform_1, window_bounds = array<i64: 768, 768>}, {pipeline_mode = #tpu.pipeline_mode<synchronous>, transform_indices = @transform_2, window_bounds = array<i64: 1, 768>}, {transform_indices = @transform_3, window_bounds = array<i64: 512, 768>}]} {
    %get3A = arith.constant 0 : index
    %get3A_0 = arith.constant 0 : index
    %get3A_1 = vector.load %arg1[%get3A, %get3A_0] : memref<512x768xbf16, #tpu.memory_space<vmem>>, vector<512x768xbf16>
    %get3A_2 = arith.constant 0 : index
    %get3A_3 = arith.constant 0 : index
    %get3A_4 = vector.load %arg2[%get3A_2, %get3A_3] : memref<768x768xbf16, #tpu.memory_space<vmem>>, vector<768x768xbf16>
    %dot_general3A = arith.constant dense<0.000000e+00> : vector<512x768xf32>
    %dot_general3A_5 = tpu.matmul %get3A_1, %get3A_4, %dot_general3A {dimension_numbers = #tpu.dot_dimension_numbers<[1], [0], [0], [1], [0, 0, 1, 1], [], []>, transpose_lhs_hint = false} : vector<512x768xbf16>, vector<768x768xbf16>, vector<512x768xf32> -> vector<512x768xf32>
    %get3A_6 = arith.constant 0 : index
    %get3A_7 = arith.constant 0 : index
    %get3A_8 = vector.load %arg3[%get3A_6, %get3A_7] : memref<1x768xf32, #tpu.memory_space<vmem>>, vector<1x768xf32>
    %add3A = vector.broadcast %get3A_8 : vector<1x768xf32> to vector<512x768xf32>
    %add3A_9 = arith.addf %dot_general3A_5, %add3A : vector<512x768xf32>
    %convert_element_type3A = arith.truncf %add3A_9 : vector<512x768xf32> to vector<512x768xbf16>
    %swap3A = arith.constant 0 : index
    %swap3A_10 = arith.constant 0 : index
    %swap3A_11 = vector.load %arg4[%swap3A, %swap3A_10] : memref<512x768xbf16, #tpu.memory_space<vmem>>, vector<512x768xbf16>
    tpu.vector_store %arg4[%swap3A, %swap3A_10], %convert_element_type3A {strides = array<i32>} : memref<512x768xbf16, #tpu.memory_space<vmem>>, vector<512x768xbf16>,
    return
  }
  func.func @transform_0(%arg0: i32) -> (i32, i32) {
    %c0_i32 = arith.constant 0 : i32
    %c0_i32_0 = arith.constant 0 : i32
    return %arg0, %c0_i32 : i32, i32
  }
  func.func @transform_1(%arg0: i32) -> (i32, i32) {
    %c0_i32 = arith.constant 0 : i32
    %c0_i32_0 = arith.constant 0 : i32
    %c0_i32_1 = arith.constant 0 : i32
    return %c0_i32, %c0_i32_0 : i32, i32
  }
  func.func @transform_2(%arg0: i32) -> (i32, i32) {
    %c0_i32 = arith.constant 0 : i32
    %c0_i32_0 = arith.constant 0 : i32
    %c0_i32_1 = arith.constant 0 : i32
    return %c0_i32, %c0_i32_0 : i32, i32
  }
  func.func @transform_3(%arg0: i32) -> (i32, i32) {
    %c0_i32 = arith.constant 0 : i32
    %c0_i32_0 = arith.constant 0 : i32
    return %arg0, %c0_i32 : i32, i32
  }
}

module attributes {stable_mosaic.version = 14 : i64} {
  func.func @body(%arg0: i32, %arg1: i32, %arg2: memref<1x1024x64xbf16, #tpu.memory_space<vmem>>, %arg3: memref<1x2048x64xbf16, #tpu.memory_space<vmem>>, %arg4: memref<1x2048x64xbf16, #tpu.memory_space<vmem>>, %arg5: memref<1x1024x64xbf16, #tpu.memory_space<vmem>>) attributes {dimension_semantics = [#tpu.dimension_semantics<arbitrary>, #tpu.dimension_semantics<arbitrary>], iteration_bounds = array<i64: 12, 2>, scalar_prefetch = 0 : i64, scratch_operands = 0 : i64, tpu.core_type = #tpu.core_type<tc>, window_params = [{transform_indices = @transform_0, window_bounds = array<i64: 1, 1024, 64>}, {transform_indices = @transform_1, window_bounds = array<i64: 1, 2048, 64>}, {transform_indices = @transform_2, window_bounds = array<i64: 1, 2048, 64>}, {transform_indices = @transform_3, window_bounds = array<i64: 1, 1024, 64>}]} {
    %get3A = arith.constant 0 : index
    %get3A_0 = arith.constant 0 : index
    %get3A_1 = arith.constant 0 : index
    %get3A_2 = vector.load %arg2[%get3A, %get3A_0, %get3A_1] : memref<1x1024x64xbf16, #tpu.memory_space<vmem>>, vector<1x1024x64xbf16>
    %get3A_3 = vector.shape_cast %get3A_2 : vector<1x1024x64xbf16> to vector<1024x64xbf16>
    %mul3A = arith.constant 1.250000e-01 : bf16
    %mul3A_4 = vector.broadcast %mul3A : bf16 to vector<1024x64xbf16>
    %mul3A_5 = arith.mulf %get3A_3, %mul3A_4 : vector<1024x64xbf16>
    %get3A_6 = arith.constant 0 : index
    %get3A_7 = arith.constant 0 : index
    %get3A_8 = arith.constant 0 : index
    %get3A_9 = vector.load %arg3[%get3A_6, %get3A_7, %get3A_8] : memref<1x2048x64xbf16, #tpu.memory_space<vmem>>, vector<1x2048x64xbf16>
    %get3A_10 = vector.shape_cast %get3A_9 : vector<1x2048x64xbf16> to vector<2048x64xbf16>
    %dot_general3A = arith.constant dense<0.000000e+00> : vector<1024x2048xf32>
    %dot_general3A_11 = tpu.matmul %mul3A_5, %get3A_10, %dot_general3A {dimension_numbers = #tpu.dot_dimension_numbers<[1], [1], [0], [0], [0, 0, 1, 0], [], []>, transpose_lhs_hint = false} : vector<1024x64xbf16>, vector<2048x64xbf16>, vector<1024x2048xf32> -> vector<1024x2048xf32>
    %reduce_max3A = arith.constant dense<0xFF800000> : vector<1024xf32>
    %reduce_max3A_12 = vector.multi_reduction <maximumf>, %dot_general3A_11, %reduce_max3A [1] : vector<1024x2048xf32> to vector<1024xf32>
    %broadcast_in_dim3A = vector.shape_cast %reduce_max3A_12 : vector<1024xf32> to vector<1024x1xf32>
    %sub3A = vector.broadcast %broadcast_in_dim3A : vector<1024x1xf32> to vector<1024x2048xf32>
    %sub3A_13 = arith.subf %dot_general3A_11, %sub3A : vector<1024x2048xf32>
    %exp3A = math.exp %sub3A_13 : vector<1024x2048xf32>
    %reduce_sum3A = arith.constant dense<0.000000e+00> : vector<1024xf32>
    %reduce_sum3A_14 = vector.multi_reduction <add>, %exp3A, %reduce_sum3A [1] : vector<1024x2048xf32> to vector<1024xf32>
    %broadcast_in_dim3A_15 = vector.shape_cast %reduce_sum3A_14 : vector<1024xf32> to vector<1024x1xf32>
    %div3A = vector.broadcast %broadcast_in_dim3A_15 : vector<1024x1xf32> to vector<1024x2048xf32>
    %div3A_16 = arith.divf %exp3A, %div3A : vector<1024x2048xf32>
    %convert_element_type3A = arith.truncf %div3A_16 : vector<1024x2048xf32> to vector<1024x2048xbf16>
    %get3A_17 = arith.constant 0 : index
    %get3A_18 = arith.constant 0 : index
    %get3A_19 = arith.constant 0 : index
    %get3A_20 = vector.load %arg4[%get3A_17, %get3A_18, %get3A_19] : memref<1x2048x64xbf16, #tpu.memory_space<vmem>>, vector<1x2048x64xbf16>
    %get3A_21 = vector.shape_cast %get3A_20 : vector<1x2048x64xbf16> to vector<2048x64xbf16>
    %dot_general3A_22 = arith.constant dense<0.000000e+00> : vector<1024x64xf32>
    %dot_general3A_23 = tpu.matmul %convert_element_type3A, %get3A_21, %dot_general3A_22 {dimension_numbers = #tpu.dot_dimension_numbers<[1], [0], [0], [1], [0, 0, 1, 1], [], []>, transpose_lhs_hint = false} : vector<1024x2048xbf16>, vector<2048x64xbf16>, vector<1024x64xf32> -> vector<1024x64xf32>
    %convert_element_type3A_24 = arith.truncf %dot_general3A_23 : vector<1024x64xf32> to vector<1024x64xbf16>
    %swap3A = arith.constant 0 : index
    %swap3A_25 = arith.constant 0 : index
    %swap3A_26 = arith.constant 0 : index
    %swap3A_27 = vector.load %arg5[%swap3A, %swap3A_25, %swap3A_26] : memref<1x1024x64xbf16, #tpu.memory_space<vmem>>, vector<1x1024x64xbf16>
    %swap3A_28 = vector.shape_cast %swap3A_27 : vector<1x1024x64xbf16> to vector<1024x64xbf16>
    %swap3A_29 = vector.shape_cast %convert_element_type3A_24 : vector<1024x64xbf16> to vector<1x1024x64xbf16>
    tpu.vector_store %arg5[%swap3A, %swap3A_25, %swap3A_26], %swap3A_29 {strides = array<i32>} : memref<1x1024x64xbf16, #tpu.memory_space<vmem>>, vector<1x1024x64xbf16>,
    return
  }
  func.func @transform_0(%arg0: i32, %arg1: i32) -> (i32, i32, i32) {
    %c0_i32 = arith.constant 0 : i32
    %c0_i32_0 = arith.constant 0 : i32
    return %arg0, %arg1, %c0_i32 : i32, i32, i32
  }
  func.func @transform_1(%arg0: i32, %arg1: i32) -> (i32, i32, i32) {
    %c0_i32 = arith.constant 0 : i32
    %c0_i32_0 = arith.constant 0 : i32
    %c0_i32_1 = arith.constant 0 : i32
    return %arg0, %c0_i32, %c0_i32_0 : i32, i32, i32
  }
  func.func @transform_2(%arg0: i32, %arg1: i32) -> (i32, i32, i32) {
    %c0_i32 = arith.constant 0 : i32
    %c0_i32_0 = arith.constant 0 : i32
    %c0_i32_1 = arith.constant 0 : i32
    return %arg0, %c0_i32, %c0_i32_0 : i32, i32, i32
  }
  func.func @transform_3(%arg0: i32, %arg1: i32) -> (i32, i32, i32) {
    %c0_i32 = arith.constant 0 : i32
    %c0_i32_0 = arith.constant 0 : i32
    return %arg0, %arg1, %c0_i32 : i32, i32, i32
  }
}

module attributes {stable_mosaic.version = 14 : i64} {
  func.func @body(%arg0: i32, %arg1: memref<512x768xbf16, #tpu.memory_space<vmem>>, %arg2: memref<768x768xbf16, #tpu.memory_space<vmem>>, %arg3: memref<1x768xf32, #tpu.memory_space<vmem>>, %arg4: memref<512x768xf32, #tpu.memory_space<vmem>>, %arg5: memref<512x768xf32, #tpu.memory_space<vmem>>) attributes {dimension_semantics = [#tpu.dimension_semantics<arbitrary>], iteration_bounds = array<i64: 4>, scalar_prefetch = 0 : i64, scratch_operands = 0 : i64, tpu.core_type = #tpu.core_type<tc>, window_params = [{transform_indices = @transform_0, window_bounds = array<i64: 512, 768>}, {pipeline_mode = #tpu.pipeline_mode<synchronous>, transform_indices = @transform_1, window_bounds = array<i64: 768, 768>}, {pipeline_mode = #tpu.pipeline_mode<synchronous>, transform_indices = @transform_2, window_bounds = array<i64: 1, 768>}, {transform_indices = @transform_3, window_bounds = array<i64: 512, 768>}, {transform_indices = @transform_4, window_bounds = array<i64: 512, 768>}]} {
    %get3A = arith.constant 0 : index
    %get3A_0 = arith.constant 0 : index
    %get3A_1 = vector.load %arg1[%get3A, %get3A_0] : memref<512x768xbf16, #tpu.memory_space<vmem>>, vector<512x768xbf16>
    %get3A_2 = arith.constant 0 : index
    %get3A_3 = arith.constant 0 : index
    %get3A_4 = vector.load %arg2[%get3A_2, %get3A_3] : memref<768x768xbf16, #tpu.memory_space<vmem>>, vector<768x768xbf16>
    %dot_general3A = arith.constant dense<0.000000e+00> : vector<512x768xf32>
    %dot_general3A_5 = tpu.matmul %get3A_1, %get3A_4, %dot_general3A {dimension_numbers = #tpu.dot_dimension_numbers<[1], [0], [0], [1], [0, 0, 1, 1], [], []>, transpose_lhs_hint = false} : vector<512x768xbf16>, vector<768x768xbf16>, vector<512x768xf32> -> vector<512x768xf32>
    %get3A_6 = arith.constant 0 : index
    %get3A_7 = arith.constant 0 : index
    %get3A_8 = vector.load %arg3[%get3A_6, %get3A_7] : memref<1x768xf32, #tpu.memory_space<vmem>>, vector<1x768xf32>
    %add3A = vector.broadcast %get3A_8 : vector<1x768xf32> to vector<512x768xf32>
    %add3A_9 = arith.addf %dot_general3A_5, %add3A : vector<512x768xf32>
    %get3A_10 = arith.constant 0 : index
    %get3A_11 = arith.constant 0 : index
    %get3A_12 = vector.load %arg4[%get3A_10, %get3A_11] : memref<512x768xf32, #tpu.memory_space<vmem>>, vector<512x768xf32>
    %add3A_13 = arith.addf %add3A_9, %get3A_12 : vector<512x768xf32>
    %swap3A = arith.constant 0 : index
    %swap3A_14 = arith.constant 0 : index
    %swap3A_15 = vector.load %arg5[%swap3A, %swap3A_14] : memref<512x768xf32, #tpu.memory_space<vmem>>, vector<512x768xf32>
    tpu.vector_store %arg5[%swap3A, %swap3A_14], %add3A_13 {strides = array<i32>} : memref<512x768xf32, #tpu.memory_space<vmem>>, vector<512x768xf32>,
    return
  }
  func.func @transform_0(%arg0: i32) -> (i32, i32) {
    %c0_i32 = arith.constant 0 : i32
    %c0_i32_0 = arith.constant 0 : i32
    return %arg0, %c0_i32 : i32, i32
  }
  func.func @transform_1(%arg0: i32) -> (i32, i32) {
    %c0_i32 = arith.constant 0 : i32
    %c0_i32_0 = arith.constant 0 : i32
    %c0_i32_1 = arith.constant 0 : i32
    return %c0_i32, %c0_i32_0 : i32, i32
  }
  func.func @transform_2(%arg0: i32) -> (i32, i32) {
    %c0_i32 = arith.constant 0 : i32
    %c0_i32_0 = arith.constant 0 : i32
    %c0_i32_1 = arith.constant 0 : i32
    return %c0_i32, %c0_i32_0 : i32, i32
  }
  func.func @transform_3(%arg0: i32) -> (i32, i32) {
    %c0_i32 = arith.constant 0 : i32
    %c0_i32_0 = arith.constant 0 : i32
    return %arg0, %c0_i32 : i32, i32
  }
  func.func @transform_4(%arg0: i32) -> (i32, i32) {
    %c0_i32 = arith.constant 0 : i32
    %c0_i32_0 = arith.constant 0 : i32
    return %arg0, %c0_i32 : i32, i32
  }
}

module attributes {stable_mosaic.version = 14 : i64} {
  func.func @body(%arg0: i32, %arg1: memref<1024x1536xbf16, #tpu.memory_space<vmem>>, %arg2: memref<1536x1536xbf16, #tpu.memory_space<vmem>>, %arg3: memref<1x1536xf32, #tpu.memory_space<vmem>>, %arg4: memref<1536x16xbf16, #tpu.memory_space<vmem>>, %arg5: memref<1x16xf32, #tpu.memory_space<vmem>>, %arg6: memref<1024x8xf32, #tpu.memory_space<vmem>>, %arg7: memref<1024x8xf32, #tpu.memory_space<vmem>>) attributes {dimension_semantics = [#tpu.dimension_semantics<arbitrary>], iteration_bounds = array<i64: 2>, scalar_prefetch = 0 : i64, scratch_operands = 0 : i64, tpu.core_type = #tpu.core_type<tc>, window_params = [{transform_indices = @transform_0, window_bounds = array<i64: 1024, 1536>}, {pipeline_mode = #tpu.pipeline_mode<synchronous>, transform_indices = @transform_1, window_bounds = array<i64: 1536, 1536>}, {pipeline_mode = #tpu.pipeline_mode<synchronous>, transform_indices = @transform_2, window_bounds = array<i64: 1, 1536>}, {pipeline_mode = #tpu.pipeline_mode<synchronous>, transform_indices = @transform_3, window_bounds = array<i64: 1536, 16>}, {pipeline_mode = #tpu.pipeline_mode<synchronous>, transform_indices = @transform_4, window_bounds = array<i64: 1, 16>}, {transform_indices = @transform_5, window_bounds = array<i64: 1024, 8>}, {transform_indices = @transform_6, window_bounds = array<i64: 1024, 8>}]} {
    %get3A = arith.constant 0 : index
    %get3A_0 = arith.constant 0 : index
    %get3A_1 = vector.load %arg1[%get3A, %get3A_0] : memref<1024x1536xbf16, #tpu.memory_space<vmem>>, vector<1024x1536xbf16>
    %get3A_2 = arith.constant 0 : index
    %get3A_3 = arith.constant 0 : index
    %get3A_4 = vector.load %arg2[%get3A_2, %get3A_3] : memref<1536x1536xbf16, #tpu.memory_space<vmem>>, vector<1536x1536xbf16>
    %dot_general3A = arith.constant dense<0.000000e+00> : vector<1024x1536xf32>
    %dot_general3A_5 = tpu.matmul %get3A_1, %get3A_4, %dot_general3A {dimension_numbers = #tpu.dot_dimension_numbers<[1], [0], [0], [1], [0, 0, 1, 1], [], []>, transpose_lhs_hint = false} : vector<1024x1536xbf16>, vector<1536x1536xbf16>, vector<1024x1536xf32> -> vector<1024x1536xf32>
    %get3A_6 = arith.constant 0 : index
    %get3A_7 = arith.constant 0 : index
    %get3A_8 = vector.load %arg3[%get3A_6, %get3A_7] : memref<1x1536xf32, #tpu.memory_space<vmem>>, vector<1x1536xf32>
    %add3A = vector.broadcast %get3A_8 : vector<1x1536xf32> to vector<1024x1536xf32>
    %add3A_9 = arith.addf %dot_general3A_5, %add3A : vector<1024x1536xf32>
    %mul3A = arith.constant 5.000000e-01 : f32
    %mul3A_10 = vector.broadcast %mul3A : f32 to vector<1024x1536xf32>
    %mul3A_11 = arith.mulf %add3A_9, %mul3A_10 : vector<1024x1536xf32>
    %mul3A_12 = arith.constant 0.707106769 : f32
    %mul3A_13 = vector.broadcast %mul3A_12 : f32 to vector<1024x1536xf32>
    %mul3A_14 = arith.mulf %add3A_9, %mul3A_13 : vector<1024x1536xf32>
    %sign3A = tpu.bitcast %mul3A_14 : vector<1024x1536xf32> -> vector<1024x1536xi32>
    %sign3A_15 = arith.constant -2147483648 : i32
    %sign3A_16 = vector.broadcast %sign3A_15 : i32 to vector<1024x1536xi32>
    %sign3A_17 = arith.andi %sign3A, %sign3A_16 : vector<1024x1536xi32>
    %sign3A_18 = arith.constant 1065353216 : i32
    %sign3A_19 = vector.broadcast %sign3A_18 : i32 to vector<1024x1536xi32>
    %sign3A_20 = arith.ori %sign3A_19, %sign3A_17 : vector<1024x1536xi32>
    %sign3A_21 = tpu.bitcast %sign3A_20 : vector<1024x1536xi32> -> vector<1024x1536xf32>
    %sign3A_22 = math.absf %mul3A_14 : vector<1024x1536xf32>
    %sign3A_23 = arith.constant 0.000000e+00 : f32
    %sign3A_24 = vector.broadcast %sign3A_23 : f32 to vector<1024x1536xf32>
    %sign3A_25 = arith.cmpf ogt, %sign3A_22, %sign3A_24 : vector<1024x1536xf32>
    %sign3A_26 = arith.select %sign3A_25, %sign3A_21, %mul3A_14 : vector<1024x1536xi1>, vector<1024x1536xf32>
    %abs3A = math.absf %mul3A_14 : vector<1024x1536xf32>
    %mul3A_27 = arith.constant 0.327591091 : f32
    %mul3A_28 = vector.broadcast %mul3A_27 : f32 to vector<1024x1536xf32>
    %mul3A_29 = arith.mulf %mul3A_28, %abs3A : vector<1024x1536xf32>
    %add3A_30 = arith.constant 1.000000e+00 : f32
    %add3A_31 = vector.broadcast %add3A_30 : f32 to vector<1024x1536xf32>
    %add3A_32 = arith.addf %add3A_31, %mul3A_29 : vector<1024x1536xf32>
    %div3A = arith.constant 1.000000e+00 : f32
    %div3A_33 = vector.broadcast %div3A : f32 to vector<1024x1536xf32>
    %div3A_34 = arith.divf %div3A_33, %add3A_32 : vector<1024x1536xf32>
    %mul3A_35 = arith.constant 1.06140542 : f32
    %mul3A_36 = vector.broadcast %mul3A_35 : f32 to vector<1024x1536xf32>
    %mul3A_37 = arith.mulf %div3A_34, %mul3A_36 : vector<1024x1536xf32>
    %add3A_38 = arith.constant -1.45315206 : f32
    %add3A_39 = vector.broadcast %add3A_38 : f32 to vector<1024x1536xf32>
    %add3A_40 = arith.addf %add3A_39, %mul3A_37 : vector<1024x1536xf32>
    %mul3A_41 = arith.mulf %div3A_34, %add3A_40 : vector<1024x1536xf32>
    %add3A_42 = arith.constant 1.42141378 : f32
    %add3A_43 = vector.broadcast %add3A_42 : f32 to vector<1024x1536xf32>
    %add3A_44 = arith.addf %add3A_43, %mul3A_41 : vector<1024x1536xf32>
    %mul3A_45 = arith.mulf %div3A_34, %add3A_44 : vector<1024x1536xf32>
    %add3A_46 = arith.constant -0.284496725 : f32
    %add3A_47 = vector.broadcast %add3A_46 : f32 to vector<1024x1536xf32>
    %add3A_48 = arith.addf %add3A_47, %mul3A_45 : vector<1024x1536xf32>
    %mul3A_49 = arith.mulf %div3A_34, %add3A_48 : vector<1024x1536xf32>
    %add3A_50 = arith.constant 0.254829586 : f32
    %add3A_51 = vector.broadcast %add3A_50 : f32 to vector<1024x1536xf32>
    %add3A_52 = arith.addf %add3A_51, %mul3A_49 : vector<1024x1536xf32>
    %mul3A_53 = arith.mulf %div3A_34, %add3A_52 : vector<1024x1536xf32>
    %neg3A = arith.constant 0.000000e+00 : f32
    %neg3A_54 = vector.broadcast %neg3A : f32 to vector<1024x1536xf32>
    %neg3A_55 = arith.subf %neg3A_54, %abs3A : vector<1024x1536xf32>
    %mul3A_56 = arith.mulf %neg3A_55, %abs3A : vector<1024x1536xf32>
    %exp3A = math.exp %mul3A_56 : vector<1024x1536xf32>
    %mul3A_57 = arith.mulf %mul3A_53, %exp3A : vector<1024x1536xf32>
    %sub3A = arith.constant 1.000000e+00 : f32
    %sub3A_58 = vector.broadcast %sub3A : f32 to vector<1024x1536xf32>
    %sub3A_59 = arith.subf %sub3A_58, %mul3A_57 : vector<1024x1536xf32>
    %mul3A_60 = arith.mulf %sign3A_26, %sub3A_59 : vector<1024x1536xf32>
    %add3A_61 = arith.constant 1.000000e+00 : f32
    %add3A_62 = vector.broadcast %add3A_61 : f32 to vector<1024x1536xf32>
    %add3A_63 = arith.addf %add3A_62, %mul3A_60 : vector<1024x1536xf32>
    %mul3A_64 = arith.mulf %mul3A_11, %add3A_63 : vector<1024x1536xf32>
    %convert_element_type3A = arith.truncf %mul3A_64 : vector<1024x1536xf32> to vector<1024x1536xbf16>
    %get3A_65 = arith.constant 0 : index
    %get3A_66 = arith.constant 0 : index
    %get3A_67 = vector.load %arg4[%get3A_65, %get3A_66] : memref<1536x16xbf16, #tpu.memory_space<vmem>>, vector<1536x16xbf16>
    %dot_general3A_68 = arith.constant dense<0.000000e+00> : vector<1024x16xf32>
    %dot_general3A_69 = tpu.matmul %convert_element_type3A, %get3A_67, %dot_general3A_68 {dimension_numbers = #tpu.dot_dimension_numbers<[1], [0], [0], [1], [0, 0, 1, 1], [], []>, transpose_lhs_hint = false} : vector<1024x1536xbf16>, vector<1536x16xbf16>, vector<1024x16xf32> -> vector<1024x16xf32>
    %get3A_70 = arith.constant 0 : index
    %get3A_71 = arith.constant 0 : index
    %get3A_72 = vector.load %arg5[%get3A_70, %get3A_71] : memref<1x16xf32, #tpu.memory_space<vmem>>, vector<1x16xf32>
    %add3A_73 = vector.broadcast %get3A_72 : vector<1x16xf32> to vector<1024x16xf32>
    %add3A_74 = arith.addf %dot_general3A_69, %add3A_73 : vector<1024x16xf32>
    %reduce_max3A = arith.constant dense<0xFF800000> : vector<1024xf32>
    %reduce_max3A_75 = vector.multi_reduction <maximumf>, %add3A_74, %reduce_max3A [1] : vector<1024x16xf32> to vector<1024xf32>
    %broadcast_in_dim3A = vector.shape_cast %reduce_max3A_75 : vector<1024xf32> to vector<1024x1xf32>
    %sub3A_76 = vector.broadcast %broadcast_in_dim3A : vector<1024x1xf32> to vector<1024x16xf32>
    %sub3A_77 = arith.subf %add3A_74, %sub3A_76 : vector<1024x16xf32>
    %exp3A_78 = math.exp %sub3A_77 : vector<1024x16xf32>
    %reduce_sum3A = arith.constant dense<0.000000e+00> : vector<1024xf32>
    %reduce_sum3A_79 = vector.multi_reduction <add>, %exp3A_78, %reduce_sum3A [1] : vector<1024x16xf32> to vector<1024xf32>
    %broadcast_in_dim3A_80 = vector.shape_cast %reduce_sum3A_79 : vector<1024xf32> to vector<1024x1xf32>
    %div3A_81 = vector.broadcast %broadcast_in_dim3A_80 : vector<1024x1xf32> to vector<1024x16xf32>
    %div3A_82 = arith.divf %exp3A_78, %div3A_81 : vector<1024x16xf32>
    %slice3A = vector.extract_strided_slice %div3A_82 {offsets = [0, 0], sizes = [1024, 8], strides = [1, 1]} : vector<1024x16xf32> to vector<1024x8xf32>
    %iota3A = tpu.iota {dimensions = array<i32: 1>} : vector<1024x8xi32>
    %broadcast_in_dim3A_83 = arith.constant 0.000000e+00 : f32
    %broadcast_in_dim3A_84 = vector.broadcast %broadcast_in_dim3A_83 : f32 to vector<1024x8xf32>
    %slice3A_85 = vector.extract_strided_slice %slice3A {offsets = [0, 0], sizes = [1024, 1], strides = [1, 1]} : vector<1024x8xf32> to vector<1024x1xf32>
    %gt3A = vector.broadcast %slice3A_85 : vector<1024x1xf32> to vector<1024x8xf32>
    %gt3A_86 = arith.cmpf ogt, %gt3A, %slice3A : vector<1024x8xf32>
    %eq3A = vector.broadcast %slice3A_85 : vector<1024x1xf32> to vector<1024x8xf32>
    %eq3A_87 = arith.cmpf oeq, %eq3A, %slice3A : vector<1024x8xf32>
    %gt3A_88 = arith.constant 0 : i32
    %gt3A_89 = vector.broadcast %gt3A_88 : i32 to vector<1024x8xi32>
    %gt3A_90 = arith.cmpi sgt, %iota3A, %gt3A_89 : vector<1024x8xi32>
    %and3A = arith.andi %eq3A_87, %gt3A_90 : vector<1024x8xi1>
    %or3A = arith.ori %gt3A_86, %and3A : vector<1024x8xi1>
    %convert_element_type3A_91 = arith.extui %or3A : vector<1024x8xi1> to vector<1024x8xi32>
    %convert_element_type3A_92 = arith.sitofp %convert_element_type3A_91 : vector<1024x8xi32> to vector<1024x8xf32>
    %add3A_93 = arith.addf %broadcast_in_dim3A_84, %convert_element_type3A_92 : vector<1024x8xf32>
    %slice3A_94 = vector.extract_strided_slice %slice3A {offsets = [0, 1], sizes = [1024, 1], strides = [1, 1]} : vector<1024x8xf32> to vector<1024x1xf32>
    %gt3A_95 = vector.broadcast %slice3A_94 : vector<1024x1xf32> to vector<1024x8xf32>
    %gt3A_96 = arith.cmpf ogt, %gt3A_95, %slice3A : vector<1024x8xf32>
    %eq3A_97 = vector.broadcast %slice3A_94 : vector<1024x1xf32> to vector<1024x8xf32>
    %eq3A_98 = arith.cmpf oeq, %eq3A_97, %slice3A : vector<1024x8xf32>
    %gt3A_99 = arith.constant 1 : i32
    %gt3A_100 = vector.broadcast %gt3A_99 : i32 to vector<1024x8xi32>
    %gt3A_101 = arith.cmpi sgt, %iota3A, %gt3A_100 : vector<1024x8xi32>
    %and3A_102 = arith.andi %eq3A_98, %gt3A_101 : vector<1024x8xi1>
    %or3A_103 = arith.ori %gt3A_96, %and3A_102 : vector<1024x8xi1>
    %convert_element_type3A_104 = arith.extui %or3A_103 : vector<1024x8xi1> to vector<1024x8xi32>
    %convert_element_type3A_105 = arith.sitofp %convert_element_type3A_104 : vector<1024x8xi32> to vector<1024x8xf32>
    %add3A_106 = arith.addf %add3A_93, %convert_element_type3A_105 : vector<1024x8xf32>
    %slice3A_107 = vector.extract_strided_slice %slice3A {offsets = [0, 2], sizes = [1024, 1], strides = [1, 1]} : vector<1024x8xf32> to vector<1024x1xf32>
    %gt3A_108 = vector.broadcast %slice3A_107 : vector<1024x1xf32> to vector<1024x8xf32>
    %gt3A_109 = arith.cmpf ogt, %gt3A_108, %slice3A : vector<1024x8xf32>
    %eq3A_110 = vector.broadcast %slice3A_107 : vector<1024x1xf32> to vector<1024x8xf32>
    %eq3A_111 = arith.cmpf oeq, %eq3A_110, %slice3A : vector<1024x8xf32>
    %gt3A_112 = arith.constant 2 : i32
    %gt3A_113 = vector.broadcast %gt3A_112 : i32 to vector<1024x8xi32>
    %gt3A_114 = arith.cmpi sgt, %iota3A, %gt3A_113 : vector<1024x8xi32>
    %and3A_115 = arith.andi %eq3A_111, %gt3A_114 : vector<1024x8xi1>
    %or3A_116 = arith.ori %gt3A_109, %and3A_115 : vector<1024x8xi1>
    %convert_element_type3A_117 = arith.extui %or3A_116 : vector<1024x8xi1> to vector<1024x8xi32>
    %convert_element_type3A_118 = arith.sitofp %convert_element_type3A_117 : vector<1024x8xi32> to vector<1024x8xf32>
    %add3A_119 = arith.addf %add3A_106, %convert_element_type3A_118 : vector<1024x8xf32>
    %slice3A_120 = vector.extract_strided_slice %slice3A {offsets = [0, 3], sizes = [1024, 1], strides = [1, 1]} : vector<1024x8xf32> to vector<1024x1xf32>
    %gt3A_121 = vector.broadcast %slice3A_120 : vector<1024x1xf32> to vector<1024x8xf32>
    %gt3A_122 = arith.cmpf ogt, %gt3A_121, %slice3A : vector<1024x8xf32>
    %eq3A_123 = vector.broadcast %slice3A_120 : vector<1024x1xf32> to vector<1024x8xf32>
    %eq3A_124 = arith.cmpf oeq, %eq3A_123, %slice3A : vector<1024x8xf32>
    %gt3A_125 = arith.constant 3 : i32
    %gt3A_126 = vector.broadcast %gt3A_125 : i32 to vector<1024x8xi32>
    %gt3A_127 = arith.cmpi sgt, %iota3A, %gt3A_126 : vector<1024x8xi32>
    %and3A_128 = arith.andi %eq3A_124, %gt3A_127 : vector<1024x8xi1>
    %or3A_129 = arith.ori %gt3A_122, %and3A_128 : vector<1024x8xi1>
    %convert_element_type3A_130 = arith.extui %or3A_129 : vector<1024x8xi1> to vector<1024x8xi32>
    %convert_element_type3A_131 = arith.sitofp %convert_element_type3A_130 : vector<1024x8xi32> to vector<1024x8xf32>
    %add3A_132 = arith.addf %add3A_119, %convert_element_type3A_131 : vector<1024x8xf32>
    %slice3A_133 = vector.extract_strided_slice %slice3A {offsets = [0, 4], sizes = [1024, 1], strides = [1, 1]} : vector<1024x8xf32> to vector<1024x1xf32>
    %gt3A_134 = vector.broadcast %slice3A_133 : vector<1024x1xf32> to vector<1024x8xf32>
    %gt3A_135 = arith.cmpf ogt, %gt3A_134, %slice3A : vector<1024x8xf32>
    %eq3A_136 = vector.broadcast %slice3A_133 : vector<1024x1xf32> to vector<1024x8xf32>
    %eq3A_137 = arith.cmpf oeq, %eq3A_136, %slice3A : vector<1024x8xf32>
    %gt3A_138 = arith.constant 4 : i32
    %gt3A_139 = vector.broadcast %gt3A_138 : i32 to vector<1024x8xi32>
    %gt3A_140 = arith.cmpi sgt, %iota3A, %gt3A_139 : vector<1024x8xi32>
    %and3A_141 = arith.andi %eq3A_137, %gt3A_140 : vector<1024x8xi1>
    %or3A_142 = arith.ori %gt3A_135, %and3A_141 : vector<1024x8xi1>
    %convert_element_type3A_143 = arith.extui %or3A_142 : vector<1024x8xi1> to vector<1024x8xi32>
    %convert_element_type3A_144 = arith.sitofp %convert_element_type3A_143 : vector<1024x8xi32> to vector<1024x8xf32>
    %add3A_145 = arith.addf %add3A_132, %convert_element_type3A_144 : vector<1024x8xf32>
    %slice3A_146 = vector.extract_strided_slice %slice3A {offsets = [0, 5], sizes = [1024, 1], strides = [1, 1]} : vector<1024x8xf32> to vector<1024x1xf32>
    %gt3A_147 = vector.broadcast %slice3A_146 : vector<1024x1xf32> to vector<1024x8xf32>
    %gt3A_148 = arith.cmpf ogt, %gt3A_147, %slice3A : vector<1024x8xf32>
    %eq3A_149 = vector.broadcast %slice3A_146 : vector<1024x1xf32> to vector<1024x8xf32>
    %eq3A_150 = arith.cmpf oeq, %eq3A_149, %slice3A : vector<1024x8xf32>
    %gt3A_151 = arith.constant 5 : i32
    %gt3A_152 = vector.broadcast %gt3A_151 : i32 to vector<1024x8xi32>
    %gt3A_153 = arith.cmpi sgt, %iota3A, %gt3A_152 : vector<1024x8xi32>
    %and3A_154 = arith.andi %eq3A_150, %gt3A_153 : vector<1024x8xi1>
    %or3A_155 = arith.ori %gt3A_148, %and3A_154 : vector<1024x8xi1>
    %convert_element_type3A_156 = arith.extui %or3A_155 : vector<1024x8xi1> to vector<1024x8xi32>
    %convert_element_type3A_157 = arith.sitofp %convert_element_type3A_156 : vector<1024x8xi32> to vector<1024x8xf32>
    %add3A_158 = arith.addf %add3A_145, %convert_element_type3A_157 : vector<1024x8xf32>
    %slice3A_159 = vector.extract_strided_slice %slice3A {offsets = [0, 6], sizes = [1024, 1], strides = [1, 1]} : vector<1024x8xf32> to vector<1024x1xf32>
    %gt3A_160 = vector.broadcast %slice3A_159 : vector<1024x1xf32> to vector<1024x8xf32>
    %gt3A_161 = arith.cmpf ogt, %gt3A_160, %slice3A : vector<1024x8xf32>
    %eq3A_162 = vector.broadcast %slice3A_159 : vector<1024x1xf32> to vector<1024x8xf32>
    %eq3A_163 = arith.cmpf oeq, %eq3A_162, %slice3A : vector<1024x8xf32>
    %gt3A_164 = arith.constant 6 : i32
    %gt3A_165 = vector.broadcast %gt3A_164 : i32 to vector<1024x8xi32>
    %gt3A_166 = arith.cmpi sgt, %iota3A, %gt3A_165 : vector<1024x8xi32>
    %and3A_167 = arith.andi %eq3A_163, %gt3A_166 : vector<1024x8xi1>
    %or3A_168 = arith.ori %gt3A_161, %and3A_167 : vector<1024x8xi1>
    %convert_element_type3A_169 = arith.extui %or3A_168 : vector<1024x8xi1> to vector<1024x8xi32>
    %convert_element_type3A_170 = arith.sitofp %convert_element_type3A_169 : vector<1024x8xi32> to vector<1024x8xf32>
    %add3A_171 = arith.addf %add3A_158, %convert_element_type3A_170 : vector<1024x8xf32>
    %slice3A_172 = vector.extract_strided_slice %slice3A {offsets = [0, 7], sizes = [1024, 1], strides = [1, 1]} : vector<1024x8xf32> to vector<1024x1xf32>
    %gt3A_173 = vector.broadcast %slice3A_172 : vector<1024x1xf32> to vector<1024x8xf32>
    %gt3A_174 = arith.cmpf ogt, %gt3A_173, %slice3A : vector<1024x8xf32>
    %eq3A_175 = vector.broadcast %slice3A_172 : vector<1024x1xf32> to vector<1024x8xf32>
    %eq3A_176 = arith.cmpf oeq, %eq3A_175, %slice3A : vector<1024x8xf32>
    %gt3A_177 = arith.constant 7 : i32
    %gt3A_178 = vector.broadcast %gt3A_177 : i32 to vector<1024x8xi32>
    %gt3A_179 = arith.cmpi sgt, %iota3A, %gt3A_178 : vector<1024x8xi32>
    %and3A_180 = arith.andi %eq3A_176, %gt3A_179 : vector<1024x8xi1>
    %or3A_181 = arith.ori %gt3A_174, %and3A_180 : vector<1024x8xi1>
    %convert_element_type3A_182 = arith.extui %or3A_181 : vector<1024x8xi1> to vector<1024x8xi32>
    %convert_element_type3A_183 = arith.sitofp %convert_element_type3A_182 : vector<1024x8xi32> to vector<1024x8xf32>
    %add3A_184 = arith.addf %add3A_171, %convert_element_type3A_183 : vector<1024x8xf32>
    %eq3A_185 = arith.constant 0.000000e+00 : f32
    %eq3A_186 = vector.broadcast %eq3A_185 : f32 to vector<1024x8xf32>
    %eq3A_187 = arith.cmpf oeq, %add3A_184, %eq3A_186 : vector<1024x8xf32>
    %convert_element_type3A_188 = arith.extui %eq3A_187 : vector<1024x8xi1> to vector<1024x8xi32>
    %convert_element_type3A_189 = arith.sitofp %convert_element_type3A_188 : vector<1024x8xi32> to vector<1024x8xf32>
    %eq3A_190 = arith.constant 1.000000e+00 : f32
    %eq3A_191 = vector.broadcast %eq3A_190 : f32 to vector<1024x8xf32>
    %eq3A_192 = arith.cmpf oeq, %add3A_184, %eq3A_191 : vector<1024x8xf32>
    %convert_element_type3A_193 = arith.extui %eq3A_192 : vector<1024x8xi1> to vector<1024x8xi32>
    %convert_element_type3A_194 = arith.sitofp %convert_element_type3A_193 : vector<1024x8xi32> to vector<1024x8xf32>
    %eq3A_195 = arith.constant 2.000000e+00 : f32
    %eq3A_196 = vector.broadcast %eq3A_195 : f32 to vector<1024x8xf32>
    %eq3A_197 = arith.cmpf oeq, %add3A_184, %eq3A_196 : vector<1024x8xf32>
    %convert_element_type3A_198 = arith.extui %eq3A_197 : vector<1024x8xi1> to vector<1024x8xi32>
    %convert_element_type3A_199 = arith.sitofp %convert_element_type3A_198 : vector<1024x8xi32> to vector<1024x8xf32>
    %mul3A_200 = arith.mulf %slice3A, %convert_element_type3A_189 : vector<1024x8xf32>
    %reduce_sum3A_201 = arith.constant dense<0.000000e+00> : vector<1024xf32>
    %reduce_sum3A_202 = vector.multi_reduction <add>, %mul3A_200, %reduce_sum3A_201 [1] : vector<1024x8xf32> to vector<1024xf32>
    %broadcast_in_dim3A_203 = vector.shape_cast %reduce_sum3A_202 : vector<1024xf32> to vector<1024x1xf32>
    %mul3A_204 = arith.mulf %slice3A, %convert_element_type3A_194 : vector<1024x8xf32>
    %reduce_sum3A_205 = arith.constant dense<0.000000e+00> : vector<1024xf32>
    %reduce_sum3A_206 = vector.multi_reduction <add>, %mul3A_204, %reduce_sum3A_205 [1] : vector<1024x8xf32> to vector<1024xf32>
    %broadcast_in_dim3A_207 = vector.shape_cast %reduce_sum3A_206 : vector<1024xf32> to vector<1024x1xf32>
    %mul3A_208 = arith.mulf %slice3A, %convert_element_type3A_199 : vector<1024x8xf32>
    %reduce_sum3A_209 = arith.constant dense<0.000000e+00> : vector<1024xf32>
    %reduce_sum3A_210 = vector.multi_reduction <add>, %mul3A_208, %reduce_sum3A_209 [1] : vector<1024x8xf32> to vector<1024xf32>
    %broadcast_in_dim3A_211 = vector.shape_cast %reduce_sum3A_210 : vector<1024xf32> to vector<1024x1xf32>
    %sub3A_212 = arith.subf %broadcast_in_dim3A_207, %broadcast_in_dim3A_211 : vector<1024x1xf32>
    %mul3A_213 = arith.constant 16666.666 : f32
    %mul3A_214 = vector.broadcast %mul3A_213 : f32 to vector<1024x1xf32>
    %mul3A_215 = arith.mulf %sub3A_212, %mul3A_214 : vector<1024x1xf32>
    %add3A_216 = arith.constant 5.000000e-01 : f32
    %add3A_217 = vector.broadcast %add3A_216 : f32 to vector<1024x1xf32>
    %add3A_218 = arith.addf %add3A_217, %mul3A_215 : vector<1024x1xf32>
    %jit3A = arith.constant 0.000000e+00 : f32
    %jit3A_219 = arith.constant 1.000000e+00 : f32
    %max3A = vector.broadcast %jit3A : f32 to vector<1024x1xf32>
    %max3A_220 = arith.maximumf %max3A, %add3A_218 : vector<1024x1xf32>
    %min3A = vector.broadcast %jit3A_219 : f32 to vector<1024x1xf32>
    %min3A_221 = arith.minimumf %min3A, %max3A_220 : vector<1024x1xf32>
    %add3A_222 = arith.addf %broadcast_in_dim3A_203, %broadcast_in_dim3A_207 : vector<1024x1xf32>
    %max3A_223 = arith.constant 9.99999996E-13 : f32
    %max3A_224 = vector.broadcast %max3A_223 : f32 to vector<1024x1xf32>
    %max3A_225 = arith.maximumf %add3A_222, %max3A_224 : vector<1024x1xf32>
    %div3A_226 = arith.constant 1.000000e+00 : f32
    %div3A_227 = vector.broadcast %div3A_226 : f32 to vector<1024x1xf32>
    %div3A_228 = arith.divf %div3A_227, %max3A_225 : vector<1024x1xf32>
    %add3A_229 = arith.addf %broadcast_in_dim3A_203, %broadcast_in_dim3A_211 : vector<1024x1xf32>
    %max3A_230 = arith.constant 9.99999996E-13 : f32
    %max3A_231 = vector.broadcast %max3A_230 : f32 to vector<1024x1xf32>
    %max3A_232 = arith.maximumf %add3A_229, %max3A_231 : vector<1024x1xf32>
    %div3A_233 = arith.constant 1.000000e+00 : f32
    %div3A_234 = vector.broadcast %div3A_233 : f32 to vector<1024x1xf32>
    %div3A_235 = arith.divf %div3A_234, %max3A_232 : vector<1024x1xf32>
    %mul3A_236 = arith.mulf %min3A_221, %div3A_228 : vector<1024x1xf32>
    %sub3A_237 = arith.constant 1.000000e+00 : f32
    %sub3A_238 = vector.broadcast %sub3A_237 : f32 to vector<1024x1xf32>
    %sub3A_239 = arith.subf %sub3A_238, %min3A_221 : vector<1024x1xf32>
    %mul3A_240 = arith.mulf %sub3A_239, %div3A_235 : vector<1024x1xf32>
    %add3A_241 = arith.addf %mul3A_236, %mul3A_240 : vector<1024x1xf32>
    %mul3A_242 = arith.mulf %broadcast_in_dim3A_203, %add3A_241 : vector<1024x1xf32>
    %mul3A_243 = vector.broadcast %mul3A_242 : vector<1024x1xf32> to vector<1024x8xf32>
    %mul3A_244 = arith.mulf %convert_element_type3A_189, %mul3A_243 : vector<1024x8xf32>
    %mul3A_245 = arith.mulf %min3A_221, %broadcast_in_dim3A_207 : vector<1024x1xf32>
    %mul3A_246 = arith.mulf %mul3A_245, %div3A_228 : vector<1024x1xf32>
    %mul3A_247 = vector.broadcast %mul3A_246 : vector<1024x1xf32> to vector<1024x8xf32>
    %mul3A_248 = arith.mulf %convert_element_type3A_194, %mul3A_247 : vector<1024x8xf32>
    %add3A_249 = arith.addf %mul3A_244, %mul3A_248 : vector<1024x8xf32>
    %sub3A_250 = arith.constant 1.000000e+00 : f32
    %sub3A_251 = vector.broadcast %sub3A_250 : f32 to vector<1024x1xf32>
    %sub3A_252 = arith.subf %sub3A_251, %min3A_221 : vector<1024x1xf32>
    %mul3A_253 = arith.mulf %sub3A_252, %broadcast_in_dim3A_211 : vector<1024x1xf32>
    %mul3A_254 = arith.mulf %mul3A_253, %div3A_235 : vector<1024x1xf32>
    %mul3A_255 = vector.broadcast %mul3A_254 : vector<1024x1xf32> to vector<1024x8xf32>
    %mul3A_256 = arith.mulf %convert_element_type3A_199, %mul3A_255 : vector<1024x8xf32>
    %add3A_257 = arith.addf %add3A_249, %mul3A_256 : vector<1024x8xf32>
    %swap3A = arith.constant 0 : index
    %swap3A_258 = arith.constant 0 : index
    %swap3A_259 = vector.load %arg6[%swap3A, %swap3A_258] : memref<1024x8xf32, #tpu.memory_space<vmem>>, vector<1024x8xf32>
    tpu.vector_store %arg6[%swap3A, %swap3A_258], %add3A_257 {strides = array<i32>} : memref<1024x8xf32, #tpu.memory_space<vmem>>, vector<1024x8xf32>,
    %slice3A_260 = vector.extract_strided_slice %div3A_82 {offsets = [0, 8], sizes = [1024, 8], strides = [1, 1]} : vector<1024x16xf32> to vector<1024x8xf32>
    %iota3A_261 = tpu.iota {dimensions = array<i32: 1>} : vector<1024x8xi32>
    %broadcast_in_dim3A_262 = arith.constant 0.000000e+00 : f32
    %broadcast_in_dim3A_263 = vector.broadcast %broadcast_in_dim3A_262 : f32 to vector<1024x8xf32>
    %slice3A_264 = vector.extract_strided_slice %slice3A_260 {offsets = [0, 0], sizes = [1024, 1], strides = [1, 1]} : vector<1024x8xf32> to vector<1024x1xf32>
    %gt3A_265 = vector.broadcast %slice3A_264 : vector<1024x1xf32> to vector<1024x8xf32>
    %gt3A_266 = arith.cmpf ogt, %gt3A_265, %slice3A_260 : vector<1024x8xf32>
    %eq3A_267 = vector.broadcast %slice3A_264 : vector<1024x1xf32> to vector<1024x8xf32>
    %eq3A_268 = arith.cmpf oeq, %eq3A_267, %slice3A_260 : vector<1024x8xf32>
    %gt3A_269 = arith.constant 0 : i32
    %gt3A_270 = vector.broadcast %gt3A_269 : i32 to vector<1024x8xi32>
    %gt3A_271 = arith.cmpi sgt, %iota3A_261, %gt3A_270 : vector<1024x8xi32>
    %and3A_272 = arith.andi %eq3A_268, %gt3A_271 : vector<1024x8xi1>
    %or3A_273 = arith.ori %gt3A_266, %and3A_272 : vector<1024x8xi1>
    %convert_element_type3A_274 = arith.extui %or3A_273 : vector<1024x8xi1> to vector<1024x8xi32>
    %convert_element_type3A_275 = arith.sitofp %convert_element_type3A_274 : vector<1024x8xi32> to vector<1024x8xf32>
    %add3A_276 = arith.addf %broadcast_in_dim3A_263, %convert_element_type3A_275 : vector<1024x8xf32>
    %slice3A_277 = vector.extract_strided_slice %slice3A_260 {offsets = [0, 1], sizes = [1024, 1], strides = [1, 1]} : vector<1024x8xf32> to vector<1024x1xf32>
    %gt3A_278 = vector.broadcast %slice3A_277 : vector<1024x1xf32> to vector<1024x8xf32>
    %gt3A_279 = arith.cmpf ogt, %gt3A_278, %slice3A_260 : vector<1024x8xf32>
    %eq3A_280 = vector.broadcast %slice3A_277 : vector<1024x1xf32> to vector<1024x8xf32>
    %eq3A_281 = arith.cmpf oeq, %eq3A_280, %slice3A_260 : vector<1024x8xf32>
    %gt3A_282 = arith.constant 1 : i32
    %gt3A_283 = vector.broadcast %gt3A_282 : i32 to vector<1024x8xi32>
    %gt3A_284 = arith.cmpi sgt, %iota3A_261, %gt3A_283 : vector<1024x8xi32>
    %and3A_285 = arith.andi %eq3A_281, %gt3A_284 : vector<1024x8xi1>
    %or3A_286 = arith.ori %gt3A_279, %and3A_285 : vector<1024x8xi1>
    %convert_element_type3A_287 = arith.extui %or3A_286 : vector<1024x8xi1> to vector<1024x8xi32>
    %convert_element_type3A_288 = arith.sitofp %convert_element_type3A_287 : vector<1024x8xi32> to vector<1024x8xf32>
    %add3A_289 = arith.addf %add3A_276, %convert_element_type3A_288 : vector<1024x8xf32>
    %slice3A_290 = vector.extract_strided_slice %slice3A_260 {offsets = [0, 2], sizes = [1024, 1], strides = [1, 1]} : vector<1024x8xf32> to vector<1024x1xf32>
    %gt3A_291 = vector.broadcast %slice3A_290 : vector<1024x1xf32> to vector<1024x8xf32>
    %gt3A_292 = arith.cmpf ogt, %gt3A_291, %slice3A_260 : vector<1024x8xf32>
    %eq3A_293 = vector.broadcast %slice3A_290 : vector<1024x1xf32> to vector<1024x8xf32>
    %eq3A_294 = arith.cmpf oeq, %eq3A_293, %slice3A_260 : vector<1024x8xf32>
    %gt3A_295 = arith.constant 2 : i32
    %gt3A_296 = vector.broadcast %gt3A_295 : i32 to vector<1024x8xi32>
    %gt3A_297 = arith.cmpi sgt, %iota3A_261, %gt3A_296 : vector<1024x8xi32>
    %and3A_298 = arith.andi %eq3A_294, %gt3A_297 : vector<1024x8xi1>
    %or3A_299 = arith.ori %gt3A_292, %and3A_298 : vector<1024x8xi1>
    %convert_element_type3A_300 = arith.extui %or3A_299 : vector<1024x8xi1> to vector<1024x8xi32>
    %convert_element_type3A_301 = arith.sitofp %convert_element_type3A_300 : vector<1024x8xi32> to vector<1024x8xf32>
    %add3A_302 = arith.addf %add3A_289, %convert_element_type3A_301 : vector<1024x8xf32>
    %slice3A_303 = vector.extract_strided_slice %slice3A_260 {offsets = [0, 3], sizes = [1024, 1], strides = [1, 1]} : vector<1024x8xf32> to vector<1024x1xf32>
    %gt3A_304 = vector.broadcast %slice3A_303 : vector<1024x1xf32> to vector<1024x8xf32>
    %gt3A_305 = arith.cmpf ogt, %gt3A_304, %slice3A_260 : vector<1024x8xf32>
    %eq3A_306 = vector.broadcast %slice3A_303 : vector<1024x1xf32> to vector<1024x8xf32>
    %eq3A_307 = arith.cmpf oeq, %eq3A_306, %slice3A_260 : vector<1024x8xf32>
    %gt3A_308 = arith.constant 3 : i32
    %gt3A_309 = vector.broadcast %gt3A_308 : i32 to vector<1024x8xi32>
    %gt3A_310 = arith.cmpi sgt, %iota3A_261, %gt3A_309 : vector<1024x8xi32>
    %and3A_311 = arith.andi %eq3A_307, %gt3A_310 : vector<1024x8xi1>
    %or3A_312 = arith.ori %gt3A_305, %and3A_311 : vector<1024x8xi1>
    %convert_element_type3A_313 = arith.extui %or3A_312 : vector<1024x8xi1> to vector<1024x8xi32>
    %convert_element_type3A_314 = arith.sitofp %convert_element_type3A_313 : vector<1024x8xi32> to vector<1024x8xf32>
    %add3A_315 = arith.addf %add3A_302, %convert_element_type3A_314 : vector<1024x8xf32>
    %slice3A_316 = vector.extract_strided_slice %slice3A_260 {offsets = [0, 4], sizes = [1024, 1], strides = [1, 1]} : vector<1024x8xf32> to vector<1024x1xf32>
    %gt3A_317 = vector.broadcast %slice3A_316 : vector<1024x1xf32> to vector<1024x8xf32>
    %gt3A_318 = arith.cmpf ogt, %gt3A_317, %slice3A_260 : vector<1024x8xf32>
    %eq3A_319 = vector.broadcast %slice3A_316 : vector<1024x1xf32> to vector<1024x8xf32>
    %eq3A_320 = arith.cmpf oeq, %eq3A_319, %slice3A_260 : vector<1024x8xf32>
    %gt3A_321 = arith.constant 4 : i32
    %gt3A_322 = vector.broadcast %gt3A_321 : i32 to vector<1024x8xi32>
    %gt3A_323 = arith.cmpi sgt, %iota3A_261, %gt3A_322 : vector<1024x8xi32>
    %and3A_324 = arith.andi %eq3A_320, %gt3A_323 : vector<1024x8xi1>
    %or3A_325 = arith.ori %gt3A_318, %and3A_324 : vector<1024x8xi1>
    %convert_element_type3A_326 = arith.extui %or3A_325 : vector<1024x8xi1> to vector<1024x8xi32>
    %convert_element_type3A_327 = arith.sitofp %convert_element_type3A_326 : vector<1024x8xi32> to vector<1024x8xf32>
    %add3A_328 = arith.addf %add3A_315, %convert_element_type3A_327 : vector<1024x8xf32>
    %slice3A_329 = vector.extract_strided_slice %slice3A_260 {offsets = [0, 5], sizes = [1024, 1], strides = [1, 1]} : vector<1024x8xf32> to vector<1024x1xf32>
    %gt3A_330 = vector.broadcast %slice3A_329 : vector<1024x1xf32> to vector<1024x8xf32>
    %gt3A_331 = arith.cmpf ogt, %gt3A_330, %slice3A_260 : vector<1024x8xf32>
    %eq3A_332 = vector.broadcast %slice3A_329 : vector<1024x1xf32> to vector<1024x8xf32>
    %eq3A_333 = arith.cmpf oeq, %eq3A_332, %slice3A_260 : vector<1024x8xf32>
    %gt3A_334 = arith.constant 5 : i32
    %gt3A_335 = vector.broadcast %gt3A_334 : i32 to vector<1024x8xi32>
    %gt3A_336 = arith.cmpi sgt, %iota3A_261, %gt3A_335 : vector<1024x8xi32>
    %and3A_337 = arith.andi %eq3A_333, %gt3A_336 : vector<1024x8xi1>
    %or3A_338 = arith.ori %gt3A_331, %and3A_337 : vector<1024x8xi1>
    %convert_element_type3A_339 = arith.extui %or3A_338 : vector<1024x8xi1> to vector<1024x8xi32>
    %convert_element_type3A_340 = arith.sitofp %convert_element_type3A_339 : vector<1024x8xi32> to vector<1024x8xf32>
    %add3A_341 = arith.addf %add3A_328, %convert_element_type3A_340 : vector<1024x8xf32>
    %slice3A_342 = vector.extract_strided_slice %slice3A_260 {offsets = [0, 6], sizes = [1024, 1], strides = [1, 1]} : vector<1024x8xf32> to vector<1024x1xf32>
    %gt3A_343 = vector.broadcast %slice3A_342 : vector<1024x1xf32> to vector<1024x8xf32>
    %gt3A_344 = arith.cmpf ogt, %gt3A_343, %slice3A_260 : vector<1024x8xf32>
    %eq3A_345 = vector.broadcast %slice3A_342 : vector<1024x1xf32> to vector<1024x8xf32>
    %eq3A_346 = arith.cmpf oeq, %eq3A_345, %slice3A_260 : vector<1024x8xf32>
    %gt3A_347 = arith.constant 6 : i32
    %gt3A_348 = vector.broadcast %gt3A_347 : i32 to vector<1024x8xi32>
    %gt3A_349 = arith.cmpi sgt, %iota3A_261, %gt3A_348 : vector<1024x8xi32>
    %and3A_350 = arith.andi %eq3A_346, %gt3A_349 : vector<1024x8xi1>
    %or3A_351 = arith.ori %gt3A_344, %and3A_350 : vector<1024x8xi1>
    %convert_element_type3A_352 = arith.extui %or3A_351 : vector<1024x8xi1> to vector<1024x8xi32>
    %convert_element_type3A_353 = arith.sitofp %convert_element_type3A_352 : vector<1024x8xi32> to vector<1024x8xf32>
    %add3A_354 = arith.addf %add3A_341, %convert_element_type3A_353 : vector<1024x8xf32>
    %slice3A_355 = vector.extract_strided_slice %slice3A_260 {offsets = [0, 7], sizes = [1024, 1], strides = [1, 1]} : vector<1024x8xf32> to vector<1024x1xf32>
    %gt3A_356 = vector.broadcast %slice3A_355 : vector<1024x1xf32> to vector<1024x8xf32>
    %gt3A_357 = arith.cmpf ogt, %gt3A_356, %slice3A_260 : vector<1024x8xf32>
    %eq3A_358 = vector.broadcast %slice3A_355 : vector<1024x1xf32> to vector<1024x8xf32>
    %eq3A_359 = arith.cmpf oeq, %eq3A_358, %slice3A_260 : vector<1024x8xf32>
    %gt3A_360 = arith.constant 7 : i32
    %gt3A_361 = vector.broadcast %gt3A_360 : i32 to vector<1024x8xi32>
    %gt3A_362 = arith.cmpi sgt, %iota3A_261, %gt3A_361 : vector<1024x8xi32>
    %and3A_363 = arith.andi %eq3A_359, %gt3A_362 : vector<1024x8xi1>
    %or3A_364 = arith.ori %gt3A_357, %and3A_363 : vector<1024x8xi1>
    %convert_element_type3A_365 = arith.extui %or3A_364 : vector<1024x8xi1> to vector<1024x8xi32>
    %convert_element_type3A_366 = arith.sitofp %convert_element_type3A_365 : vector<1024x8xi32> to vector<1024x8xf32>
    %add3A_367 = arith.addf %add3A_354, %convert_element_type3A_366 : vector<1024x8xf32>
    %eq3A_368 = arith.constant 0.000000e+00 : f32
    %eq3A_369 = vector.broadcast %eq3A_368 : f32 to vector<1024x8xf32>
    %eq3A_370 = arith.cmpf oeq, %add3A_367, %eq3A_369 : vector<1024x8xf32>
    %convert_element_type3A_371 = arith.extui %eq3A_370 : vector<1024x8xi1> to vector<1024x8xi32>
    %convert_element_type3A_372 = arith.sitofp %convert_element_type3A_371 : vector<1024x8xi32> to vector<1024x8xf32>
    %eq3A_373 = arith.constant 1.000000e+00 : f32
    %eq3A_374 = vector.broadcast %eq3A_373 : f32 to vector<1024x8xf32>
    %eq3A_375 = arith.cmpf oeq, %add3A_367, %eq3A_374 : vector<1024x8xf32>
    %convert_element_type3A_376 = arith.extui %eq3A_375 : vector<1024x8xi1> to vector<1024x8xi32>
    %convert_element_type3A_377 = arith.sitofp %convert_element_type3A_376 : vector<1024x8xi32> to vector<1024x8xf32>
    %eq3A_378 = arith.constant 2.000000e+00 : f32
    %eq3A_379 = vector.broadcast %eq3A_378 : f32 to vector<1024x8xf32>
    %eq3A_380 = arith.cmpf oeq, %add3A_367, %eq3A_379 : vector<1024x8xf32>
    %convert_element_type3A_381 = arith.extui %eq3A_380 : vector<1024x8xi1> to vector<1024x8xi32>
    %convert_element_type3A_382 = arith.sitofp %convert_element_type3A_381 : vector<1024x8xi32> to vector<1024x8xf32>
    %mul3A_383 = arith.mulf %slice3A_260, %convert_element_type3A_372 : vector<1024x8xf32>
    %reduce_sum3A_384 = arith.constant dense<0.000000e+00> : vector<1024xf32>
    %reduce_sum3A_385 = vector.multi_reduction <add>, %mul3A_383, %reduce_sum3A_384 [1] : vector<1024x8xf32> to vector<1024xf32>
    %broadcast_in_dim3A_386 = vector.shape_cast %reduce_sum3A_385 : vector<1024xf32> to vector<1024x1xf32>
    %mul3A_387 = arith.mulf %slice3A_260, %convert_element_type3A_377 : vector<1024x8xf32>
    %reduce_sum3A_388 = arith.constant dense<0.000000e+00> : vector<1024xf32>
    %reduce_sum3A_389 = vector.multi_reduction <add>, %mul3A_387, %reduce_sum3A_388 [1] : vector<1024x8xf32> to vector<1024xf32>
    %broadcast_in_dim3A_390 = vector.shape_cast %reduce_sum3A_389 : vector<1024xf32> to vector<1024x1xf32>
    %mul3A_391 = arith.mulf %slice3A_260, %convert_element_type3A_382 : vector<1024x8xf32>
    %reduce_sum3A_392 = arith.constant dense<0.000000e+00> : vector<1024xf32>
    %reduce_sum3A_393 = vector.multi_reduction <add>, %mul3A_391, %reduce_sum3A_392 [1] : vector<1024x8xf32> to vector<1024xf32>
    %broadcast_in_dim3A_394 = vector.shape_cast %reduce_sum3A_393 : vector<1024xf32> to vector<1024x1xf32>
    %sub3A_395 = arith.subf %broadcast_in_dim3A_390, %broadcast_in_dim3A_394 : vector<1024x1xf32>
    %mul3A_396 = arith.constant 16666.666 : f32
    %mul3A_397 = vector.broadcast %mul3A_396 : f32 to vector<1024x1xf32>
    %mul3A_398 = arith.mulf %sub3A_395, %mul3A_397 : vector<1024x1xf32>
    %add3A_399 = arith.constant 5.000000e-01 : f32
    %add3A_400 = vector.broadcast %add3A_399 : f32 to vector<1024x1xf32>
    %add3A_401 = arith.addf %add3A_400, %mul3A_398 : vector<1024x1xf32>
    %jit3A_402 = arith.constant 0.000000e+00 : f32
    %jit3A_403 = arith.constant 1.000000e+00 : f32
    %max3A_404 = vector.broadcast %jit3A_402 : f32 to vector<1024x1xf32>
    %max3A_405 = arith.maximumf %max3A_404, %add3A_401 : vector<1024x1xf32>
    %min3A_406 = vector.broadcast %jit3A_403 : f32 to vector<1024x1xf32>
    %min3A_407 = arith.minimumf %min3A_406, %max3A_405 : vector<1024x1xf32>
    %add3A_408 = arith.addf %broadcast_in_dim3A_386, %broadcast_in_dim3A_390 : vector<1024x1xf32>
    %max3A_409 = arith.constant 9.99999996E-13 : f32
    %max3A_410 = vector.broadcast %max3A_409 : f32 to vector<1024x1xf32>
    %max3A_411 = arith.maximumf %add3A_408, %max3A_410 : vector<1024x1xf32>
    %div3A_412 = arith.constant 1.000000e+00 : f32
    %div3A_413 = vector.broadcast %div3A_412 : f32 to vector<1024x1xf32>
    %div3A_414 = arith.divf %div3A_413, %max3A_411 : vector<1024x1xf32>
    %add3A_415 = arith.addf %broadcast_in_dim3A_386, %broadcast_in_dim3A_394 : vector<1024x1xf32>
    %max3A_416 = arith.constant 9.99999996E-13 : f32
    %max3A_417 = vector.broadcast %max3A_416 : f32 to vector<1024x1xf32>
    %max3A_418 = arith.maximumf %add3A_415, %max3A_417 : vector<1024x1xf32>
    %div3A_419 = arith.constant 1.000000e+00 : f32
    %div3A_420 = vector.broadcast %div3A_419 : f32 to vector<1024x1xf32>
    %div3A_421 = arith.divf %div3A_420, %max3A_418 : vector<1024x1xf32>
    %mul3A_422 = arith.mulf %min3A_407, %div3A_414 : vector<1024x1xf32>
    %sub3A_423 = arith.constant 1.000000e+00 : f32
    %sub3A_424 = vector.broadcast %sub3A_423 : f32 to vector<1024x1xf32>
    %sub3A_425 = arith.subf %sub3A_424, %min3A_407 : vector<1024x1xf32>
    %mul3A_426 = arith.mulf %sub3A_425, %div3A_421 : vector<1024x1xf32>
    %add3A_427 = arith.addf %mul3A_422, %mul3A_426 : vector<1024x1xf32>
    %mul3A_428 = arith.mulf %broadcast_in_dim3A_386, %add3A_427 : vector<1024x1xf32>
    %mul3A_429 = vector.broadcast %mul3A_428 : vector<1024x1xf32> to vector<1024x8xf32>
    %mul3A_430 = arith.mulf %convert_element_type3A_372, %mul3A_429 : vector<1024x8xf32>
    %mul3A_431 = arith.mulf %min3A_407, %broadcast_in_dim3A_390 : vector<1024x1xf32>
    %mul3A_432 = arith.mulf %mul3A_431, %div3A_414 : vector<1024x1xf32>
    %mul3A_433 = vector.broadcast %mul3A_432 : vector<1024x1xf32> to vector<1024x8xf32>
    %mul3A_434 = arith.mulf %convert_element_type3A_377, %mul3A_433 : vector<1024x8xf32>
    %add3A_435 = arith.addf %mul3A_430, %mul3A_434 : vector<1024x8xf32>
    %sub3A_436 = arith.constant 1.000000e+00 : f32
    %sub3A_437 = vector.broadcast %sub3A_436 : f32 to vector<1024x1xf32>
    %sub3A_438 = arith.subf %sub3A_437, %min3A_407 : vector<1024x1xf32>
    %mul3A_439 = arith.mulf %sub3A_438, %broadcast_in_dim3A_394 : vector<1024x1xf32>
    %mul3A_440 = arith.mulf %mul3A_439, %div3A_421 : vector<1024x1xf32>
    %mul3A_441 = vector.broadcast %mul3A_440 : vector<1024x1xf32> to vector<1024x8xf32>
    %mul3A_442 = arith.mulf %convert_element_type3A_382, %mul3A_441 : vector<1024x8xf32>
    %add3A_443 = arith.addf %add3A_435, %mul3A_442 : vector<1024x8xf32>
    %swap3A_444 = arith.constant 0 : index
    %swap3A_445 = arith.constant 0 : index
    %swap3A_446 = vector.load %arg7[%swap3A_444, %swap3A_445] : memref<1024x8xf32, #tpu.memory_space<vmem>>, vector<1024x8xf32>
    tpu.vector_store %arg7[%swap3A_444, %swap3A_445], %add3A_443 {strides = array<i32>} : memref<1024x8xf32, #tpu.memory_space<vmem>>, vector<1024x8xf32>,
    return
  }
  func.func @transform_0(%arg0: i32) -> (i32, i32) {
    %c0_i32 = arith.constant 0 : i32
    %c0_i32_0 = arith.constant 0 : i32
    return %arg0, %c0_i32 : i32, i32
  }
  func.func @transform_1(%arg0: i32) -> (i32, i32) {
    %c0_i32 = arith.constant 0 : i32
    %c0_i32_0 = arith.constant 0 : i32
    %c0_i32_1 = arith.constant 0 : i32
    return %c0_i32, %c0_i32_0 : i32, i32
  }
  func.func @transform_2(%arg0: i32) -> (i32, i32) {
    %c0_i32 = arith.constant 0 : i32
    %c0_i32_0 = arith.constant 0 : i32
    %c0_i32_1 = arith.constant 0 : i32
    return %c0_i32, %c0_i32_0 : i32, i32
  }
  func.func @transform_3(%arg0: i32) -> (i32, i32) {
    %c0_i32 = arith.constant 0 : i32
    %c0_i32_0 = arith.constant 0 : i32
    %c0_i32_1 = arith.constant 0 : i32
    return %c0_i32, %c0_i32_0 : i32, i32
  }
  func.func @transform_4(%arg0: i32) -> (i32, i32) {
    %c0_i32 = arith.constant 0 : i32
    %c0_i32_0 = arith.constant 0 : i32
    %c0_i32_1 = arith.constant 0 : i32
    return %c0_i32, %c0_i32_0 : i32, i32
  }
  func.func @transform_5(%arg0: i32) -> (i32, i32) {
    %c0_i32 = arith.constant 0 : i32
    %c0_i32_0 = arith.constant 0 : i32
    return %arg0, %c0_i32 : i32, i32
  }
  func.func @transform_6(%arg0: i32) -> (i32, i32) {
    %c0_i32 = arith.constant 0 : i32
    %c0_i32_0 = arith.constant 0 : i32
    return %arg0, %c0_i32 : i32, i32
  }
}

module attributes {stable_mosaic.version = 14 : i64} {
  func.func @body(%arg0: i32, %arg1: memref<512x8xf32, #tpu.memory_space<vmem>>, %arg2: memref<512x8xf32, #tpu.memory_space<vmem>>, %arg3: memref<1x8xf32, #tpu.memory_space<vmem>>, %arg4: memref<1x8xf32, #tpu.memory_space<vmem>>) attributes {dimension_semantics = [#tpu.dimension_semantics<arbitrary>], iteration_bounds = array<i64: 4>, scalar_prefetch = 0 : i64, scratch_operands = 1 : i64, tpu.core_type = #tpu.core_type<tc>, window_params = [{transform_indices = @transform_0, window_bounds = array<i64: 512, 8>}, {transform_indices = @transform_1, window_bounds = array<i64: 512, 8>}, {pipeline_mode = #tpu.pipeline_mode<synchronous>, transform_indices = @transform_2, window_bounds = array<i64: 1, 8>}]} {
    %eq3A = arith.constant 0 : i32
    %eq3A_0 = arith.cmpi eq, %arg0, %eq3A : i32
    %convert_element_type3A = arith.extui %eq3A_0 : i1 to i32
    %cond3A = arith.constant 0 : i32
    %cond3A_1 = arith.cmpi ne, %convert_element_type3A, %cond3A : i32
    scf.if %cond3A_1 {
      %broadcast_in_dim3A_32 = arith.constant 0.000000e+00 : f32
      %broadcast_in_dim3A_33 = vector.broadcast %broadcast_in_dim3A_32 : f32 to vector<1x8xf32>
      %swap3A_34 = arith.constant 0 : index
      %swap3A_35 = arith.constant 0 : index
      %swap3A_36 = vector.load %arg4[%swap3A_34, %swap3A_35] : memref<1x8xf32, #tpu.memory_space<vmem>>, vector<1x8xf32>
      tpu.vector_store %arg4[%swap3A_34, %swap3A_35], %broadcast_in_dim3A_33 {strides = array<i32>} : memref<1x8xf32, #tpu.memory_space<vmem>>, vector<1x8xf32>,
    } else {
    }
    %get3A = arith.constant 0 : index
    %get3A_2 = arith.constant 0 : index
    %get3A_3 = vector.load %arg1[%get3A, %get3A_2] : memref<512x8xf32, #tpu.memory_space<vmem>>, vector<512x8xf32>
    %gt3A = arith.constant 0.000000e+00 : f32
    %gt3A_4 = vector.broadcast %gt3A : f32 to vector<512x8xf32>
    %gt3A_5 = arith.cmpf ogt, %get3A_3, %gt3A_4 : vector<512x8xf32>
    %convert_element_type3A_6 = arith.extui %gt3A_5 : vector<512x8xi1> to vector<512x8xi32>
    %convert_element_type3A_7 = arith.sitofp %convert_element_type3A_6 : vector<512x8xi32> to vector<512x8xf32>
    %iota3A = tpu.iota {dimensions = array<i32: 0>} : vector<512x512xi32>
    %iota3A_8 = tpu.iota {dimensions = array<i32: 1>} : vector<512x512xi32>
    %lt3A = arith.cmpi slt, %iota3A_8, %iota3A : vector<512x512xi32>
    %convert_element_type3A_9 = arith.extui %lt3A : vector<512x512xi1> to vector<512x512xi32>
    %convert_element_type3A_10 = arith.sitofp %convert_element_type3A_9 : vector<512x512xi32> to vector<512x512xf32>
    %get3A_11 = arith.constant 0 : index
    %get3A_12 = arith.constant 0 : index
    %get3A_13 = vector.load %arg4[%get3A_11, %get3A_12] : memref<1x8xf32, #tpu.memory_space<vmem>>, vector<1x8xf32>
    %dot_general3A = arith.constant dense<0.000000e+00> : vector<512x8xf32>
    %dot_general3A_14 = tpu.matmul %convert_element_type3A_10, %convert_element_type3A_7, %dot_general3A {dimension_numbers = #tpu.dot_dimension_numbers<[1], [0], [0], [1], [0, 0, 1, 1], [], []>, precision = #tpu.contract_precision<fp32>, transpose_lhs_hint = false} : vector<512x512xf32>, vector<512x8xf32>, vector<512x8xf32> -> vector<512x8xf32>
    %add3A = vector.broadcast %get3A_13 : vector<1x8xf32> to vector<512x8xf32>
    %add3A_15 = arith.addf %add3A, %dot_general3A_14 : vector<512x8xf32>
    %swap3A = arith.constant 0 : index
    %swap3A_16 = arith.constant 0 : index
    %swap3A_17 = vector.load %arg2[%swap3A, %swap3A_16] : memref<512x8xf32, #tpu.memory_space<vmem>>, vector<512x8xf32>
    tpu.vector_store %arg2[%swap3A, %swap3A_16], %add3A_15 {strides = array<i32>} : memref<512x8xf32, #tpu.memory_space<vmem>>, vector<512x8xf32>,
    %get3A_18 = arith.constant 0 : index
    %get3A_19 = arith.constant 0 : index
    %get3A_20 = vector.load %arg4[%get3A_18, %get3A_19] : memref<1x8xf32, #tpu.memory_space<vmem>>, vector<1x8xf32>
    %reduce_sum3A = arith.constant dense<0.000000e+00> : vector<8xf32>
    %reduce_sum3A_21 = vector.multi_reduction <add>, %convert_element_type3A_7, %reduce_sum3A [0] : vector<512x8xf32> to vector<8xf32>
    %broadcast_in_dim3A = vector.shape_cast %reduce_sum3A_21 : vector<8xf32> to vector<1x8xf32>
    %add3A_22 = arith.addf %get3A_20, %broadcast_in_dim3A : vector<1x8xf32>
    %swap3A_23 = arith.constant 0 : index
    %swap3A_24 = arith.constant 0 : index
    %swap3A_25 = vector.load %arg4[%swap3A_23, %swap3A_24] : memref<1x8xf32, #tpu.memory_space<vmem>>, vector<1x8xf32>
    tpu.vector_store %arg4[%swap3A_23, %swap3A_24], %add3A_22 {strides = array<i32>} : memref<1x8xf32, #tpu.memory_space<vmem>>, vector<1x8xf32>,
    %get3A_26 = arith.constant 0 : index
    %get3A_27 = arith.constant 0 : index
    %get3A_28 = vector.load %arg4[%get3A_26, %get3A_27] : memref<1x8xf32, #tpu.memory_space<vmem>>, vector<1x8xf32>
    %swap3A_29 = arith.constant 0 : index
    %swap3A_30 = arith.constant 0 : index
    %swap3A_31 = vector.load %arg3[%swap3A_29, %swap3A_30] : memref<1x8xf32, #tpu.memory_space<vmem>>, vector<1x8xf32>
    tpu.vector_store %arg3[%swap3A_29, %swap3A_30], %get3A_28 {strides = array<i32>} : memref<1x8xf32, #tpu.memory_space<vmem>>, vector<1x8xf32>,
    return
  }
  func.func @transform_0(%arg0: i32) -> (i32, i32) {
    %c0_i32 = arith.constant 0 : i32
    %c0_i32_0 = arith.constant 0 : i32
    return %arg0, %c0_i32 : i32, i32
  }
  func.func @transform_1(%arg0: i32) -> (i32, i32) {
    %c0_i32 = arith.constant 0 : i32
    %c0_i32_0 = arith.constant 0 : i32
    return %arg0, %c0_i32 : i32, i32
  }
  func.func @transform_2(%arg0: i32) -> (i32, i32) {
    %c0_i32 = arith.constant 0 : i32
    %c0_i32_0 = arith.constant 0 : i32
    %c0_i32_1 = arith.constant 0 : i32
    return %c0_i32, %c0_i32_0 : i32, i32
  }
}

module attributes {stable_mosaic.version = 14 : i64} {
  func.func @body(%arg0: i32, %arg1: memref<55xi32, #tpu.memory_space<smem>>, %arg2: memref<1xi32, #tpu.memory_space<smem>>, %arg3: memref<1x1x2048xi32, #tpu.memory_space<vmem>>, %arg4: memref<2048x768xbf16, #tpu.memory_space<vmem>>, %arg5: memref<1x768x3072xbf16, #tpu.memory_space<vmem>>, %arg6: memref<1x1x3072xf32, #tpu.memory_space<vmem>>, %arg7: memref<1x3072x768xbf16, #tpu.memory_space<vmem>>, %arg8: memref<1x1x768xf32, #tpu.memory_space<vmem>>, %arg9: memref<128x768xf32, #tpu.memory_space<vmem>>) attributes {dimension_semantics = [#tpu.dimension_semantics<arbitrary>], iteration_bounds = array<i64: 55>, scalar_prefetch = 2 : i64, scratch_operands = 0 : i64, tpu.core_type = #tpu.core_type<tc>, window_params = [{transform_indices = @transform_0, window_bounds = array<i64: 1, 1, 2048>}, {pipeline_mode = #tpu.pipeline_mode<synchronous>, transform_indices = @transform_1, window_bounds = array<i64: 2048, 768>}, {transform_indices = @transform_2, window_bounds = array<i64: 1, 768, 3072>}, {transform_indices = @transform_3, window_bounds = array<i64: 1, 1, 3072>}, {transform_indices = @transform_4, window_bounds = array<i64: 1, 3072, 768>}, {transform_indices = @transform_5, window_bounds = array<i64: 1, 1, 768>}, {transform_indices = @transform_6, window_bounds = array<i64: 128, 768>}]} {
    %get3A = arith.constant 0 : index
    %get3A_0 = memref.load %arg2[%get3A] : memref<1xi32, #tpu.memory_space<smem>>
    %lt3A = arith.cmpi slt, %arg0, %get3A_0 : i32
    %convert_element_type3A = arith.extui %lt3A : i1 to i32
    %cond3A = arith.constant 0 : i32
    %cond3A_1 = arith.cmpi ne, %convert_element_type3A, %cond3A : i32
    scf.if %cond3A_1 {
      %iota3A = tpu.iota {dimensions = array<i32: 0>} : vector<128x2048xi32>
      %mul3A = arith.constant 128 : i32
      %mul3A_2 = arith.muli %arg0, %mul3A : i32
      %add3A = vector.broadcast %mul3A_2 : i32 to vector<128x2048xi32>
      %add3A_3 = arith.addi %iota3A, %add3A : vector<128x2048xi32>
      %get3A_4 = arith.constant 0 : index
      %get3A_5 = arith.constant 0 : index
      %get3A_6 = arith.constant 0 : index
      %get3A_7 = vector.load %arg3[%get3A_4, %get3A_5, %get3A_6] : memref<1x1x2048xi32, #tpu.memory_space<vmem>>, vector<1x1x2048xi32>
      %get3A_8 = vector.shape_cast %get3A_7 : vector<1x1x2048xi32> to vector<1x2048xi32>
      %eq3A = vector.broadcast %get3A_8 : vector<1x2048xi32> to vector<128x2048xi32>
      %eq3A_9 = arith.cmpi eq, %add3A_3, %eq3A : vector<128x2048xi32>
      %convert_element_type3A_10 = arith.extui %eq3A_9 : vector<128x2048xi1> to vector<128x2048xi32>
      %convert_element_type3A_11 = arith.sitofp %convert_element_type3A_10 : vector<128x2048xi32> to vector<128x2048xf32>
      %convert_element_type3A_12 = arith.truncf %convert_element_type3A_11 : vector<128x2048xf32> to vector<128x2048xbf16>
      %get3A_13 = arith.constant 0 : index
      %get3A_14 = arith.constant 0 : index
      %get3A_15 = vector.load %arg4[%get3A_13, %get3A_14] : memref<2048x768xbf16, #tpu.memory_space<vmem>>, vector<2048x768xbf16>
      %dot_general3A = arith.constant dense<0.000000e+00> : vector<128x768xf32>
      %dot_general3A_16 = tpu.matmul %convert_element_type3A_12, %get3A_15, %dot_general3A {dimension_numbers = #tpu.dot_dimension_numbers<[1], [0], [0], [1], [0, 0, 1, 1], [], []>, transpose_lhs_hint = false} : vector<128x2048xbf16>, vector<2048x768xbf16>, vector<128x768xf32> -> vector<128x768xf32>
      %convert_element_type3A_17 = arith.truncf %dot_general3A_16 : vector<128x768xf32> to vector<128x768xbf16>
      %get3A_18 = arith.constant 0 : index
      %get3A_19 = arith.constant 0 : index
      %get3A_20 = arith.constant 0 : index
      %get3A_21 = vector.load %arg5[%get3A_18, %get3A_19, %get3A_20] : memref<1x768x3072xbf16, #tpu.memory_space<vmem>>, vector<1x768x3072xbf16>
      %get3A_22 = vector.shape_cast %get3A_21 : vector<1x768x3072xbf16> to vector<768x3072xbf16>
      %dot_general3A_23 = arith.constant dense<0.000000e+00> : vector<128x3072xf32>
      %dot_general3A_24 = tpu.matmul %convert_element_type3A_17, %get3A_22, %dot_general3A_23 {dimension_numbers = #tpu.dot_dimension_numbers<[1], [0], [0], [1], [0, 0, 1, 1], [], []>, transpose_lhs_hint = false} : vector<128x768xbf16>, vector<768x3072xbf16>, vector<128x3072xf32> -> vector<128x3072xf32>
      %get3A_25 = arith.constant 0 : index
      %get3A_26 = arith.constant 0 : index
      %get3A_27 = arith.constant 0 : index
      %get3A_28 = vector.load %arg6[%get3A_25, %get3A_26, %get3A_27] : memref<1x1x3072xf32, #tpu.memory_space<vmem>>, vector<1x1x3072xf32>
      %get3A_29 = vector.shape_cast %get3A_28 : vector<1x1x3072xf32> to vector<1x3072xf32>
      %add3A_30 = vector.broadcast %get3A_29 : vector<1x3072xf32> to vector<128x3072xf32>
      %add3A_31 = arith.addf %dot_general3A_24, %add3A_30 : vector<128x3072xf32>
      %mul3A_32 = arith.constant 5.000000e-01 : f32
      %mul3A_33 = vector.broadcast %mul3A_32 : f32 to vector<128x3072xf32>
      %mul3A_34 = arith.mulf %add3A_31, %mul3A_33 : vector<128x3072xf32>
      %mul3A_35 = arith.constant 0.707106769 : f32
      %mul3A_36 = vector.broadcast %mul3A_35 : f32 to vector<128x3072xf32>
      %mul3A_37 = arith.mulf %add3A_31, %mul3A_36 : vector<128x3072xf32>
      %sign3A = tpu.bitcast %mul3A_37 : vector<128x3072xf32> -> vector<128x3072xi32>
      %sign3A_38 = arith.constant -2147483648 : i32
      %sign3A_39 = vector.broadcast %sign3A_38 : i32 to vector<128x3072xi32>
      %sign3A_40 = arith.andi %sign3A, %sign3A_39 : vector<128x3072xi32>
      %sign3A_41 = arith.constant 1065353216 : i32
      %sign3A_42 = vector.broadcast %sign3A_41 : i32 to vector<128x3072xi32>
      %sign3A_43 = arith.ori %sign3A_42, %sign3A_40 : vector<128x3072xi32>
      %sign3A_44 = tpu.bitcast %sign3A_43 : vector<128x3072xi32> -> vector<128x3072xf32>
      %sign3A_45 = math.absf %mul3A_37 : vector<128x3072xf32>
      %sign3A_46 = arith.constant 0.000000e+00 : f32
      %sign3A_47 = vector.broadcast %sign3A_46 : f32 to vector<128x3072xf32>
      %sign3A_48 = arith.cmpf ogt, %sign3A_45, %sign3A_47 : vector<128x3072xf32>
      %sign3A_49 = arith.select %sign3A_48, %sign3A_44, %mul3A_37 : vector<128x3072xi1>, vector<128x3072xf32>
      %abs3A = math.absf %mul3A_37 : vector<128x3072xf32>
      %mul3A_50 = arith.constant 0.327591091 : f32
      %mul3A_51 = vector.broadcast %mul3A_50 : f32 to vector<128x3072xf32>
      %mul3A_52 = arith.mulf %mul3A_51, %abs3A : vector<128x3072xf32>
      %add3A_53 = arith.constant 1.000000e+00 : f32
      %add3A_54 = vector.broadcast %add3A_53 : f32 to vector<128x3072xf32>
      %add3A_55 = arith.addf %add3A_54, %mul3A_52 : vector<128x3072xf32>
      %div3A = arith.constant 1.000000e+00 : f32
      %div3A_56 = vector.broadcast %div3A : f32 to vector<128x3072xf32>
      %div3A_57 = arith.divf %div3A_56, %add3A_55 : vector<128x3072xf32>
      %mul3A_58 = arith.constant 1.06140542 : f32
      %mul3A_59 = vector.broadcast %mul3A_58 : f32 to vector<128x3072xf32>
      %mul3A_60 = arith.mulf %div3A_57, %mul3A_59 : vector<128x3072xf32>
      %add3A_61 = arith.constant -1.45315206 : f32
      %add3A_62 = vector.broadcast %add3A_61 : f32 to vector<128x3072xf32>
      %add3A_63 = arith.addf %add3A_62, %mul3A_60 : vector<128x3072xf32>
      %mul3A_64 = arith.mulf %div3A_57, %add3A_63 : vector<128x3072xf32>
      %add3A_65 = arith.constant 1.42141378 : f32
      %add3A_66 = vector.broadcast %add3A_65 : f32 to vector<128x3072xf32>
      %add3A_67 = arith.addf %add3A_66, %mul3A_64 : vector<128x3072xf32>
      %mul3A_68 = arith.mulf %div3A_57, %add3A_67 : vector<128x3072xf32>
      %add3A_69 = arith.constant -0.284496725 : f32
      %add3A_70 = vector.broadcast %add3A_69 : f32 to vector<128x3072xf32>
      %add3A_71 = arith.addf %add3A_70, %mul3A_68 : vector<128x3072xf32>
      %mul3A_72 = arith.mulf %div3A_57, %add3A_71 : vector<128x3072xf32>
      %add3A_73 = arith.constant 0.254829586 : f32
      %add3A_74 = vector.broadcast %add3A_73 : f32 to vector<128x3072xf32>
      %add3A_75 = arith.addf %add3A_74, %mul3A_72 : vector<128x3072xf32>
      %mul3A_76 = arith.mulf %div3A_57, %add3A_75 : vector<128x3072xf32>
      %neg3A = arith.constant 0.000000e+00 : f32
      %neg3A_77 = vector.broadcast %neg3A : f32 to vector<128x3072xf32>
      %neg3A_78 = arith.subf %neg3A_77, %abs3A : vector<128x3072xf32>
      %mul3A_79 = arith.mulf %neg3A_78, %abs3A : vector<128x3072xf32>
      %exp3A = math.exp %mul3A_79 : vector<128x3072xf32>
      %mul3A_80 = arith.mulf %mul3A_76, %exp3A : vector<128x3072xf32>
      %sub3A = arith.constant 1.000000e+00 : f32
      %sub3A_81 = vector.broadcast %sub3A : f32 to vector<128x3072xf32>
      %sub3A_82 = arith.subf %sub3A_81, %mul3A_80 : vector<128x3072xf32>
      %mul3A_83 = arith.mulf %sign3A_49, %sub3A_82 : vector<128x3072xf32>
      %add3A_84 = arith.constant 1.000000e+00 : f32
      %add3A_85 = vector.broadcast %add3A_84 : f32 to vector<128x3072xf32>
      %add3A_86 = arith.addf %add3A_85, %mul3A_83 : vector<128x3072xf32>
      %mul3A_87 = arith.mulf %mul3A_34, %add3A_86 : vector<128x3072xf32>
      %convert_element_type3A_88 = arith.truncf %mul3A_87 : vector<128x3072xf32> to vector<128x3072xbf16>
      %get3A_89 = arith.constant 0 : index
      %get3A_90 = arith.constant 0 : index
      %get3A_91 = arith.constant 0 : index
      %get3A_92 = vector.load %arg7[%get3A_89, %get3A_90, %get3A_91] : memref<1x3072x768xbf16, #tpu.memory_space<vmem>>, vector<1x3072x768xbf16>
      %get3A_93 = vector.shape_cast %get3A_92 : vector<1x3072x768xbf16> to vector<3072x768xbf16>
      %dot_general3A_94 = arith.constant dense<0.000000e+00> : vector<128x768xf32>
      %dot_general3A_95 = tpu.matmul %convert_element_type3A_88, %get3A_93, %dot_general3A_94 {dimension_numbers = #tpu.dot_dimension_numbers<[1], [0], [0], [1], [0, 0, 1, 1], [], []>, transpose_lhs_hint = false} : vector<128x3072xbf16>, vector<3072x768xbf16>, vector<128x768xf32> -> vector<128x768xf32>
      %get3A_96 = arith.constant 0 : index
      %get3A_97 = arith.constant 0 : index
      %get3A_98 = arith.constant 0 : index
      %get3A_99 = vector.load %arg8[%get3A_96, %get3A_97, %get3A_98] : memref<1x1x768xf32, #tpu.memory_space<vmem>>, vector<1x1x768xf32>
      %get3A_100 = vector.shape_cast %get3A_99 : vector<1x1x768xf32> to vector<1x768xf32>
      %add3A_101 = vector.broadcast %get3A_100 : vector<1x768xf32> to vector<128x768xf32>
      %add3A_102 = arith.addf %dot_general3A_95, %add3A_101 : vector<128x768xf32>
      %swap3A = arith.constant 0 : index
      %swap3A_103 = arith.constant 0 : index
      %swap3A_104 = vector.load %arg9[%swap3A, %swap3A_103] : memref<128x768xf32, #tpu.memory_space<vmem>>, vector<128x768xf32>
      tpu.vector_store %arg9[%swap3A, %swap3A_103], %add3A_102 {strides = array<i32>} : memref<128x768xf32, #tpu.memory_space<vmem>>, vector<128x768xf32>,
    } else {
    }
    return
  }
  func.func @transform_0(%arg0: i32, %arg1: memref<55xi32, #tpu.memory_space<smem>>, %arg2: memref<1xi32, #tpu.memory_space<smem>>) -> (i32, i32, i32) {
    %get3A = arith.index_cast %arg0 : i32 to index
    %get3A_0 = memref.load %arg1[%get3A] : memref<55xi32, #tpu.memory_space<smem>>
    %c0_i32 = arith.constant 0 : i32
    %c0_i32_1 = arith.constant 0 : i32
    %c0_i32_2 = arith.constant 0 : i32
    return %get3A_0, %c0_i32, %c0_i32_1 : i32, i32, i32
  }
  func.func @transform_1(%arg0: i32, %arg1: memref<55xi32, #tpu.memory_space<smem>>, %arg2: memref<1xi32, #tpu.memory_space<smem>>) -> (i32, i32) {
    %c0_i32 = arith.constant 0 : i32
    %c0_i32_0 = arith.constant 0 : i32
    %c0_i32_1 = arith.constant 0 : i32
    return %c0_i32, %c0_i32_0 : i32, i32
  }
  func.func @transform_2(%arg0: i32, %arg1: memref<55xi32, #tpu.memory_space<smem>>, %arg2: memref<1xi32, #tpu.memory_space<smem>>) -> (i32, i32, i32) {
    %get3A = arith.index_cast %arg0 : i32 to index
    %get3A_0 = memref.load %arg1[%get3A] : memref<55xi32, #tpu.memory_space<smem>>
    %c0_i32 = arith.constant 0 : i32
    %c0_i32_1 = arith.constant 0 : i32
    %c0_i32_2 = arith.constant 0 : i32
    return %get3A_0, %c0_i32, %c0_i32_1 : i32, i32, i32
  }
  func.func @transform_3(%arg0: i32, %arg1: memref<55xi32, #tpu.memory_space<smem>>, %arg2: memref<1xi32, #tpu.memory_space<smem>>) -> (i32, i32, i32) {
    %get3A = arith.index_cast %arg0 : i32 to index
    %get3A_0 = memref.load %arg1[%get3A] : memref<55xi32, #tpu.memory_space<smem>>
    %c0_i32 = arith.constant 0 : i32
    %c0_i32_1 = arith.constant 0 : i32
    %c0_i32_2 = arith.constant 0 : i32
    return %get3A_0, %c0_i32, %c0_i32_1 : i32, i32, i32
  }
  func.func @transform_4(%arg0: i32, %arg1: memref<55xi32, #tpu.memory_space<smem>>, %arg2: memref<1xi32, #tpu.memory_space<smem>>) -> (i32, i32, i32) {
    %get3A = arith.index_cast %arg0 : i32 to index
    %get3A_0 = memref.load %arg1[%get3A] : memref<55xi32, #tpu.memory_space<smem>>
    %c0_i32 = arith.constant 0 : i32
    %c0_i32_1 = arith.constant 0 : i32
    %c0_i32_2 = arith.constant 0 : i32
    return %get3A_0, %c0_i32, %c0_i32_1 : i32, i32, i32
  }
  func.func @transform_5(%arg0: i32, %arg1: memref<55xi32, #tpu.memory_space<smem>>, %arg2: memref<1xi32, #tpu.memory_space<smem>>) -> (i32, i32, i32) {
    %get3A = arith.index_cast %arg0 : i32 to index
    %get3A_0 = memref.load %arg1[%get3A] : memref<55xi32, #tpu.memory_space<smem>>
    %c0_i32 = arith.constant 0 : i32
    %c0_i32_1 = arith.constant 0 : i32
    %c0_i32_2 = arith.constant 0 : i32
    return %get3A_0, %c0_i32, %c0_i32_1 : i32, i32, i32
  }
  func.func @transform_6(%arg0: i32, %arg1: memref<55xi32, #tpu.memory_space<smem>>, %arg2: memref<1xi32, #tpu.memory_space<smem>>) -> (i32, i32) {
    %c0_i32 = arith.constant 0 : i32
    %c0_i32_0 = arith.constant 0 : i32
    return %arg0, %c0_i32 : i32, i32
  }
}

module attributes {stable_mosaic.version = 14 : i64} {
  func.func @body(%arg0: i32, %arg1: memref<512x3x768xf32, #tpu.memory_space<vmem>>, %arg2: memref<512x3xf32, #tpu.memory_space<vmem>>, %arg3: memref<512x768xf32, #tpu.memory_space<vmem>>) attributes {dimension_semantics = [#tpu.dimension_semantics<arbitrary>], iteration_bounds = array<i64: 4>, scalar_prefetch = 0 : i64, scratch_operands = 0 : i64, tpu.core_type = #tpu.core_type<tc>, window_params = [{transform_indices = @transform_0, window_bounds = array<i64: 512, 3, 768>}, {transform_indices = @transform_1, window_bounds = array<i64: 512, 3>}, {transform_indices = @transform_2, window_bounds = array<i64: 512, 768>}]} {
    %broadcast_in_dim3A = arith.constant 0.000000e+00 : f32
    %broadcast_in_dim3A_0 = vector.broadcast %broadcast_in_dim3A : f32 to vector<512x768xf32>
    %get3A = arith.constant 0 : index
    %get3A_1 = arith.constant 0 : index
    %get3A_2 = arith.constant 0 : index
    %get3A_3 = vector.load %arg1[%get3A, %get3A_1, %get3A_2] : memref<512x3x768xf32, #tpu.memory_space<vmem>>, vector<512x1x768xf32>
    %get3A_4 = vector.shape_cast %get3A_3 : vector<512x1x768xf32> to vector<512x768xf32>
    %get3A_5 = arith.constant 0 : index
    %get3A_6 = arith.constant 0 : index
    %get3A_7 = vector.load %arg2[%get3A_5, %get3A_6] : memref<512x3xf32, #tpu.memory_space<vmem>>, vector<512x3xf32>
    %slice3A = vector.extract_strided_slice %get3A_7 {offsets = [0, 0], sizes = [512, 1], strides = [1, 1]} : vector<512x3xf32> to vector<512x1xf32>
    %mul3A = vector.broadcast %slice3A : vector<512x1xf32> to vector<512x768xf32>
    %mul3A_8 = arith.mulf %get3A_4, %mul3A : vector<512x768xf32>
    %add3A = arith.addf %broadcast_in_dim3A_0, %mul3A_8 : vector<512x768xf32>
    %get3A_9 = arith.constant 0 : index
    %get3A_10 = arith.constant 1 : index
    %get3A_11 = arith.constant 0 : index
    %get3A_12 = vector.load %arg1[%get3A_9, %get3A_10, %get3A_11] : memref<512x3x768xf32, #tpu.memory_space<vmem>>, vector<512x1x768xf32>
    %get3A_13 = vector.shape_cast %get3A_12 : vector<512x1x768xf32> to vector<512x768xf32>
    %get3A_14 = arith.constant 0 : index
    %get3A_15 = arith.constant 0 : index
    %get3A_16 = vector.load %arg2[%get3A_14, %get3A_15] : memref<512x3xf32, #tpu.memory_space<vmem>>, vector<512x3xf32>
    %slice3A_17 = vector.extract_strided_slice %get3A_16 {offsets = [0, 1], sizes = [512, 1], strides = [1, 1]} : vector<512x3xf32> to vector<512x1xf32>
    %mul3A_18 = vector.broadcast %slice3A_17 : vector<512x1xf32> to vector<512x768xf32>
    %mul3A_19 = arith.mulf %get3A_13, %mul3A_18 : vector<512x768xf32>
    %add3A_20 = arith.addf %add3A, %mul3A_19 : vector<512x768xf32>
    %get3A_21 = arith.constant 0 : index
    %get3A_22 = arith.constant 2 : index
    %get3A_23 = arith.constant 0 : index
    %get3A_24 = vector.load %arg1[%get3A_21, %get3A_22, %get3A_23] : memref<512x3x768xf32, #tpu.memory_space<vmem>>, vector<512x1x768xf32>
    %get3A_25 = vector.shape_cast %get3A_24 : vector<512x1x768xf32> to vector<512x768xf32>
    %get3A_26 = arith.constant 0 : index
    %get3A_27 = arith.constant 0 : index
    %get3A_28 = vector.load %arg2[%get3A_26, %get3A_27] : memref<512x3xf32, #tpu.memory_space<vmem>>, vector<512x3xf32>
    %slice3A_29 = vector.extract_strided_slice %get3A_28 {offsets = [0, 2], sizes = [512, 1], strides = [1, 1]} : vector<512x3xf32> to vector<512x1xf32>
    %mul3A_30 = vector.broadcast %slice3A_29 : vector<512x1xf32> to vector<512x768xf32>
    %mul3A_31 = arith.mulf %get3A_25, %mul3A_30 : vector<512x768xf32>
    %add3A_32 = arith.addf %add3A_20, %mul3A_31 : vector<512x768xf32>
    %swap3A = arith.constant 0 : index
    %swap3A_33 = arith.constant 0 : index
    %swap3A_34 = vector.load %arg3[%swap3A, %swap3A_33] : memref<512x768xf32, #tpu.memory_space<vmem>>, vector<512x768xf32>
    tpu.vector_store %arg3[%swap3A, %swap3A_33], %add3A_32 {strides = array<i32>} : memref<512x768xf32, #tpu.memory_space<vmem>>, vector<512x768xf32>,
    return
  }
  func.func @transform_0(%arg0: i32) -> (i32, i32, i32) {
    %c0_i32 = arith.constant 0 : i32
    %c0_i32_0 = arith.constant 0 : i32
    %c0_i32_1 = arith.constant 0 : i32
    return %arg0, %c0_i32, %c0_i32_0 : i32, i32, i32
  }
  func.func @transform_1(%arg0: i32) -> (i32, i32) {
    %c0_i32 = arith.constant 0 : i32
    %c0_i32_0 = arith.constant 0 : i32
    return %arg0, %c0_i32 : i32, i32
  }
  func.func @transform_2(%arg0: i32) -> (i32, i32) {
    %c0_i32 = arith.constant 0 : i32
    %c0_i32_0 = arith.constant 0 : i32
    return %arg0, %c0_i32 : i32, i32
  }
}

module attributes {stable_mosaic.version = 14 : i64} {
  func.func @body(%arg0: i32, %arg1: memref<512x768xbf16, #tpu.memory_space<vmem>>, %arg2: memref<768x1536xbf16, #tpu.memory_space<vmem>>, %arg3: memref<1x1536xf32, #tpu.memory_space<vmem>>, %arg4: memref<512x1536xbf16, #tpu.memory_space<vmem>>) attributes {dimension_semantics = [#tpu.dimension_semantics<arbitrary>], iteration_bounds = array<i64: 8>, scalar_prefetch = 0 : i64, scratch_operands = 0 : i64, tpu.core_type = #tpu.core_type<tc>, window_params = [{transform_indices = @transform_0, window_bounds = array<i64: 512, 768>}, {pipeline_mode = #tpu.pipeline_mode<synchronous>, transform_indices = @transform_1, window_bounds = array<i64: 768, 1536>}, {pipeline_mode = #tpu.pipeline_mode<synchronous>, transform_indices = @transform_2, window_bounds = array<i64: 1, 1536>}, {transform_indices = @transform_3, window_bounds = array<i64: 512, 1536>}]} {
    %get3A = arith.constant 0 : index
    %get3A_0 = arith.constant 0 : index
    %get3A_1 = vector.load %arg1[%get3A, %get3A_0] : memref<512x768xbf16, #tpu.memory_space<vmem>>, vector<512x768xbf16>
    %get3A_2 = arith.constant 0 : index
    %get3A_3 = arith.constant 0 : index
    %get3A_4 = vector.load %arg2[%get3A_2, %get3A_3] : memref<768x1536xbf16, #tpu.memory_space<vmem>>, vector<768x1536xbf16>
    %dot_general3A = arith.constant dense<0.000000e+00> : vector<512x1536xf32>
    %dot_general3A_5 = tpu.matmul %get3A_1, %get3A_4, %dot_general3A {dimension_numbers = #tpu.dot_dimension_numbers<[1], [0], [0], [1], [0, 0, 1, 1], [], []>, transpose_lhs_hint = false} : vector<512x768xbf16>, vector<768x1536xbf16>, vector<512x1536xf32> -> vector<512x1536xf32>
    %get3A_6 = arith.constant 0 : index
    %get3A_7 = arith.constant 0 : index
    %get3A_8 = vector.load %arg3[%get3A_6, %get3A_7] : memref<1x1536xf32, #tpu.memory_space<vmem>>, vector<1x1536xf32>
    %add3A = vector.broadcast %get3A_8 : vector<1x1536xf32> to vector<512x1536xf32>
    %add3A_9 = arith.addf %dot_general3A_5, %add3A : vector<512x1536xf32>
    %convert_element_type3A = arith.truncf %add3A_9 : vector<512x1536xf32> to vector<512x1536xbf16>
    %swap3A = arith.constant 0 : index
    %swap3A_10 = arith.constant 0 : index
    %swap3A_11 = vector.load %arg4[%swap3A, %swap3A_10] : memref<512x1536xbf16, #tpu.memory_space<vmem>>, vector<512x1536xbf16>
    tpu.vector_store %arg4[%swap3A, %swap3A_10], %convert_element_type3A {strides = array<i32>} : memref<512x1536xbf16, #tpu.memory_space<vmem>>, vector<512x1536xbf16>,
    return
  }
  func.func @transform_0(%arg0: i32) -> (i32, i32) {
    %c0_i32 = arith.constant 0 : i32
    %c0_i32_0 = arith.constant 0 : i32
    return %arg0, %c0_i32 : i32, i32
  }
  func.func @transform_1(%arg0: i32) -> (i32, i32) {
    %c0_i32 = arith.constant 0 : i32
    %c0_i32_0 = arith.constant 0 : i32
    %c0_i32_1 = arith.constant 0 : i32
    return %c0_i32, %c0_i32_0 : i32, i32
  }
  func.func @transform_2(%arg0: i32) -> (i32, i32) {
    %c0_i32 = arith.constant 0 : i32
    %c0_i32_0 = arith.constant 0 : i32
    %c0_i32_1 = arith.constant 0 : i32
    return %c0_i32, %c0_i32_0 : i32, i32
  }
  func.func @transform_3(%arg0: i32) -> (i32, i32) {
    %c0_i32 = arith.constant 0 : i32
    %c0_i32_0 = arith.constant 0 : i32
    return %arg0, %c0_i32 : i32, i32
  }
}

module attributes {stable_mosaic.version = 14 : i64} {
  func.func @body(%arg0: i32, %arg1: memref<512x768xbf16, #tpu.memory_space<vmem>>, %arg2: memref<768x768xbf16, #tpu.memory_space<vmem>>, %arg3: memref<1x768xf32, #tpu.memory_space<vmem>>, %arg4: memref<512x768xbf16, #tpu.memory_space<vmem>>) attributes {dimension_semantics = [#tpu.dimension_semantics<arbitrary>], iteration_bounds = array<i64: 8>, scalar_prefetch = 0 : i64, scratch_operands = 0 : i64, tpu.core_type = #tpu.core_type<tc>, window_params = [{transform_indices = @transform_0, window_bounds = array<i64: 512, 768>}, {pipeline_mode = #tpu.pipeline_mode<synchronous>, transform_indices = @transform_1, window_bounds = array<i64: 768, 768>}, {pipeline_mode = #tpu.pipeline_mode<synchronous>, transform_indices = @transform_2, window_bounds = array<i64: 1, 768>}, {transform_indices = @transform_3, window_bounds = array<i64: 512, 768>}]} {
    %get3A = arith.constant 0 : index
    %get3A_0 = arith.constant 0 : index
    %get3A_1 = vector.load %arg1[%get3A, %get3A_0] : memref<512x768xbf16, #tpu.memory_space<vmem>>, vector<512x768xbf16>
    %get3A_2 = arith.constant 0 : index
    %get3A_3 = arith.constant 0 : index
    %get3A_4 = vector.load %arg2[%get3A_2, %get3A_3] : memref<768x768xbf16, #tpu.memory_space<vmem>>, vector<768x768xbf16>
    %dot_general3A = arith.constant dense<0.000000e+00> : vector<512x768xf32>
    %dot_general3A_5 = tpu.matmul %get3A_1, %get3A_4, %dot_general3A {dimension_numbers = #tpu.dot_dimension_numbers<[1], [0], [0], [1], [0, 0, 1, 1], [], []>, transpose_lhs_hint = false} : vector<512x768xbf16>, vector<768x768xbf16>, vector<512x768xf32> -> vector<512x768xf32>
    %get3A_6 = arith.constant 0 : index
    %get3A_7 = arith.constant 0 : index
    %get3A_8 = vector.load %arg3[%get3A_6, %get3A_7] : memref<1x768xf32, #tpu.memory_space<vmem>>, vector<1x768xf32>
    %add3A = vector.broadcast %get3A_8 : vector<1x768xf32> to vector<512x768xf32>
    %add3A_9 = arith.addf %dot_general3A_5, %add3A : vector<512x768xf32>
    %convert_element_type3A = arith.truncf %add3A_9 : vector<512x768xf32> to vector<512x768xbf16>
    %swap3A = arith.constant 0 : index
    %swap3A_10 = arith.constant 0 : index
    %swap3A_11 = vector.load %arg4[%swap3A, %swap3A_10] : memref<512x768xbf16, #tpu.memory_space<vmem>>, vector<512x768xbf16>
    tpu.vector_store %arg4[%swap3A, %swap3A_10], %convert_element_type3A {strides = array<i32>} : memref<512x768xbf16, #tpu.memory_space<vmem>>, vector<512x768xbf16>,
    return
  }
  func.func @transform_0(%arg0: i32) -> (i32, i32) {
    %c0_i32 = arith.constant 0 : i32
    %c0_i32_0 = arith.constant 0 : i32
    return %arg0, %c0_i32 : i32, i32
  }
  func.func @transform_1(%arg0: i32) -> (i32, i32) {
    %c0_i32 = arith.constant 0 : i32
    %c0_i32_0 = arith.constant 0 : i32
    %c0_i32_1 = arith.constant 0 : i32
    return %c0_i32, %c0_i32_0 : i32, i32
  }
  func.func @transform_2(%arg0: i32) -> (i32, i32) {
    %c0_i32 = arith.constant 0 : i32
    %c0_i32_0 = arith.constant 0 : i32
    %c0_i32_1 = arith.constant 0 : i32
    return %c0_i32, %c0_i32_0 : i32, i32
  }
  func.func @transform_3(%arg0: i32) -> (i32, i32) {
    %c0_i32 = arith.constant 0 : i32
    %c0_i32_0 = arith.constant 0 : i32
    return %arg0, %c0_i32 : i32, i32
  }
}

module attributes {stable_mosaic.version = 14 : i64} {
  func.func @body(%arg0: i32, %arg1: i32, %arg2: memref<1x1024x96xbf16, #tpu.memory_space<vmem>>, %arg3: memref<1x4096x96xbf16, #tpu.memory_space<vmem>>, %arg4: memref<1x4096x96xbf16, #tpu.memory_space<vmem>>, %arg5: memref<1x1024x96xbf16, #tpu.memory_space<vmem>>) attributes {dimension_semantics = [#tpu.dimension_semantics<arbitrary>, #tpu.dimension_semantics<arbitrary>], iteration_bounds = array<i64: 8, 4>, scalar_prefetch = 0 : i64, scratch_operands = 0 : i64, tpu.core_type = #tpu.core_type<tc>, window_params = [{transform_indices = @transform_0, window_bounds = array<i64: 1, 1024, 96>}, {transform_indices = @transform_1, window_bounds = array<i64: 1, 4096, 96>}, {transform_indices = @transform_2, window_bounds = array<i64: 1, 4096, 96>}, {transform_indices = @transform_3, window_bounds = array<i64: 1, 1024, 96>}]} {
    %get3A = arith.constant 0 : index
    %get3A_0 = arith.constant 0 : index
    %get3A_1 = arith.constant 0 : index
    %get3A_2 = vector.load %arg2[%get3A, %get3A_0, %get3A_1] : memref<1x1024x96xbf16, #tpu.memory_space<vmem>>, vector<1x1024x96xbf16>
    %get3A_3 = vector.shape_cast %get3A_2 : vector<1x1024x96xbf16> to vector<1024x96xbf16>
    %mul3A = arith.constant 1.020510e-01 : bf16
    %mul3A_4 = vector.broadcast %mul3A : bf16 to vector<1024x96xbf16>
    %mul3A_5 = arith.mulf %get3A_3, %mul3A_4 : vector<1024x96xbf16>
    %get3A_6 = arith.constant 0 : index
    %get3A_7 = arith.constant 0 : index
    %get3A_8 = arith.constant 0 : index
    %get3A_9 = vector.load %arg3[%get3A_6, %get3A_7, %get3A_8] : memref<1x4096x96xbf16, #tpu.memory_space<vmem>>, vector<1x4096x96xbf16>
    %get3A_10 = vector.shape_cast %get3A_9 : vector<1x4096x96xbf16> to vector<4096x96xbf16>
    %dot_general3A = arith.constant dense<0.000000e+00> : vector<1024x4096xf32>
    %dot_general3A_11 = tpu.matmul %mul3A_5, %get3A_10, %dot_general3A {dimension_numbers = #tpu.dot_dimension_numbers<[1], [1], [0], [0], [0, 0, 1, 0], [], []>, transpose_lhs_hint = false} : vector<1024x96xbf16>, vector<4096x96xbf16>, vector<1024x4096xf32> -> vector<1024x4096xf32>
    %exp3A = math.exp %dot_general3A_11 : vector<1024x4096xf32>
    %reduce_sum3A = arith.constant dense<0.000000e+00> : vector<1024xf32>
    %reduce_sum3A_12 = vector.multi_reduction <add>, %exp3A, %reduce_sum3A [1] : vector<1024x4096xf32> to vector<1024xf32>
    %broadcast_in_dim3A = vector.shape_cast %reduce_sum3A_12 : vector<1024xf32> to vector<1024x1xf32>
    %div3A = arith.constant 1.000000e+00 : f32
    %div3A_13 = vector.broadcast %div3A : f32 to vector<1024x1xf32>
    %div3A_14 = arith.divf %div3A_13, %broadcast_in_dim3A : vector<1024x1xf32>
    %mul3A_15 = vector.broadcast %div3A_14 : vector<1024x1xf32> to vector<1024x4096xf32>
    %mul3A_16 = arith.mulf %exp3A, %mul3A_15 : vector<1024x4096xf32>
    %convert_element_type3A = arith.truncf %mul3A_16 : vector<1024x4096xf32> to vector<1024x4096xbf16>
    %get3A_17 = arith.constant 0 : index
    %get3A_18 = arith.constant 0 : index
    %get3A_19 = arith.constant 0 : index
    %get3A_20 = vector.load %arg4[%get3A_17, %get3A_18, %get3A_19] : memref<1x4096x96xbf16, #tpu.memory_space<vmem>>, vector<1x4096x96xbf16>
    %get3A_21 = vector.shape_cast %get3A_20 : vector<1x4096x96xbf16> to vector<4096x96xbf16>
    %dot_general3A_22 = arith.constant dense<0.000000e+00> : vector<1024x96xf32>
    %dot_general3A_23 = tpu.matmul %convert_element_type3A, %get3A_21, %dot_general3A_22 {dimension_numbers = #tpu.dot_dimension_numbers<[1], [0], [0], [1], [0, 0, 1, 1], [], []>, transpose_lhs_hint = false} : vector<1024x4096xbf16>, vector<4096x96xbf16>, vector<1024x96xf32> -> vector<1024x96xf32>
    %convert_element_type3A_24 = arith.truncf %dot_general3A_23 : vector<1024x96xf32> to vector<1024x96xbf16>
    %swap3A = arith.constant 0 : index
    %swap3A_25 = arith.constant 0 : index
    %swap3A_26 = arith.constant 0 : index
    %swap3A_27 = vector.load %arg5[%swap3A, %swap3A_25, %swap3A_26] : memref<1x1024x96xbf16, #tpu.memory_space<vmem>>, vector<1x1024x96xbf16>
    %swap3A_28 = vector.shape_cast %swap3A_27 : vector<1x1024x96xbf16> to vector<1024x96xbf16>
    %swap3A_29 = vector.shape_cast %convert_element_type3A_24 : vector<1024x96xbf16> to vector<1x1024x96xbf16>
    tpu.vector_store %arg5[%swap3A, %swap3A_25, %swap3A_26], %swap3A_29 {strides = array<i32>} : memref<1x1024x96xbf16, #tpu.memory_space<vmem>>, vector<1x1024x96xbf16>,
    return
  }
  func.func @transform_0(%arg0: i32, %arg1: i32) -> (i32, i32, i32) {
    %c0_i32 = arith.constant 0 : i32
    %c0_i32_0 = arith.constant 0 : i32
    return %arg0, %arg1, %c0_i32 : i32, i32, i32
  }
  func.func @transform_1(%arg0: i32, %arg1: i32) -> (i32, i32, i32) {
    %c0_i32 = arith.constant 0 : i32
    %c0_i32_0 = arith.constant 0 : i32
    %c0_i32_1 = arith.constant 0 : i32
    return %arg0, %c0_i32, %c0_i32_0 : i32, i32, i32
  }
  func.func @transform_2(%arg0: i32, %arg1: i32) -> (i32, i32, i32) {
    %c0_i32 = arith.constant 0 : i32
    %c0_i32_0 = arith.constant 0 : i32
    %c0_i32_1 = arith.constant 0 : i32
    return %arg0, %c0_i32, %c0_i32_0 : i32, i32, i32
  }
  func.func @transform_3(%arg0: i32, %arg1: i32) -> (i32, i32, i32) {
    %c0_i32 = arith.constant 0 : i32
    %c0_i32_0 = arith.constant 0 : i32
    return %arg0, %arg1, %c0_i32 : i32, i32, i32
  }
}

module attributes {stable_mosaic.version = 14 : i64} {
  func.func @body(%arg0: i32, %arg1: memref<512x768xbf16, #tpu.memory_space<vmem>>, %arg2: memref<512x768xbf16, #tpu.memory_space<vmem>>, %arg3: memref<768x768xbf16, #tpu.memory_space<vmem>>, %arg4: memref<1x768xf32, #tpu.memory_space<vmem>>, %arg5: memref<1x768xf32, #tpu.memory_space<vmem>>, %arg6: memref<1x768xf32, #tpu.memory_space<vmem>>, %arg7: memref<512x768xf32, #tpu.memory_space<vmem>>) attributes {dimension_semantics = [#tpu.dimension_semantics<arbitrary>], iteration_bounds = array<i64: 4>, scalar_prefetch = 0 : i64, scratch_operands = 0 : i64, tpu.core_type = #tpu.core_type<tc>, window_params = [{transform_indices = @transform_0, window_bounds = array<i64: 512, 768>}, {transform_indices = @transform_1, window_bounds = array<i64: 512, 768>}, {pipeline_mode = #tpu.pipeline_mode<synchronous>, transform_indices = @transform_2, window_bounds = array<i64: 768, 768>}, {pipeline_mode = #tpu.pipeline_mode<synchronous>, transform_indices = @transform_3, window_bounds = array<i64: 1, 768>}, {pipeline_mode = #tpu.pipeline_mode<synchronous>, transform_indices = @transform_4, window_bounds = array<i64: 1, 768>}, {pipeline_mode = #tpu.pipeline_mode<synchronous>, transform_indices = @transform_5, window_bounds = array<i64: 1, 768>}, {transform_indices = @transform_6, window_bounds = array<i64: 512, 768>}]} {
    %get3A = arith.constant 0 : index
    %get3A_0 = arith.constant 0 : index
    %get3A_1 = vector.load %arg1[%get3A, %get3A_0] : memref<512x768xbf16, #tpu.memory_space<vmem>>, vector<512x768xbf16>
    %get3A_2 = arith.constant 0 : index
    %get3A_3 = arith.constant 0 : index
    %get3A_4 = vector.load %arg3[%get3A_2, %get3A_3] : memref<768x768xbf16, #tpu.memory_space<vmem>>, vector<768x768xbf16>
    %dot_general3A = arith.constant dense<0.000000e+00> : vector<512x768xf32>
    %dot_general3A_5 = tpu.matmul %get3A_1, %get3A_4, %dot_general3A {dimension_numbers = #tpu.dot_dimension_numbers<[1], [0], [0], [1], [0, 0, 1, 1], [], []>, transpose_lhs_hint = false} : vector<512x768xbf16>, vector<768x768xbf16>, vector<512x768xf32> -> vector<512x768xf32>
    %get3A_6 = arith.constant 0 : index
    %get3A_7 = arith.constant 0 : index
    %get3A_8 = vector.load %arg2[%get3A_6, %get3A_7] : memref<512x768xbf16, #tpu.memory_space<vmem>>, vector<512x768xbf16>
    %get3A_9 = arith.constant 0 : index
    %get3A_10 = arith.constant 0 : index
    %get3A_11 = vector.load %arg3[%get3A_9, %get3A_10] : memref<768x768xbf16, #tpu.memory_space<vmem>>, vector<768x768xbf16>
    %dot_general3A_12 = arith.constant dense<0.000000e+00> : vector<512x768xf32>
    %dot_general3A_13 = tpu.matmul %get3A_8, %get3A_11, %dot_general3A_12 {dimension_numbers = #tpu.dot_dimension_numbers<[1], [0], [0], [1], [0, 0, 1, 1], [], []>, transpose_lhs_hint = false} : vector<512x768xbf16>, vector<768x768xbf16>, vector<512x768xf32> -> vector<512x768xf32>
    %add3A = arith.addf %dot_general3A_5, %dot_general3A_13 : vector<512x768xf32>
    %mul3A = arith.constant 5.000000e-01 : f32
    %mul3A_14 = vector.broadcast %mul3A : f32 to vector<512x768xf32>
    %mul3A_15 = arith.mulf %add3A, %mul3A_14 : vector<512x768xf32>
    %get3A_16 = arith.constant 0 : index
    %get3A_17 = arith.constant 0 : index
    %get3A_18 = vector.load %arg4[%get3A_16, %get3A_17] : memref<1x768xf32, #tpu.memory_space<vmem>>, vector<1x768xf32>
    %add3A_19 = vector.broadcast %get3A_18 : vector<1x768xf32> to vector<512x768xf32>
    %add3A_20 = arith.addf %mul3A_15, %add3A_19 : vector<512x768xf32>
    %reduce_sum3A = arith.constant dense<0.000000e+00> : vector<512xf32>
    %reduce_sum3A_21 = vector.multi_reduction <add>, %add3A_20, %reduce_sum3A [1] : vector<512x768xf32> to vector<512xf32>
    %broadcast_in_dim3A = vector.shape_cast %reduce_sum3A_21 : vector<512xf32> to vector<512x1xf32>
    %div3A = arith.constant 7.680000e+02 : f32
    %div3A_22 = vector.broadcast %div3A : f32 to vector<512x1xf32>
    %div3A_23 = arith.divf %broadcast_in_dim3A, %div3A_22 : vector<512x1xf32>
    %sub3A = vector.broadcast %div3A_23 : vector<512x1xf32> to vector<512x768xf32>
    %sub3A_24 = arith.subf %add3A_20, %sub3A : vector<512x768xf32>
    %mul3A_25 = arith.mulf %sub3A_24, %sub3A_24 : vector<512x768xf32>
    %reduce_sum3A_26 = arith.constant dense<0.000000e+00> : vector<512xf32>
    %reduce_sum3A_27 = vector.multi_reduction <add>, %mul3A_25, %reduce_sum3A_26 [1] : vector<512x768xf32> to vector<512xf32>
    %broadcast_in_dim3A_28 = vector.shape_cast %reduce_sum3A_27 : vector<512xf32> to vector<512x1xf32>
    %div3A_29 = arith.constant 7.680000e+02 : f32
    %div3A_30 = vector.broadcast %div3A_29 : f32 to vector<512x1xf32>
    %div3A_31 = arith.divf %broadcast_in_dim3A_28, %div3A_30 : vector<512x1xf32>
    %add3A_32 = arith.constant 9.99999974E-6 : f32
    %add3A_33 = vector.broadcast %add3A_32 : f32 to vector<512x1xf32>
    %add3A_34 = arith.addf %div3A_31, %add3A_33 : vector<512x1xf32>
    %sqrt3A = math.sqrt %add3A_34 : vector<512x1xf32>
    %div3A_35 = vector.broadcast %sqrt3A : vector<512x1xf32> to vector<512x768xf32>
    %div3A_36 = arith.divf %sub3A_24, %div3A_35 : vector<512x768xf32>
    %get3A_37 = arith.constant 0 : index
    %get3A_38 = arith.constant 0 : index
    %get3A_39 = vector.load %arg5[%get3A_37, %get3A_38] : memref<1x768xf32, #tpu.memory_space<vmem>>, vector<1x768xf32>
    %mul3A_40 = vector.broadcast %get3A_39 : vector<1x768xf32> to vector<512x768xf32>
    %mul3A_41 = arith.mulf %div3A_36, %mul3A_40 : vector<512x768xf32>
    %get3A_42 = arith.constant 0 : index
    %get3A_43 = arith.constant 0 : index
    %get3A_44 = vector.load %arg6[%get3A_42, %get3A_43] : memref<1x768xf32, #tpu.memory_space<vmem>>, vector<1x768xf32>
    %add3A_45 = vector.broadcast %get3A_44 : vector<1x768xf32> to vector<512x768xf32>
    %add3A_46 = arith.addf %mul3A_41, %add3A_45 : vector<512x768xf32>
    %swap3A = arith.constant 0 : index
    %swap3A_47 = arith.constant 0 : index
    %swap3A_48 = vector.load %arg7[%swap3A, %swap3A_47] : memref<512x768xf32, #tpu.memory_space<vmem>>, vector<512x768xf32>
    tpu.vector_store %arg7[%swap3A, %swap3A_47], %add3A_46 {strides = array<i32>} : memref<512x768xf32, #tpu.memory_space<vmem>>, vector<512x768xf32>,
    return
  }
  func.func @transform_0(%arg0: i32) -> (i32, i32) {
    %c0_i32 = arith.constant 0 : i32
    %c0_i32_0 = arith.constant 0 : i32
    return %arg0, %c0_i32 : i32, i32
  }
  func.func @transform_1(%arg0: i32) -> (i32, i32) {
    %add3A = arith.constant 4 : i32
    %add3A_0 = arith.addi %arg0, %add3A : i32
    %c0_i32 = arith.constant 0 : i32
    %c0_i32_1 = arith.constant 0 : i32
    return %add3A_0, %c0_i32 : i32, i32
  }
  func.func @transform_2(%arg0: i32) -> (i32, i32) {
    %c0_i32 = arith.constant 0 : i32
    %c0_i32_0 = arith.constant 0 : i32
    %c0_i32_1 = arith.constant 0 : i32
    return %c0_i32, %c0_i32_0 : i32, i32
  }
  func.func @transform_3(%arg0: i32) -> (i32, i32) {
    %c0_i32 = arith.constant 0 : i32
    %c0_i32_0 = arith.constant 0 : i32
    %c0_i32_1 = arith.constant 0 : i32
    return %c0_i32, %c0_i32_0 : i32, i32
  }
  func.func @transform_4(%arg0: i32) -> (i32, i32) {
    %c0_i32 = arith.constant 0 : i32
    %c0_i32_0 = arith.constant 0 : i32
    %c0_i32_1 = arith.constant 0 : i32
    return %c0_i32, %c0_i32_0 : i32, i32
  }
  func.func @transform_5(%arg0: i32) -> (i32, i32) {
    %c0_i32 = arith.constant 0 : i32
    %c0_i32_0 = arith.constant 0 : i32
    %c0_i32_1 = arith.constant 0 : i32
    return %c0_i32, %c0_i32_0 : i32, i32
  }
  func.func @transform_6(%arg0: i32) -> (i32, i32) {
    %c0_i32 = arith.constant 0 : i32
    %c0_i32_0 = arith.constant 0 : i32
    return %arg0, %c0_i32 : i32, i32
  }
}

</mosaic_0001>

<sc_bundles>
// kernel: kernel.24.cloned.1.call-start
scs
__scs_entry_jumppad:
0x0: {  	(pc) =	sbr.rel $0x88, $3  }
0x1: {  	(tag) =	ssettag $0x0;
	lr =	simm.s32 $0x1  }
0x2: {  	[smem:$0x3F75] =	sst lr;
	_ =	strace $0xD0000000  }
0x3: {  	_ = 	snop  }
0x4: {  	_ = 	snop  }
0x5: {  	_ = 	snop  }
0x6: {  	_ = 	snop  }
0x7: {  	_ = 	snop  }
__scs_overlays_trampoline_lowered:
0x8: {  	[smem:$0x3F84] =	sst s0  }
0x9: {  	[smem:$0x3F85] =	sst s1  }
0xa: {  	[smem:$0x3F86] =	sst s2  }
0xb: {  	[smem:$0x3F87] =	sst s3  }
0xc: {  	[smem:$0x3F88] =	sst s4  }
0xd: {  	[smem:$0x3F89] =	sst s5  }
0xe: {  	[smem:$0x3F8A] =	sst s6  }
0xf: {  	[smem:$0x3F8B] =	sst s7  }
0x10: {  	[smem:$0x3F8C] =	sst s8  }
0x11: {  	[smem:$0x3F8D] =	sst s9;
	s0 =	simm.s32 @!p0 $0x0  }
0x12: {  	s1 =	sld [smem:$0x3F73];
	s0 =	simm.s32 @p0 $0x1  }
0x13: {  	[smem:$0x3F8E] =	sst s0;
	s0 =	simm.s32 @!p1 $0x0  }
0x14: {  	s2 =	sld [smem:$0x3F72];
	s0 =	simm.s32 @p1 $0x1  }
0x15: {  	[smem:$0x3F8F] =	sst s0;
	s0 =	simm.s32 @!p2 $0x0  }
0x16: {  	s3 =	sld [smem:$0x3FDB];
	s0 =	simm.s32 @p2 $0x1  }
0x17: {  	s4 =	simm.s32 $0x1BF5;
	[smem:$0x3F91] =	sst s0  }
0x18: {  	s0 =	sld [smem:$0x3F74];
	_ =	swait.ge [sflag:s4], $0x0  }
0x19: {  	s7 =	sld [smem:$0x3F75]  }
0x1a: {  	s8 =	sadd.s32 $0xFFFFE003, lr  }
0x1b: {  	s9 =	sadd.s32 $0xFFFFFEF7, lr;
	s5 =	simm.s32 $0xFFFFFFFF;
	p2 =	slt.u32 s8, $0xFFFFF086  }
0x1c: {  	p1 =	slt.u32 s9, $0xF7A;
	s5 =	simm.s32 @!p2 $0x0  }
0x1d: {  	s5 =	simm.s32 @p1 $0x1;
	p0 =	seq.s32 s7, s2  }
0x1e: {  	s7 =	smul.u32 @!p0 $0xF7A, s2;
	p2 =	seq.s32 @!p0 s5, $0x0  }
0x1f: {  	s9 =	smul.u32 $0xF7A, s1;
	s8 =	simm.s32 @!p0 $0x1BF5;
	p2 =	por !p2, p0  }
0x20: {  	[sflag:s8] =	ssyncset.s32 @!p0 $0xFFFFF086;
	s6 =	sadd.s32 @!p0 s3, s7;
	s7 =	simm.s32 @!p0 $0x108  }
0x21: {  	s3 =	sadd.s32 s3, s9;
	s6 =	sadd.s32 @!p0 $0x88, s6;
	s7 =	simm.s32 @p2 $0x1082  }
0x22: {  	[simem:s7], [sflag:s8] =	dma.local @!p0 [hbm:s6], $0xF7A  }
0x23: {  	s9 =	sor.u32 $0xD0000000, s2;
	s6 =	simm.s32 $0x108;
	_ =	swait.ge @!p0 [sflag:s8], $0x0  }
0x24: {  	s3 =	sadd.s32 $0x88, s3;
	s6 =	simm.s32 @!p1 $0x1082;
	[sflag:s4] =	ssyncset.s32 $0xFFFFF086  }
0x25: {  	[simem:s6], [sflag:s4] =	dma.local [hbm:s3], $0xF7A  }
0x26: {  	[smem:$0x3F75] =	sst s1;
	(tag) =	ssettag s2;
	_ =	strace s9  }
0x27: {  	s1 =	sld [smem:$0x3F85]  }
0x28: {  	s2 =	sld [smem:$0x3F86]  }
0x29: {  	s4 =	sld [smem:$0x3F88]  }
0x2a: {  	p0 =	seq.s32 s5, $0x0;
	s5 =	sld [smem:$0x3F89]  }
0x2b: {  	s6 =	sld [smem:$0x3F8A]  }
0x2c: {  	s7 =	sld [smem:$0x3F8B]  }
0x2d: {  	s3 =	simm.s32 $0x108;
	s8 =	sld [smem:$0x3F8C]  }
0x2e: {  	s3 =	simm.s32 @!p0 $0x1082;
	s9 =	sld [smem:$0x3F8D]  }
0x2f: {  	lr =	sadd.s32 s0, s3;
	s0 =	sld [smem:$0x3F84]  }
0x30: {  	s3 =	sld [smem:$0x3F87]  }
0x31: {  	[smem:$0x3F90] =	sst s10  }
0x32: {  	s10 =	sld [smem:$0x3F8E];
	_ =	sdelay $0x3  }
0x33: {  	p0 =	seq.s32 s10, $0x1;
	s10 =	sld [smem:$0x3F90];
	_ =	sdelay $0x3  }
0x34: {  	[smem:$0x3F90] =	sst s10  }
0x35: {  	s10 =	sld [smem:$0x3F8F];
	_ =	sdelay $0x3  }
0x36: {  	p1 =	seq.s32 s10, $0x1;
	s10 =	sld [smem:$0x3F90];
	_ =	sdelay $0x3  }
0x37: {  	[smem:$0x3F90] =	sst s10  }
0x38: {  	s10 =	sld [smem:$0x3F91]  }
0x39: {  	_ = 	snop;
	(pc) =	sbr.ind lr, $3  }
0x3a: {  	_ = 	snop  }
0x3b: {  	_ = 	snop  }
0x3c: {  	p2 =	seq.s32 s10, $0x1;
	s10 =	sld [smem:$0x3F90]  }
0x3d: {  	_ =	shalt  }
0x3e: {  	_ =	shalt  }
0x3f: {  	_ =	shalt  }
0x40: {  	_ =	shalt  }
0x41: {  	_ =	shalt  }
0x42: {  	_ =	shalt  }
0x43: {  	_ =	shalt  }
0x44: {  	_ =	shalt  }
0x45: {  	_ =	shalt  }
0x46: {  	_ =	shalt  }
0x47: {  	_ =	shalt  }
0x48: {  	_ =	shalt  }
0x49: {  	_ =	shalt  }
0x4a: {  	_ =	shalt  }
0x4b: {  	_ =	shalt  }
0x4c: {  	_ =	shalt  }
0x4d: {  	_ =	shalt  }
0x4e: {  	_ =	shalt  }
0x4f: {  	_ =	shalt  }
0x50: {  	_ =	shalt  }
0x51: {  	_ =	shalt  }
0x52: {  	_ =	shalt  }
0x53: {  	_ =	shalt  }
0x54: {  	_ =	shalt  }
0x55: {  	_ =	shalt  }
0x56: {  	_ =	shalt  }
0x57: {  	_ =	shalt  }
0x58: {  	_ =	shalt  }
0x59: {  	_ =	shalt  }
0x5a: {  	_ =	shalt  }
0x5b: {  	_ =	shalt  }
0x5c: {  	_ =	shalt  }
0x5d: {  	_ =	shalt  }
0x5e: {  	_ =	shalt  }
0x5f: {  	_ =	shalt  }
0x60: {  	_ =	shalt  }
0x61: {  	_ =	shalt  }
0x62: {  	_ =	shalt  }
0x63: {  	_ =	shalt  }
0x64: {  	_ =	shalt  }
0x65: {  	_ =	shalt  }
0x66: {  	_ =	shalt  }
0x67: {  	_ =	shalt  }
0x68: {  	_ =	shalt  }
0x69: {  	_ =	shalt  }
0x6a: {  	_ =	shalt  }
0x6b: {  	_ =	shalt  }
0x6c: {  	_ =	shalt  }
0x6d: {  	_ =	shalt  }
0x6e: {  	_ =	shalt  }
0x6f: {  	_ =	shalt  }
0x70: {  	_ =	shalt  }
0x71: {  	_ =	shalt  }
0x72: {  	_ =	shalt  }
0x73: {  	_ =	shalt  }
0x74: {  	_ =	shalt  }
0x75: {  	_ =	shalt  }
0x76: {  	_ =	shalt  }
0x77: {  	_ =	shalt  }
0x78: {  	_ =	shalt  }
0x79: {  	_ =	shalt  }
0x7a: {  	_ =	shalt  }
0x7b: {  	_ =	shalt  }
0x7c: {  	_ =	shalt  }
0x7d: {  	_ =	shalt  }
0x7e: {  	_ =	shalt  }
0x7f: {  	_ =	shalt  }
0x80: {  	_ =	shalt  }
0x81: {  	_ =	shalt  }
0x82: {  	_ =	shalt  }
0x83: {  	_ =	shalt  }
0x84: {  	_ =	shalt  }
0x85: {  	_ =	shalt  }
0x86: {  	_ =	shalt  }
0x87: {  	_ =	shalt  }
.Lfunc_end0:
.L_simem_size_0:
called_computation_lowered:
.L_overlay_start_0:
0x88: {  	s2 =	sld [smem:$0x3FD9]  }
0x89: {  	s3 =	sld [smem:$0x3FFE];
	_ =	sdelay $0x1  }
0x8a: {  	s1 =	srdreg.scid  }
0x8b: {  	s0 =	sand.u32 $0x1, s1  }
0x8c: {  	s17 =	sshll.u32 s0, $0xA;
	s2 =	sadd.s32 s3, s2  }
0x8d: {  	s2 =	sadd.s32 s2, s17  }
0x8e: {  	[smem:$0x3F9C] =	sst s2  }
0x8f: {  	_ = 	snop  }
0x90: {  	s2 =	sld [smem:$0x3FD0];
	(tm) =	ssettm $0x1  }
0x91: {  	s18 =	sld [smem:$0x3FFB];
	_ =	sdelay $0x3  }
0x92: {  	_ =	strace s18  }
0x93: {  	s3 =	sld [smem:$0x3FFC];
	_ =	sdelay $0x3  }
0x94: {  	_ =	strace s3  }
0x95: {  	s3 =	sld [smem:$0x3FFD];
	_ =	sdelay $0x3  }
0x96: {  	_ =	strace s3  }
0x97: {  	_ =	strace $0x8FFFFFFF  }
0x98: {  	s19 =	sld [smem:$0x3FDB];
	_ =	sdelay $0x1  }
0x99: {  	s4 =	simm.s32 $_scs_section_size  }
0x9a: {  	s5 =	simm.s32 $_size__tile_overlayer_lowered;
	s6 =	simm.s32 $_tile_overlayer_lowered  }
0x9b: {  	s22 =	simm.s32 $0x1BFF;
	s21 =	sshll.u32 s6, $0x1;
	s3 =	sadd.s32 s4, s19  }
0x9c: {  	s7 =	simm.s32 $0x0;
	s20 =	sshll.u32 s5, $0x1;
	s5 =	sadd.s32 s21, s3  }
0x9d: {  	[timem:s7], [sflag:s22] =	dma.local [hbm:s5], s20  }
0x9e: {  	_ =	swait.ge [sflag:s22], s20  }
0x9f: {  	s4 =	ssub.s32 $0x0, s20;
	[sflag:s22] =	ssyncset.done $0x0  }
0xa0: {  	[sflag:s22] =	ssyncadd.s32 s4;
	_ =	sdelay $0x1  }
0xa1: {  	s23 =	simm.s32 $0x1B8B  }
0xa2: {  	_ =	swait.ge [sflag:s23], $0x1  }
0xa3: {  	[sflag:s23] =	ssyncset.done $0x0  }
0xa4: {  	s25 =	simm.s32 $0x1B8E;
	s24 =	sld [smem:$0x3FFE];
	[sflag:s23] =	ssyncadd.s32 $0xFFFFFFFF  }
0xa5: {  	s26 =	simm.s32 $execute0_lowered;
	[smem:$0x3FD2] =	sst s25  }
0xa6: {  	s5 =	sshll.u32 s26, $0x1;
	_ =	strace $0x80000046;
	[dreg:$0x1] =	wrdreg $0xFFFFFFFF  }
0xa7: {  	s28 =	simm.s32 $_size_execute0_lowered;
	s3 =	sadd.s32 s3, s5;
	[dreg:$0x0] =	wrdreg $0x0  }
0xa8: {  	s5 =	sshll.u32 s28, $0x1;
	[dreg:$0x2] =	wrdreg s3  }
0xa9: {  	[dreg:$0x3] =	wrdreg s5  }
0xaa: {  	[dreg:$0x4] =	wrdreg $0xC0  }
0xab: {  	_ =	task [dreg:s7], $0x5FFFF  }
0xac: {  	[dreg:$0x1] =	wrdreg $0xFFFFFFFF  }
0xad: {  	[dreg:$0x0] =	wrdreg $0x60  }
0xae: {  	[dreg:$0x2] =	wrdreg s24  }
0xaf: {  	[dreg:$0x3] =	wrdreg s2  }
0xb0: {  	[dreg:$0x4] =	wrdreg $0x9  }
0xb1: {  	_ =	task.clear_ibuf [dreg:s7], $0x5FFFF;
	_ =	strace $0x90000046  }
0xb2: {  	s29 =	simm.s32 $0x9;
	_ =	strace $0x80000048  }
0xb3: {  	_ =	swait.ge [sflag:s29], $0x1  }
0xb4: {  	[sflag:s29] =	ssyncadd.s32 $0xFFFFFFFF  }
0xb5: {  	_ =	strace $0x90000048  }
0xb6: {  	_ =	sfence  }
0xb7: {  	s30 =	sld [smem:$0x0];
	_ =	sdelay $0x2  }
0xb8: {  	s31 =	sshll.u32 s1, $0xD;
	s1 =	sshrl.u32 s1, $0x2  }
0xb9: {  	s3 =	sand.u32 $0x4000, s31;
	s1 =	sadd.s32 s1, s30  }
0xba: {  	s0 =	sor.u32 s3, s0;
	s1 =	sshll.u32 s1, $0x11  }
0xbb: {  	s0 =	sor.u32 s1, s0  }
0xbc: {  	s0 =	sadd.s32 $0x8F2B, s0  }
0xbd: {  	[sflag:s0] =	ssyncadd.remote.s32 $0x1  }
0xbe: {  	_ =	sfence.sel $0xFFFF  }
0xbf: {  	[dreg:$0x0] =	wrdreg $0xFFFFFFFF;
	(pc) =	sbr.abs _section_cstart, $3  }
0xc0: {  	[dreg:$0x1] =	wrdreg $0xFFFFFFFF  }
0xc1: {  	_ =	task.clear_ibuf [dreg:s7], $0x2FFFF;
	_ =	strace $0x9FFFFFFF  }
0xc2: {  	(tm) =	ssettm $0x7FFFFFFF  }
0xc3: {  	_ =	shalt  }
tec
execute0_lowered:
.L_overlay_start_1:
0x0: {  	(tag) =	ssettag $0x1  }
0x1: {  	s0 =	rddreg [dreg:$0x0]  }
0x2: {  	s1 =	rddreg [dreg:$0x1];
	s2 =	simm.s32 $0x0  }
0x3: {  	s3 =	stileid.u32;
	s7 =	srdreg.scid;
	s11 =	simm.s32 $0x2  }
0x4: {  	s13 =	simm.s32 $0x980;
	s14 =	simm.s32 $0x1180;
	s15 =	simm.s32 $0x1980  }
0x5: {  	s16 =	simm.s32 $0x2180;
	s17 =	simm.s32 $0x2980;
	s28 =	simm.s32 $0x7980  }
0x6: {  	s29 =	simm.s32 $0x8180;
	s30 =	simm.s32 $0x8980;
	s31 =	simm.s32 $0x9180  }
0x7: {  	[smem:$0x7FF] =	sst s2;
	s4 =	smul.u32 $0x180, s3;
	s3 =	sadd.s32 $0x4200, s0  }
0x8: {  	s6 =	sadd.s32 $0x4B2E00, s0;
	s5 =	sadd.s32 $0x3800, s0;
	s8 =	sadd.s32 $0xA9200, s0  }
0x9: {  	s7 =	sand.u32 $0x1, s7;
	s0 =	sadd.s32 $0x139200, s0;
	_ =	strace $0x80000047  }
0xa: {  	p0 =	seq.s32 s7, $0x1;
	s18 =	ssub.s32 $0x2, s7;
	s4 =	sshrl.u32 s4, $0x3  }
0xb: {  	s8 =	smov.u32 @p0 s0;
	s1 =	smov.u32 @p0 s5;
	s9 =	smul.u32 $0x1800, s4  }
0xc: {  	s22 =	sshrl.u32 s18, $0x1;
	s3 =	smov.u32 @p0 s6;
	s10 =	smul.u32 $0x300, s4  }
0xd: {  	s1 =	sadd.s32 s1, s4;
	s0 =	ssub.s32 s18, s22;
	s6 =	sadd.s32 $0x100, s3  }
0xe: {  	s7 =	sadd.s32 $0x200, s3;
	s4 =	simm.s32 $0x180;
	s18 =	simm.s32 $0x3180  }
0xf: {  	s22 =	simm.s32 $0x5180;
	[dreg:$0x8] =	wrdreg s1;
	s5 =	smax.u32 s0, $0x1  }
0x10: {  	s9 =	sshrl.u32 s9, $0x3;
	s20 =	sadd.s32 s8, s10;
	s10 =	simm.s32 $0x1  }
0x11: {  	s19 =	sadd.s32 s8, s9;
	s23 =	sadd.s32 $0x3000, s20;
	[dreg:$0x9] =	wrdreg s20  }
0x12: {  	s24 =	sadd.s32 $0x4800, s20;
	s25 =	sadd.s32 $0x6000, s20;
	[dreg:$0x4] =	wrdreg s23  }
0x13: {  	s26 =	sadd.s32 $0x7800, s20;
	s8 =	simm.s32 $0x3;
	[dreg:$0x5] =	wrdreg s24  }
0x14: {  	s20 =	simm.s32 $0x4180;
	s9 =	simm.s32 $0xA980;
	[dreg:$0x6] =	wrdreg s25  }
0x15: {  	v2 =	vlaneseq.u32;
	s21 =	sadd.s32 $0x1800, s19;
	[dreg:$0x7] =	wrdreg s26;
	s19 =	simm.s32 $0x3980  }
0x16: {  	vm0 =	vmmov $0xffff;
	v1 =	vshrl.u32 v2, $0x3;
	s23 =	simm.s32 $0x5980;
	s24 =	simm.s32 $0x6180;
	s25 =	simm.s32 $0x6980  }
0x17: {  	v0 =	vand.u32 $0x7, v2;
	v2 =	vor.u32 $0x8, v2;
	v1 =	vmul.u32 $0x8, v1;
	s26 =	simm.s32 $0x7180;
	[dreg:$0x3] =	wrdreg s21;
	s21 =	simm.s32 $0x4980  }
.LBB2_1:
0x18: {  	s12 =	rddreg [dreg:$0x8]  }
0x19: {  	[tilespmem:s2], [sflag:$0x3] =	stream.linear.gather [hbm4b:s12+s2], $0x180, $0x38;
	[tilespmem:$0x18180] =	vst v63  }
0x1a: {  	_ =	swait.ge [sflag:s8], $0x180  }
0x1b: {  	[sflag:s8] =	ssyncset.done $0x0  }
0x1c: {  	[sflag:s8] =	ssyncadd.s32 $0xFFFFFE80  }
0x1d: {  	v3 =	vld [tilespmem:$0x0];
	_ =	sdelay $0x4  }
0x1e: {  	v4 =	vshrl.u32 v3, $0x3  }
0x1f: {  	v4 =	vmul.u32 $0x30, v4  }
0x20: {  	v3 =	vand.u32 $0x7, v3  }
0x21: {  	v3 =	vor.u32 v3, v4  }
0x22: {  	v4 =	vperm.xlane v3, v0;
	_ =	sdelay $0x1  }
0x23: {  	v4 =	vadd.s32 v1, v4;
	_ =	sdelay $0x3  }
0x24: {  	v3 =	vperm.xlane v3, v2  }
0x25: {  	[tilespmem:s4], [sflag:$0x1] =	stream.indirect_vreg.gather [hbm4b:s3+s2], $0x80, v4, vm0, $0xb8;
	[tilespmem:$0x18180] =	vst v63  }
0x26: {  	v3 =	vadd.s32 v1, v3  }
0x27: {  	[tilespmem:s13], [sflag:$0x1] =	stream.indirect_vreg.gather [hbm4b:s6+s2], $0x80, v4, vm0, $0xb8;
	[tilespmem:$0x18180] =	vst v63  }
0x28: {  	_ = 	snop  }
0x29: {  	[tilespmem:s14], [sflag:$0x1] =	stream.indirect_vreg.gather [hbm4b:s7+s2], $0x80, v4, vm0, $0xb8;
	[tilespmem:$0x18180] =	vst v63  }
0x2a: {  	_ = 	snop  }
0x2b: {  	[tilespmem:s15], [sflag:$0x1] =	stream.indirect_vreg.gather [hbm4b:s3+s2], $0x80, v3, vm0, $0xb8;
	[tilespmem:$0x18180] =	vst v63  }
0x2c: {  	_ = 	snop  }
0x2d: {  	[tilespmem:s16], [sflag:$0x1] =	stream.indirect_vreg.gather [hbm4b:s6+s2], $0x80, v3, vm0, $0xb8;
	[tilespmem:$0x18180] =	vst v63  }
0x2e: {  	_ = 	snop  }
0x2f: {  	[tilespmem:s17], [sflag:$0x1] =	stream.indirect_vreg.gather [hbm4b:s7+s2], $0x80, v3, vm0, $0xb8;
	[tilespmem:$0x18180] =	vst v63  }
0x30: {  	v3 =	vld [tilespmem:$0x10];
	_ =	sdelay $0x4  }
0x31: {  	v41 =	vshrl.u32 v3, $0x3  }
0x32: {  	v4 =	vmul.u32 $0x30, v41  }
0x33: {  	v3 =	vand.u32 $0x7, v3  }
0x34: {  	v3 =	vor.u32 v3, v4  }
0x35: {  	v4 =	vperm.xlane v3, v0;
	_ =	sdelay $0x1  }
0x36: {  	v4 =	vadd.s32 v1, v4;
	_ =	sdelay $0x3  }
0x37: {  	v3 =	vperm.xlane v3, v2  }
0x38: {  	[tilespmem:s18], [sflag:$0x1] =	stream.indirect_vreg.gather [hbm4b:s3+s2], $0x80, v4, vm0, $0xb8;
	[tilespmem:$0x18180] =	vst v63  }
0x39: {  	v3 =	vadd.s32 v1, v3  }
0x3a: {  	[tilespmem:s19], [sflag:$0x1] =	stream.indirect_vreg.gather [hbm4b:s6+s2], $0x80, v4, vm0, $0xb8;
	[tilespmem:$0x18180] =	vst v63  }
0x3b: {  	_ = 	snop  }
0x3c: {  	[tilespmem:s20], [sflag:$0x1] =	stream.indirect_vreg.gather [hbm4b:s7+s2], $0x80, v4, vm0, $0xb8;
	[tilespmem:$0x18180] =	vst v63  }
0x3d: {  	_ = 	snop  }
0x3e: {  	[tilespmem:s21], [sflag:$0x1] =	stream.indirect_vreg.gather [hbm4b:s3+s2], $0x80, v3, vm0, $0xb8;
	[tilespmem:$0x18180] =	vst v63  }
0x3f: {  	_ = 	snop  }
0x40: {  	[tilespmem:s22], [sflag:$0x1] =	stream.indirect_vreg.gather [hbm4b:s6+s2], $0x80, v3, vm0, $0xb8;
	[tilespmem:$0x18180] =	vst v63  }
0x41: {  	_ = 	snop  }
0x42: {  	[tilespmem:s23], [sflag:$0x1] =	stream.indirect_vreg.gather [hbm4b:s7+s2], $0x80, v3, vm0, $0xb8;
	[tilespmem:$0x18180] =	vst v63  }
0x43: {  	v3 =	vld [tilespmem:$0x20];
	_ =	sdelay $0x4  }
0x44: {  	v42 =	vshrl.u32 v3, $0x3  }
0x45: {  	v4 =	vmul.u32 $0x30, v42  }
0x46: {  	v3 =	vand.u32 $0x7, v3  }
0x47: {  	v3 =	vor.u32 v3, v4  }
0x48: {  	v4 =	vperm.xlane v3, v0;
	_ =	sdelay $0x1  }
0x49: {  	v4 =	vadd.s32 v1, v4;
	_ =	sdelay $0x3  }
0x4a: {  	v3 =	vperm.xlane v3, v2  }
0x4b: {  	[tilespmem:s24], [sflag:$0x1] =	stream.indirect_vreg.gather [hbm4b:s3+s2], $0x80, v4, vm0, $0xb8;
	[tilespmem:$0x18180] =	vst v63  }
0x4c: {  	v3 =	vadd.s32 v1, v3  }
0x4d: {  	[tilespmem:s25], [sflag:$0x1] =	stream.indirect_vreg.gather [hbm4b:s6+s2], $0x80, v4, vm0, $0xb8;
	[tilespmem:$0x18180] =	vst v63  }
0x4e: {  	_ = 	snop  }
0x4f: {  	[tilespmem:s26], [sflag:$0x1] =	stream.indirect_vreg.gather [hbm4b:s7+s2], $0x80, v4, vm0, $0xb8;
	[tilespmem:$0x18180] =	vst v63  }
0x50: {  	_ = 	snop  }
0x51: {  	[tilespmem:s28], [sflag:$0x1] =	stream.indirect_vreg.gather [hbm4b:s3+s2], $0x80, v3, vm0, $0xb8;
	[tilespmem:$0x18180] =	vst v63  }
0x52: {  	_ = 	snop  }
0x53: {  	[tilespmem:s29], [sflag:$0x1] =	stream.indirect_vreg.gather [hbm4b:s6+s2], $0x80, v3, vm0, $0xb8;
	[tilespmem:$0x18180] =	vst v63  }
0x54: {  	_ = 	snop  }
0x55: {  	[tilespmem:s30], [sflag:$0x1] =	stream.indirect_vreg.gather [hbm4b:s7+s2], $0x80, v3, vm0, $0xb8;
	[tilespmem:$0x18180] =	vst v63  }
0x56: {  	v3 =	vld [tilespmem:$0x30];
	_ =	sdelay $0x4  }
0x57: {  	v43 =	vshrl.u32 v3, $0x3  }
0x58: {  	v4 =	vmul.u32 $0x30, v43  }
0x59: {  	v3 =	vand.u32 $0x7, v3  }
0x5a: {  	v3 =	vor.u32 v3, v4  }
0x5b: {  	v4 =	vperm.xlane v3, v0;
	_ =	sdelay $0x1  }
0x5c: {  	v4 =	vadd.s32 v1, v4;
	_ =	sdelay $0x3  }
0x5d: {  	v3 =	vperm.xlane v3, v2  }
0x5e: {  	[tilespmem:s31], [sflag:$0x1] =	stream.indirect_vreg.gather [hbm4b:s3+s2], $0x80, v4, vm0, $0xb8;
	[tilespmem:$0x18180] =	vst v63  }
0x5f: {  	s0 =	simm.s32 $0x9980;
	v3 =	vadd.s32 v1, v3  }
0x60: {  	[tilespmem:s0], [sflag:$0x1] =	stream.indirect_vreg.gather [hbm4b:s6+s2], $0x80, v4, vm0, $0xb8;
	[tilespmem:$0x18180] =	vst v63  }
0x61: {  	s1 =	simm.s32 $0xA180  }
0x62: {  	[tilespmem:s1], [sflag:$0x1] =	stream.indirect_vreg.gather [hbm4b:s7+s2], $0x80, v4, vm0, $0xb8;
	[tilespmem:$0x18180] =	vst v63  }
0x63: {  	_ = 	snop  }
0x64: {  	[tilespmem:s9], [sflag:$0x1] =	stream.indirect_vreg.gather [hbm4b:s3+s2], $0x80, v3, vm0, $0xb8;
	[tilespmem:$0x18180] =	vst v63  }
0x65: {  	s12 =	simm.s32 $0xB180  }
0x66: {  	[tilespmem:s12], [sflag:$0x1] =	stream.indirect_vreg.gather [hbm4b:s6+s2], $0x80, v3, vm0, $0xb8;
	[tilespmem:$0x18180] =	vst v63  }
0x67: {  	s12 =	simm.s32 $0xB980  }
0x68: {  	[tilespmem:s12], [sflag:$0x1] =	stream.indirect_vreg.gather [hbm4b:s7+s2], $0x80, v3, vm0, $0xb8;
	[tilespmem:$0x18180] =	vst v63  }
0x69: {  	v3 =	vld [tilespmem:$0x40];
	_ =	sdelay $0x4  }
0x6a: {  	v44 =	vshrl.u32 v3, $0x3  }
0x6b: {  	v4 =	vmul.u32 $0x30, v44  }
0x6c: {  	v3 =	vand.u32 $0x7, v3  }
0x6d: {  	v3 =	vor.u32 v3, v4  }
0x6e: {  	v4 =	vperm.xlane v3, v0;
	_ =	sdelay $0x1  }
0x6f: {  	v4 =	vadd.s32 v1, v4;
	_ =	sdelay $0x3  }
0x70: {  	s0 =	simm.s32 $0xC180;
	v3 =	vperm.xlane v3, v2  }
0x71: {  	[tilespmem:s0], [sflag:$0x2] =	stream.indirect_vreg.gather [hbm4b:s3+s2], $0x80, v4, vm0, $0xb8;
	[tilespmem:$0x18180] =	vst v63  }
0x72: {  	s12 =	simm.s32 $0xC980;
	v3 =	vadd.s32 v1, v3  }
0x73: {  	[tilespmem:s12], [sflag:$0x2] =	stream.indirect_vreg.gather [hbm4b:s6+s2], $0x80, v4, vm0, $0xb8;
	[tilespmem:$0x18180] =	vst v63  }
0x74: {  	s12 =	simm.s32 $0xD180  }
0x75: {  	[tilespmem:s12], [sflag:$0x2] =	stream.indirect_vreg.gather [hbm4b:s7+s2], $0x80, v4, vm0, $0xb8;
	[tilespmem:$0x18180] =	vst v63  }
0x76: {  	s12 =	simm.s32 $0xD980  }
0x77: {  	[tilespmem:s12], [sflag:$0x2] =	stream.indirect_vreg.gather [hbm4b:s3+s2], $0x80, v3, vm0, $0xb8;
	[tilespmem:$0x18180] =	vst v63  }
0x78: {  	s12 =	simm.s32 $0xE180  }
0x79: {  	[tilespmem:s12], [sflag:$0x2] =	stream.indirect_vreg.gather [hbm4b:s6+s2], $0x80, v3, vm0, $0xb8;
	[tilespmem:$0x18180] =	vst v63  }
0x7a: {  	s12 =	simm.s32 $0xE980  }
0x7b: {  	[tilespmem:s12], [sflag:$0x2] =	stream.indirect_vreg.gather [hbm4b:s7+s2], $0x80, v3, vm0, $0xb8;
	[tilespmem:$0x18180] =	vst v63  }
0x7c: {  	v3 =	vld [tilespmem:$0x50];
	_ =	sdelay $0x4  }
0x7d: {  	v45 =	vshrl.u32 v3, $0x3  }
0x7e: {  	v4 =	vmul.u32 $0x30, v45  }
0x7f: {  	v3 =	vand.u32 $0x7, v3  }
0x80: {  	v3 =	vor.u32 v3, v4  }
0x81: {  	v4 =	vperm.xlane v3, v0;
	_ =	sdelay $0x1  }
0x82: {  	v4 =	vadd.s32 v1, v4;
	_ =	sdelay $0x3  }
0x83: {  	s12 =	simm.s32 $0xF180;
	v3 =	vperm.xlane v3, v2  }
0x84: {  	[tilespmem:s12], [sflag:$0x2] =	stream.indirect_vreg.gather [hbm4b:s3+s2], $0x80, v4, vm0, $0xb8;
	[tilespmem:$0x18180] =	vst v63  }
0x85: {  	v3 =	vadd.s32 v1, v3;
	s12 =	simm.s32 $0xF980  }
0x86: {  	[tilespmem:s12], [sflag:$0x2] =	stream.indirect_vreg.gather [hbm4b:s6+s2], $0x80, v4, vm0, $0xb8;
	[tilespmem:$0x18180] =	vst v63  }
0x87: {  	s12 =	simm.s32 $0x10180  }
0x88: {  	[tilespmem:s12], [sflag:$0x2] =	stream.indirect_vreg.gather [hbm4b:s7+s2], $0x80, v4, vm0, $0xb8;
	[tilespmem:$0x18180] =	vst v63  }
0x89: {  	s12 =	simm.s32 $0x10980  }
0x8a: {  	[tilespmem:s12], [sflag:$0x2] =	stream.indirect_vreg.gather [hbm4b:s3+s2], $0x80, v3, vm0, $0xb8;
	[tilespmem:$0x18180] =	vst v63  }
0x8b: {  	s12 =	simm.s32 $0x11180  }
0x8c: {  	[tilespmem:s12], [sflag:$0x2] =	stream.indirect_vreg.gather [hbm4b:s6+s2], $0x80, v3, vm0, $0xb8;
	[tilespmem:$0x18180] =	vst v63  }
0x8d: {  	s12 =	simm.s32 $0x11980  }
0x8e: {  	[tilespmem:s12], [sflag:$0x2] =	stream.indirect_vreg.gather [hbm4b:s7+s2], $0x80, v3, vm0, $0xb8;
	[tilespmem:$0x18180] =	vst v63  }
0x8f: {  	v3 =	vld [tilespmem:$0x60];
	_ =	sdelay $0x4  }
0x90: {  	v46 =	vshrl.u32 v3, $0x3  }
0x91: {  	v4 =	vmul.u32 $0x30, v46  }
0x92: {  	v3 =	vand.u32 $0x7, v3  }
0x93: {  	v3 =	vor.u32 v3, v4  }
0x94: {  	v4 =	vperm.xlane v3, v0;
	_ =	sdelay $0x1  }
0x95: {  	v4 =	vadd.s32 v1, v4;
	_ =	sdelay $0x3  }
0x96: {  	s12 =	simm.s32 $0x12180;
	v3 =	vperm.xlane v3, v2  }
0x97: {  	[tilespmem:s12], [sflag:$0x2] =	stream.indirect_vreg.gather [hbm4b:s3+s2], $0x80, v4, vm0, $0xb8;
	[tilespmem:$0x18180] =	vst v63  }
0x98: {  	v3 =	vadd.s32 v1, v3;
	s12 =	simm.s32 $0x12980  }
0x99: {  	[tilespmem:s12], [sflag:$0x2] =	stream.indirect_vreg.gather [hbm4b:s6+s2], $0x80, v4, vm0, $0xb8;
	[tilespmem:$0x18180] =	vst v63  }
0x9a: {  	s12 =	simm.s32 $0x13180  }
0x9b: {  	[tilespmem:s12], [sflag:$0x2] =	stream.indirect_vreg.gather [hbm4b:s7+s2], $0x80, v4, vm0, $0xb8;
	[tilespmem:$0x18180] =	vst v63  }
0x9c: {  	s12 =	simm.s32 $0x13980  }
0x9d: {  	[tilespmem:s12], [sflag:$0x2] =	stream.indirect_vreg.gather [hbm4b:s3+s2], $0x80, v3, vm0, $0xb8;
	[tilespmem:$0x18180] =	vst v63  }
0x9e: {  	s12 =	simm.s32 $0x14180  }
0x9f: {  	[tilespmem:s12], [sflag:$0x2] =	stream.indirect_vreg.gather [hbm4b:s6+s2], $0x80, v3, vm0, $0xb8;
	[tilespmem:$0x18180] =	vst v63  }
0xa0: {  	s12 =	simm.s32 $0x14980  }
0xa1: {  	[tilespmem:s12], [sflag:$0x2] =	stream.indirect_vreg.gather [hbm4b:s7+s2], $0x80, v3, vm0, $0xb8;
	[tilespmem:$0x18180] =	vst v63  }
0xa2: {  	v3 =	vld [tilespmem:$0x70];
	_ =	sdelay $0x4  }
0xa3: {  	v47 =	vshrl.u32 v3, $0x3  }
0xa4: {  	v4 =	vmul.u32 $0x30, v47  }
0xa5: {  	v3 =	vand.u32 $0x7, v3  }
0xa6: {  	v3 =	vor.u32 v3, v4  }
0xa7: {  	v4 =	vperm.xlane v3, v0;
	_ =	sdelay $0x1  }
0xa8: {  	v4 =	vadd.s32 v1, v4;
	_ =	sdelay $0x3  }
0xa9: {  	s12 =	simm.s32 $0x15180;
	v3 =	vperm.xlane v3, v2  }
0xaa: {  	[tilespmem:s12], [sflag:$0x2] =	stream.indirect_vreg.gather [hbm4b:s3+s2], $0x80, v4, vm0, $0xb8;
	[tilespmem:$0x18180] =	vst v63  }
0xab: {  	v3 =	vadd.s32 v1, v3;
	s12 =	simm.s32 $0x15980  }
0xac: {  	[tilespmem:s12], [sflag:$0x2] =	stream.indirect_vreg.gather [hbm4b:s6+s2], $0x80, v4, vm0, $0xb8;
	[tilespmem:$0x18180] =	vst v63  }
0xad: {  	s12 =	simm.s32 $0x16180  }
0xae: {  	[tilespmem:s12], [sflag:$0x2] =	stream.indirect_vreg.gather [hbm4b:s7+s2], $0x80, v4, vm0, $0xb8;
	[tilespmem:$0x18180] =	vst v63  }
0xaf: {  	s12 =	simm.s32 $0x16980  }
0xb0: {  	[tilespmem:s12], [sflag:$0x2] =	stream.indirect_vreg.gather [hbm4b:s3+s2], $0x80, v3, vm0, $0xb8;
	[tilespmem:$0x18180] =	vst v63  }
0xb1: {  	s12 =	simm.s32 $0x17180  }
0xb2: {  	[tilespmem:s12], [sflag:$0x2] =	stream.indirect_vreg.gather [hbm4b:s6+s2], $0x80, v3, vm0, $0xb8;
	[tilespmem:$0x18180] =	vst v63  }
0xb3: {  	s12 =	simm.s32 $0x17980  }
0xb4: {  	[tilespmem:s12], [sflag:$0x2] =	stream.indirect_vreg.gather [hbm4b:s7+s2], $0x80, v3, vm0, $0xb8;
	[tilespmem:$0x18180] =	vst v63  }
0xb5: {  	_ =	swait.ge [sflag:s10], $0xC000  }
0xb6: {  	[sflag:s10] =	ssyncset.done $0x0  }
0xb7: {  	s12 =	rddreg [dreg:$0x9];
	[sflag:s10] =	ssyncadd.s32 $0xFFFF4000  }
0xb8: {  	[hbm4b:s12+s2] =	stream.linear.scatter [tilespmem:s4], [sflag:$0x3], $0xC000, $0x38;
	[tilespmem:$0x18180] =	vst v63  }
0xb9: {  	_ =	swait.ge [sflag:s8], $0xC000  }
0xba: {  	[sflag:s8] =	ssyncset.done $0x0  }
0xbb: {  	[sflag:s8] =	ssyncadd.s32 $0xFFFF4000  }
0xbc: {  	v3 =	vld [tilespmem:$0x80];
	_ =	sdelay $0x4  }
0xbd: {  	v48 =	vshrl.u32 v3, $0x3  }
0xbe: {  	v4 =	vmul.u32 $0x30, v48  }
0xbf: {  	v3 =	vand.u32 $0x7, v3  }
0xc0: {  	v3 =	vor.u32 v3, v4  }
0xc1: {  	v4 =	vperm.xlane v3, v0;
	_ =	sdelay $0x1  }
0xc2: {  	v4 =	vadd.s32 v1, v4;
	_ =	sdelay $0x3  }
0xc3: {  	v3 =	vperm.xlane v3, v2  }
0xc4: {  	[tilespmem:s4], [sflag:$0x1] =	stream.indirect_vreg.gather [hbm4b:s3+s2], $0x80, v4, vm0, $0xb8;
	[tilespmem:$0x18180] =	vst v63  }
0xc5: {  	v3 =	vadd.s32 v1, v3  }
0xc6: {  	[tilespmem:s13], [sflag:$0x1] =	stream.indirect_vreg.gather [hbm4b:s6+s2], $0x80, v4, vm0, $0xb8;
	[tilespmem:$0x18180] =	vst v63  }
0xc7: {  	_ = 	snop  }
0xc8: {  	[tilespmem:s14], [sflag:$0x1] =	stream.indirect_vreg.gather [hbm4b:s7+s2], $0x80, v4, vm0, $0xb8;
	[tilespmem:$0x18180] =	vst v63  }
0xc9: {  	_ = 	snop  }
0xca: {  	[tilespmem:s15], [sflag:$0x1] =	stream.indirect_vreg.gather [hbm4b:s3+s2], $0x80, v3, vm0, $0xb8;
	[tilespmem:$0x18180] =	vst v63  }
0xcb: {  	_ = 	snop  }
0xcc: {  	[tilespmem:s16], [sflag:$0x1] =	stream.indirect_vreg.gather [hbm4b:s6+s2], $0x80, v3, vm0, $0xb8;
	[tilespmem:$0x18180] =	vst v63  }
0xcd: {  	_ = 	snop  }
0xce: {  	[tilespmem:s17], [sflag:$0x1] =	stream.indirect_vreg.gather [hbm4b:s7+s2], $0x80, v3, vm0, $0xb8;
	[tilespmem:$0x18180] =	vst v63  }
0xcf: {  	v3 =	vld [tilespmem:$0x90];
	_ =	sdelay $0x4  }
0xd0: {  	v49 =	vshrl.u32 v3, $0x3  }
0xd1: {  	v4 =	vmul.u32 $0x30, v49  }
0xd2: {  	v3 =	vand.u32 $0x7, v3  }
0xd3: {  	v3 =	vor.u32 v3, v4  }
0xd4: {  	v4 =	vperm.xlane v3, v0;
	_ =	sdelay $0x1  }
0xd5: {  	v4 =	vadd.s32 v1, v4;
	_ =	sdelay $0x3  }
0xd6: {  	v3 =	vperm.xlane v3, v2  }
0xd7: {  	[tilespmem:s18], [sflag:$0x1] =	stream.indirect_vreg.gather [hbm4b:s3+s2], $0x80, v4, vm0, $0xb8;
	[tilespmem:$0x18180] =	vst v63  }
0xd8: {  	v3 =	vadd.s32 v1, v3  }
0xd9: {  	[tilespmem:s19], [sflag:$0x1] =	stream.indirect_vreg.gather [hbm4b:s6+s2], $0x80, v4, vm0, $0xb8;
	[tilespmem:$0x18180] =	vst v63  }
0xda: {  	_ = 	snop  }
0xdb: {  	[tilespmem:s20], [sflag:$0x1] =	stream.indirect_vreg.gather [hbm4b:s7+s2], $0x80, v4, vm0, $0xb8;
	[tilespmem:$0x18180] =	vst v63  }
0xdc: {  	_ = 	snop  }
0xdd: {  	[tilespmem:s21], [sflag:$0x1] =	stream.indirect_vreg.gather [hbm4b:s3+s2], $0x80, v3, vm0, $0xb8;
	[tilespmem:$0x18180] =	vst v63  }
0xde: {  	_ = 	snop  }
0xdf: {  	[tilespmem:s22], [sflag:$0x1] =	stream.indirect_vreg.gather [hbm4b:s6+s2], $0x80, v3, vm0, $0xb8;
	[tilespmem:$0x18180] =	vst v63  }
0xe0: {  	_ = 	snop  }
0xe1: {  	[tilespmem:s23], [sflag:$0x1] =	stream.indirect_vreg.gather [hbm4b:s7+s2], $0x80, v3, vm0, $0xb8;
	[tilespmem:$0x18180] =	vst v63  }
0xe2: {  	v3 =	vld [tilespmem:$0xA0];
	_ =	sdelay $0x4  }
0xe3: {  	v50 =	vshrl.u32 v3, $0x3  }
0xe4: {  	v4 =	vmul.u32 $0x30, v50  }
0xe5: {  	v3 =	vand.u32 $0x7, v3  }
0xe6: {  	v3 =	vor.u32 v3, v4  }
0xe7: {  	v4 =	vperm.xlane v3, v0;
	_ =	sdelay $0x1  }
0xe8: {  	v4 =	vadd.s32 v1, v4;
	_ =	sdelay $0x3  }
0xe9: {  	v3 =	vperm.xlane v3, v2  }
0xea: {  	[tilespmem:s24], [sflag:$0x1] =	stream.indirect_vreg.gather [hbm4b:s3+s2], $0x80, v4, vm0, $0xb8;
	[tilespmem:$0x18180] =	vst v63  }
0xeb: {  	v3 =	vadd.s32 v1, v3  }
0xec: {  	[tilespmem:s25], [sflag:$0x1] =	stream.indirect_vreg.gather [hbm4b:s6+s2], $0x80, v4, vm0, $0xb8;
	[tilespmem:$0x18180] =	vst v63  }
0xed: {  	_ = 	snop  }
0xee: {  	[tilespmem:s26], [sflag:$0x1] =	stream.indirect_vreg.gather [hbm4b:s7+s2], $0x80, v4, vm0, $0xb8;
	[tilespmem:$0x18180] =	vst v63  }
0xef: {  	_ = 	snop  }
0xf0: {  	[tilespmem:s28], [sflag:$0x1] =	stream.indirect_vreg.gather [hbm4b:s3+s2], $0x80, v3, vm0, $0xb8;
	[tilespmem:$0x18180] =	vst v63  }
0xf1: {  	_ = 	snop  }
0xf2: {  	[tilespmem:s29], [sflag:$0x1] =	stream.indirect_vreg.gather [hbm4b:s6+s2], $0x80, v3, vm0, $0xb8;
	[tilespmem:$0x18180] =	vst v63  }
0xf3: {  	_ = 	snop  }
0xf4: {  	[tilespmem:s30], [sflag:$0x1] =	stream.indirect_vreg.gather [hbm4b:s7+s2], $0x80, v3, vm0, $0xb8;
	[tilespmem:$0x18180] =	vst v63  }
0xf5: {  	v3 =	vld [tilespmem:$0xB0];
	_ =	sdelay $0x4  }
0xf6: {  	v51 =	vshrl.u32 v3, $0x3  }
0xf7: {  	v4 =	vmul.u32 $0x30, v51  }
0xf8: {  	v3 =	vand.u32 $0x7, v3  }
0xf9: {  	v3 =	vor.u32 v3, v4  }
0xfa: {  	v4 =	vperm.xlane v3, v0;
	_ =	sdelay $0x1  }
0xfb: {  	v4 =	vadd.s32 v1, v4;
	_ =	sdelay $0x3  }
0xfc: {  	v3 =	vperm.xlane v3, v2  }
0xfd: {  	[tilespmem:s31], [sflag:$0x1] =	stream.indirect_vreg.gather [hbm4b:s3+s2], $0x80, v4, vm0, $0xb8;
	[tilespmem:$0x18180] =	vst v63  }
0xfe: {  	s12 =	simm.s32 $0x9980;
	v3 =	vadd.s32 v1, v3  }
0xff: {  	[tilespmem:s12], [sflag:$0x1] =	stream.indirect_vreg.gather [hbm4b:s6+s2], $0x80, v4, vm0, $0xb8;
	[tilespmem:$0x18180] =	vst v63  }
0x100: {  	_ = 	snop  }
0x101: {  	[tilespmem:s1], [sflag:$0x1] =	stream.indirect_vreg.gather [hbm4b:s7+s2], $0x80, v4, vm0, $0xb8;
	[tilespmem:$0x18180] =	vst v63  }
0x102: {  	_ = 	snop  }
0x103: {  	[tilespmem:s9], [sflag:$0x1] =	stream.indirect_vreg.gather [hbm4b:s3+s2], $0x80, v3, vm0, $0xb8;
	[tilespmem:$0x18180] =	vst v63  }
0x104: {  	s12 =	simm.s32 $0xB180  }
0x105: {  	[tilespmem:s12], [sflag:$0x1] =	stream.indirect_vreg.gather [hbm4b:s6+s2], $0x80, v3, vm0, $0xb8;
	[tilespmem:$0x18180] =	vst v63  }
0x106: {  	s12 =	simm.s32 $0xB980  }
0x107: {  	[tilespmem:s12], [sflag:$0x1] =	stream.indirect_vreg.gather [hbm4b:s7+s2], $0x80, v3, vm0, $0xb8;
	[tilespmem:$0x18180] =	vst v63  }
0x108: {  	_ =	swait.ge [sflag:s11], $0xC000  }
0x109: {  	[sflag:s11] =	ssyncset.done $0x0  }
0x10a: {  	s12 =	rddreg [dreg:$0x3];
	[sflag:s11] =	ssyncadd.s32 $0xFFFF4000  }
0x10b: {  	[hbm4b:s12+s2] =	stream.linear.scatter [tilespmem:s0], [sflag:$0x3], $0xC000, $0x38;
	[tilespmem:$0x18180] =	vst v63  }
0x10c: {  	_ =	swait.ge [sflag:s8], $0xC000  }
0x10d: {  	[sflag:s8] =	ssyncset.done $0x0  }
0x10e: {  	[sflag:s8] =	ssyncadd.s32 $0xFFFF4000  }
0x10f: {  	v3 =	vld [tilespmem:$0xC0];
	_ =	sdelay $0x4  }
0x110: {  	v52 =	vshrl.u32 v3, $0x3  }
0x111: {  	v4 =	vmul.u32 $0x30, v52  }
0x112: {  	v3 =	vand.u32 $0x7, v3  }
0x113: {  	v3 =	vor.u32 v3, v4  }
0x114: {  	v4 =	vperm.xlane v3, v0;
	_ =	sdelay $0x1  }
0x115: {  	v4 =	vadd.s32 v1, v4;
	_ =	sdelay $0x3  }
0x116: {  	v3 =	vperm.xlane v3, v2  }
0x117: {  	[tilespmem:s0], [sflag:$0x2] =	stream.indirect_vreg.gather [hbm4b:s3+s2], $0x80, v4, vm0, $0xb8;
	[tilespmem:$0x18180] =	vst v63  }
0x118: {  	s12 =	simm.s32 $0xC980;
	v3 =	vadd.s32 v1, v3  }
0x119: {  	[tilespmem:s12], [sflag:$0x2] =	stream.indirect_vreg.gather [hbm4b:s6+s2], $0x80, v4, vm0, $0xb8;
	[tilespmem:$0x18180] =	vst v63  }
0x11a: {  	s12 =	simm.s32 $0xD180  }
0x11b: {  	[tilespmem:s12], [sflag:$0x2] =	stream.indirect_vreg.gather [hbm4b:s7+s2], $0x80, v4, vm0, $0xb8;
	[tilespmem:$0x18180] =	vst v63  }
0x11c: {  	s12 =	simm.s32 $0xD980  }
0x11d: {  	[tilespmem:s12], [sflag:$0x2] =	stream.indirect_vreg.gather [hbm4b:s3+s2], $0x80, v3, vm0, $0xb8;
	[tilespmem:$0x18180] =	vst v63  }
0x11e: {  	s12 =	simm.s32 $0xE180  }
0x11f: {  	[tilespmem:s12], [sflag:$0x2] =	stream.indirect_vreg.gather [hbm4b:s6+s2], $0x80, v3, vm0, $0xb8;
	[tilespmem:$0x18180] =	vst v63  }
0x120: {  	s12 =	simm.s32 $0xE980  }
0x121: {  	[tilespmem:s12], [sflag:$0x2] =	stream.indirect_vreg.gather [hbm4b:s7+s2], $0x80, v3, vm0, $0xb8;
	[tilespmem:$0x18180] =	vst v63  }
0x122: {  	v3 =	vld [tilespmem:$0xD0];
	_ =	sdelay $0x4  }
0x123: {  	v53 =	vshrl.u32 v3, $0x3  }
0x124: {  	v4 =	vmul.u32 $0x30, v53  }
0x125: {  	v3 =	vand.u32 $0x7, v3  }
0x126: {  	v3 =	vor.u32 v3, v4  }
0x127: {  	v4 =	vperm.xlane v3, v0;
	_ =	sdelay $0x1  }
0x128: {  	v4 =	vadd.s32 v1, v4;
	_ =	sdelay $0x3  }
0x129: {  	s12 =	simm.s32 $0xF180;
	v3 =	vperm.xlane v3, v2  }
0x12a: {  	[tilespmem:s12], [sflag:$0x2] =	stream.indirect_vreg.gather [hbm4b:s3+s2], $0x80, v4, vm0, $0xb8;
	[tilespmem:$0x18180] =	vst v63  }
0x12b: {  	v3 =	vadd.s32 v1, v3;
	s12 =	simm.s32 $0xF980  }
0x12c: {  	[tilespmem:s12], [sflag:$0x2] =	stream.indirect_vreg.gather [hbm4b:s6+s2], $0x80, v4, vm0, $0xb8;
	[tilespmem:$0x18180] =	vst v63  }
0x12d: {  	s12 =	simm.s32 $0x10180  }
0x12e: {  	[tilespmem:s12], [sflag:$0x2] =	stream.indirect_vreg.gather [hbm4b:s7+s2], $0x80, v4, vm0, $0xb8;
	[tilespmem:$0x18180] =	vst v63  }
0x12f: {  	s12 =	simm.s32 $0x10980  }
0x130: {  	[tilespmem:s12], [sflag:$0x2] =	stream.indirect_vreg.gather [hbm4b:s3+s2], $0x80, v3, vm0, $0xb8;
	[tilespmem:$0x18180] =	vst v63  }
0x131: {  	s12 =	simm.s32 $0x11180  }
0x132: {  	[tilespmem:s12], [sflag:$0x2] =	stream.indirect_vreg.gather [hbm4b:s6+s2], $0x80, v3, vm0, $0xb8;
	[tilespmem:$0x18180] =	vst v63  }
0x133: {  	s12 =	simm.s32 $0x11980  }
0x134: {  	[tilespmem:s12], [sflag:$0x2] =	stream.indirect_vreg.gather [hbm4b:s7+s2], $0x80, v3, vm0, $0xb8;
	[tilespmem:$0x18180] =	vst v63  }
0x135: {  	v3 =	vld [tilespmem:$0xE0];
	_ =	sdelay $0x4  }
0x136: {  	v54 =	vshrl.u32 v3, $0x3  }
0x137: {  	v4 =	vmul.u32 $0x30, v54  }
0x138: {  	v3 =	vand.u32 $0x7, v3  }
0x139: {  	v3 =	vor.u32 v3, v4  }
0x13a: {  	v4 =	vperm.xlane v3, v0;
	_ =	sdelay $0x1  }
0x13b: {  	v4 =	vadd.s32 v1, v4;
	_ =	sdelay $0x3  }
0x13c: {  	s12 =	simm.s32 $0x12180;
	v3 =	vperm.xlane v3, v2  }
0x13d: {  	[tilespmem:s12], [sflag:$0x2] =	stream.indirect_vreg.gather [hbm4b:s3+s2], $0x80, v4, vm0, $0xb8;
	[tilespmem:$0x18180] =	vst v63  }
0x13e: {  	v3 =	vadd.s32 v1, v3;
	s12 =	simm.s32 $0x12980  }
0x13f: {  	[tilespmem:s12], [sflag:$0x2] =	stream.indirect_vreg.gather [hbm4b:s6+s2], $0x80, v4, vm0, $0xb8;
	[tilespmem:$0x18180] =	vst v63  }
0x140: {  	s12 =	simm.s32 $0x13180  }
0x141: {  	[tilespmem:s12], [sflag:$0x2] =	stream.indirect_vreg.gather [hbm4b:s7+s2], $0x80, v4, vm0, $0xb8;
	[tilespmem:$0x18180] =	vst v63  }
0x142: {  	s12 =	simm.s32 $0x13980  }
0x143: {  	[tilespmem:s12], [sflag:$0x2] =	stream.indirect_vreg.gather [hbm4b:s3+s2], $0x80, v3, vm0, $0xb8;
	[tilespmem:$0x18180] =	vst v63  }
0x144: {  	s12 =	simm.s32 $0x14180  }
0x145: {  	[tilespmem:s12], [sflag:$0x2] =	stream.indirect_vreg.gather [hbm4b:s6+s2], $0x80, v3, vm0, $0xb8;
	[tilespmem:$0x18180] =	vst v63  }
0x146: {  	s12 =	simm.s32 $0x14980  }
0x147: {  	[tilespmem:s12], [sflag:$0x2] =	stream.indirect_vreg.gather [hbm4b:s7+s2], $0x80, v3, vm0, $0xb8;
	[tilespmem:$0x18180] =	vst v63  }
0x148: {  	v3 =	vld [tilespmem:$0xF0];
	_ =	sdelay $0x4  }
0x149: {  	v55 =	vshrl.u32 v3, $0x3  }
0x14a: {  	v4 =	vmul.u32 $0x30, v55  }
0x14b: {  	v3 =	vand.u32 $0x7, v3  }
0x14c: {  	v3 =	vor.u32 v3, v4  }
0x14d: {  	v4 =	vperm.xlane v3, v0;
	_ =	sdelay $0x1  }
0x14e: {  	v4 =	vadd.s32 v1, v4;
	_ =	sdelay $0x3  }
0x14f: {  	s12 =	simm.s32 $0x15180;
	v3 =	vperm.xlane v3, v2  }
0x150: {  	[tilespmem:s12], [sflag:$0x2] =	stream.indirect_vreg.gather [hbm4b:s3+s2], $0x80, v4, vm0, $0xb8;
	[tilespmem:$0x18180] =	vst v63  }
0x151: {  	v3 =	vadd.s32 v1, v3;
	s12 =	simm.s32 $0x15980  }
0x152: {  	[tilespmem:s12], [sflag:$0x2] =	stream.indirect_vreg.gather [hbm4b:s6+s2], $0x80, v4, vm0, $0xb8;
	[tilespmem:$0x18180] =	vst v63  }
0x153: {  	s12 =	simm.s32 $0x16180  }
0x154: {  	[tilespmem:s12], [sflag:$0x2] =	stream.indirect_vreg.gather [hbm4b:s7+s2], $0x80, v4, vm0, $0xb8;
	[tilespmem:$0x18180] =	vst v63  }
0x155: {  	s12 =	simm.s32 $0x16980  }
0x156: {  	[tilespmem:s12], [sflag:$0x2] =	stream.indirect_vreg.gather [hbm4b:s3+s2], $0x80, v3, vm0, $0xb8;
	[tilespmem:$0x18180] =	vst v63  }
0x157: {  	s12 =	simm.s32 $0x17180  }
0x158: {  	[tilespmem:s12], [sflag:$0x2] =	stream.indirect_vreg.gather [hbm4b:s6+s2], $0x80, v3, vm0, $0xb8;
	[tilespmem:$0x18180] =	vst v63  }
0x159: {  	s12 =	simm.s32 $0x17980  }
0x15a: {  	[tilespmem:s12], [sflag:$0x2] =	stream.indirect_vreg.gather [hbm4b:s7+s2], $0x80, v3, vm0, $0xb8;
	[tilespmem:$0x18180] =	vst v63  }
0x15b: {  	_ =	swait.ge [sflag:s10], $0xC000  }
0x15c: {  	[sflag:s10] =	ssyncset.done $0x0  }
0x15d: {  	s12 =	rddreg [dreg:$0x4];
	[sflag:s10] =	ssyncadd.s32 $0xFFFF4000  }
0x15e: {  	[hbm4b:s12+s2] =	stream.linear.scatter [tilespmem:s4], [sflag:$0x3], $0xC000, $0x38;
	[tilespmem:$0x18180] =	vst v63  }
0x15f: {  	_ =	swait.ge [sflag:s8], $0xC000  }
0x160: {  	[sflag:s8] =	ssyncset.done $0x0  }
0x161: {  	[sflag:s8] =	ssyncadd.s32 $0xFFFF4000  }
0x162: {  	v3 =	vld [tilespmem:$0x100];
	_ =	sdelay $0x4  }
0x163: {  	v56 =	vshrl.u32 v3, $0x3  }
0x164: {  	v4 =	vmul.u32 $0x30, v56  }
0x165: {  	v3 =	vand.u32 $0x7, v3  }
0x166: {  	v3 =	vor.u32 v3, v4  }
0x167: {  	v4 =	vperm.xlane v3, v0;
	_ =	sdelay $0x1  }
0x168: {  	v4 =	vadd.s32 v1, v4;
	_ =	sdelay $0x3  }
0x169: {  	v3 =	vperm.xlane v3, v2  }
0x16a: {  	[tilespmem:s4], [sflag:$0x1] =	stream.indirect_vreg.gather [hbm4b:s3+s2], $0x80, v4, vm0, $0xb8;
	[tilespmem:$0x18180] =	vst v63  }
0x16b: {  	v3 =	vadd.s32 v1, v3  }
0x16c: {  	[tilespmem:s13], [sflag:$0x1] =	stream.indirect_vreg.gather [hbm4b:s6+s2], $0x80, v4, vm0, $0xb8;
	[tilespmem:$0x18180] =	vst v63  }
0x16d: {  	_ = 	snop  }
0x16e: {  	[tilespmem:s14], [sflag:$0x1] =	stream.indirect_vreg.gather [hbm4b:s7+s2], $0x80, v4, vm0, $0xb8;
	[tilespmem:$0x18180] =	vst v63  }
0x16f: {  	_ = 	snop  }
0x170: {  	[tilespmem:s15], [sflag:$0x1] =	stream.indirect_vreg.gather [hbm4b:s3+s2], $0x80, v3, vm0, $0xb8;
	[tilespmem:$0x18180] =	vst v63  }
0x171: {  	_ = 	snop  }
0x172: {  	[tilespmem:s16], [sflag:$0x1] =	stream.indirect_vreg.gather [hbm4b:s6+s2], $0x80, v3, vm0, $0xb8;
	[tilespmem:$0x18180] =	vst v63  }
0x173: {  	_ = 	snop  }
0x174: {  	[tilespmem:s17], [sflag:$0x1] =	stream.indirect_vreg.gather [hbm4b:s7+s2], $0x80, v3, vm0, $0xb8;
	[tilespmem:$0x18180] =	vst v63  }
0x175: {  	v3 =	vld [tilespmem:$0x110];
	_ =	sdelay $0x4  }
0x176: {  	v57 =	vshrl.u32 v3, $0x3  }
0x177: {  	v4 =	vmul.u32 $0x30, v57  }
0x178: {  	v3 =	vand.u32 $0x7, v3  }
0x179: {  	v3 =	vor.u32 v3, v4  }
0x17a: {  	v4 =	vperm.xlane v3, v0;
	_ =	sdelay $0x1  }
0x17b: {  	v4 =	vadd.s32 v1, v4;
	_ =	sdelay $0x3  }
0x17c: {  	v3 =	vperm.xlane v3, v2  }
0x17d: {  	[tilespmem:s18], [sflag:$0x1] =	stream.indirect_vreg.gather [hbm4b:s3+s2], $0x80, v4, vm0, $0xb8;
	[tilespmem:$0x18180] =	vst v63  }
0x17e: {  	v3 =	vadd.s32 v1, v3  }
0x17f: {  	[tilespmem:s19], [sflag:$0x1] =	stream.indirect_vreg.gather [hbm4b:s6+s2], $0x80, v4, vm0, $0xb8;
	[tilespmem:$0x18180] =	vst v63  }
0x180: {  	_ = 	snop  }
0x181: {  	[tilespmem:s20], [sflag:$0x1] =	stream.indirect_vreg.gather [hbm4b:s7+s2], $0x80, v4, vm0, $0xb8;
	[tilespmem:$0x18180] =	vst v63  }
0x182: {  	_ = 	snop  }
0x183: {  	[tilespmem:s21], [sflag:$0x1] =	stream.indirect_vreg.gather [hbm4b:s3+s2], $0x80, v3, vm0, $0xb8;
	[tilespmem:$0x18180] =	vst v63  }
0x184: {  	_ = 	snop  }
0x185: {  	[tilespmem:s22], [sflag:$0x1] =	stream.indirect_vreg.gather [hbm4b:s6+s2], $0x80, v3, vm0, $0xb8;
	[tilespmem:$0x18180] =	vst v63  }
0x186: {  	_ = 	snop  }
0x187: {  	[tilespmem:s23], [sflag:$0x1] =	stream.indirect_vreg.gather [hbm4b:s7+s2], $0x80, v3, vm0, $0xb8;
	[tilespmem:$0x18180] =	vst v63  }
0x188: {  	v3 =	vld [tilespmem:$0x120];
	_ =	sdelay $0x4  }
0x189: {  	v58 =	vshrl.u32 v3, $0x3  }
0x18a: {  	v4 =	vmul.u32 $0x30, v58  }
0x18b: {  	v3 =	vand.u32 $0x7, v3  }
0x18c: {  	v3 =	vor.u32 v3, v4  }
0x18d: {  	v4 =	vperm.xlane v3, v0;
	_ =	sdelay $0x1  }
0x18e: {  	v4 =	vadd.s32 v1, v4;
	_ =	sdelay $0x3  }
0x18f: {  	v3 =	vperm.xlane v3, v2  }
0x190: {  	[tilespmem:s24], [sflag:$0x1] =	stream.indirect_vreg.gather [hbm4b:s3+s2], $0x80, v4, vm0, $0xb8;
	[tilespmem:$0x18180] =	vst v63  }
0x191: {  	v3 =	vadd.s32 v1, v3  }
0x192: {  	[tilespmem:s25], [sflag:$0x1] =	stream.indirect_vreg.gather [hbm4b:s6+s2], $0x80, v4, vm0, $0xb8;
	[tilespmem:$0x18180] =	vst v63  }
0x193: {  	_ = 	snop  }
0x194: {  	[tilespmem:s26], [sflag:$0x1] =	stream.indirect_vreg.gather [hbm4b:s7+s2], $0x80, v4, vm0, $0xb8;
	[tilespmem:$0x18180] =	vst v63  }
0x195: {  	_ = 	snop  }
0x196: {  	[tilespmem:s28], [sflag:$0x1] =	stream.indirect_vreg.gather [hbm4b:s3+s2], $0x80, v3, vm0, $0xb8;
	[tilespmem:$0x18180] =	vst v63  }
0x197: {  	_ = 	snop  }
0x198: {  	[tilespmem:s29], [sflag:$0x1] =	stream.indirect_vreg.gather [hbm4b:s6+s2], $0x80, v3, vm0, $0xb8;
	[tilespmem:$0x18180] =	vst v63  }
0x199: {  	_ = 	snop  }
0x19a: {  	[tilespmem:s30], [sflag:$0x1] =	stream.indirect_vreg.gather [hbm4b:s7+s2], $0x80, v3, vm0, $0xb8;
	[tilespmem:$0x18180] =	vst v63  }
0x19b: {  	v3 =	vld [tilespmem:$0x130];
	_ =	sdelay $0x4  }
0x19c: {  	v59 =	vshrl.u32 v3, $0x3  }
0x19d: {  	v4 =	vmul.u32 $0x30, v59  }
0x19e: {  	v3 =	vand.u32 $0x7, v3  }
0x19f: {  	v3 =	vor.u32 v3, v4  }
0x1a0: {  	v4 =	vperm.xlane v3, v0;
	_ =	sdelay $0x1  }
0x1a1: {  	v4 =	vadd.s32 v1, v4;
	_ =	sdelay $0x3  }
0x1a2: {  	v3 =	vperm.xlane v3, v2  }
0x1a3: {  	[tilespmem:s31], [sflag:$0x1] =	stream.indirect_vreg.gather [hbm4b:s3+s2], $0x80, v4, vm0, $0xb8;
	[tilespmem:$0x18180] =	vst v63  }
0x1a4: {  	s12 =	simm.s32 $0x9980;
	v3 =	vadd.s32 v1, v3  }
0x1a5: {  	[tilespmem:s12], [sflag:$0x1] =	stream.indirect_vreg.gather [hbm4b:s6+s2], $0x80, v4, vm0, $0xb8;
	[tilespmem:$0x18180] =	vst v63  }
0x1a6: {  	_ = 	snop  }
0x1a7: {  	[tilespmem:s1], [sflag:$0x1] =	stream.indirect_vreg.gather [hbm4b:s7+s2], $0x80, v4, vm0, $0xb8;
	[tilespmem:$0x18180] =	vst v63  }
0x1a8: {  	_ = 	snop  }
0x1a9: {  	[tilespmem:s9], [sflag:$0x1] =	stream.indirect_vreg.gather [hbm4b:s3+s2], $0x80, v3, vm0, $0xb8;
	[tilespmem:$0x18180] =	vst v63  }
0x1aa: {  	s12 =	simm.s32 $0xB180  }
0x1ab: {  	[tilespmem:s12], [sflag:$0x1] =	stream.indirect_vreg.gather [hbm4b:s6+s2], $0x80, v3, vm0, $0xb8;
	[tilespmem:$0x18180] =	vst v63  }
0x1ac: {  	s12 =	simm.s32 $0xB980  }
0x1ad: {  	[tilespmem:s12], [sflag:$0x1] =	stream.indirect_vreg.gather [hbm4b:s7+s2], $0x80, v3, vm0, $0xb8;
	[tilespmem:$0x18180] =	vst v63  }
0x1ae: {  	_ =	swait.ge [sflag:s11], $0xC000  }
0x1af: {  	[sflag:s11] =	ssyncset.done $0x0  }
0x1b0: {  	s1 =	rddreg [dreg:$0x5];
	[sflag:s11] =	ssyncadd.s32 $0xFFFF4000  }
0x1b1: {  	[hbm4b:s1+s2] =	stream.linear.scatter [tilespmem:s0], [sflag:$0x3], $0xC000, $0x38;
	[tilespmem:$0x18180] =	vst v63  }
0x1b2: {  	_ =	swait.ge [sflag:s8], $0xC000  }
0x1b3: {  	[sflag:s8] =	ssyncset.done $0x0  }
0x1b4: {  	[sflag:s8] =	ssyncadd.s32 $0xFFFF4000  }
0x1b5: {  	v3 =	vld [tilespmem:$0x140];
	_ =	sdelay $0x4  }
0x1b6: {  	v60 =	vshrl.u32 v3, $0x3  }
0x1b7: {  	v4 =	vmul.u32 $0x30, v60  }
0x1b8: {  	v3 =	vand.u32 $0x7, v3  }
0x1b9: {  	v3 =	vor.u32 v3, v4  }
0x1ba: {  	v4 =	vperm.xlane v3, v0;
	_ =	sdelay $0x1  }
0x1bb: {  	v4 =	vadd.s32 v1, v4;
	_ =	sdelay $0x3  }
0x1bc: {  	v3 =	vperm.xlane v3, v2  }
0x1bd: {  	[tilespmem:s0], [sflag:$0x2] =	stream.indirect_vreg.gather [hbm4b:s3+s2], $0x80, v4, vm0, $0xb8;
	[tilespmem:$0x18180] =	vst v63  }
0x1be: {  	s12 =	simm.s32 $0xC980;
	v3 =	vadd.s32 v1, v3  }
0x1bf: {  	[tilespmem:s12], [sflag:$0x2] =	stream.indirect_vreg.gather [hbm4b:s6+s2], $0x80, v4, vm0, $0xb8;
	[tilespmem:$0x18180] =	vst v63  }
0x1c0: {  	s12 =	simm.s32 $0xD180  }
0x1c1: {  	[tilespmem:s12], [sflag:$0x2] =	stream.indirect_vreg.gather [hbm4b:s7+s2], $0x80, v4, vm0, $0xb8;
	[tilespmem:$0x18180] =	vst v63  }
0x1c2: {  	s12 =	simm.s32 $0xD980  }
0x1c3: {  	[tilespmem:s12], [sflag:$0x2] =	stream.indirect_vreg.gather [hbm4b:s3+s2], $0x80, v3, vm0, $0xb8;
	[tilespmem:$0x18180] =	vst v63  }
0x1c4: {  	s12 =	simm.s32 $0xE180  }
0x1c5: {  	[tilespmem:s12], [sflag:$0x2] =	stream.indirect_vreg.gather [hbm4b:s6+s2], $0x80, v3, vm0, $0xb8;
	[tilespmem:$0x18180] =	vst v63  }
0x1c6: {  	s12 =	simm.s32 $0xE980  }
0x1c7: {  	[tilespmem:s12], [sflag:$0x2] =	stream.indirect_vreg.gather [hbm4b:s7+s2], $0x80, v3, vm0, $0xb8;
	[tilespmem:$0x18180] =	vst v63  }
0x1c8: {  	v3 =	vld [tilespmem:$0x150];
	_ =	sdelay $0x4  }
0x1c9: {  	v61 =	vshrl.u32 v3, $0x3  }
0x1ca: {  	v4 =	vmul.u32 $0x30, v61  }
0x1cb: {  	v3 =	vand.u32 $0x7, v3  }
0x1cc: {  	v3 =	vor.u32 v3, v4  }
0x1cd: {  	v4 =	vperm.xlane v3, v0;
	_ =	sdelay $0x1  }
0x1ce: {  	v4 =	vadd.s32 v1, v4;
	_ =	sdelay $0x3  }
0x1cf: {  	s12 =	simm.s32 $0xF180;
	v3 =	vperm.xlane v3, v2  }
0x1d0: {  	[tilespmem:s12], [sflag:$0x2] =	stream.indirect_vreg.gather [hbm4b:s3+s2], $0x80, v4, vm0, $0xb8;
	[tilespmem:$0x18180] =	vst v63  }
0x1d1: {  	v3 =	vadd.s32 v1, v3;
	s12 =	simm.s32 $0xF980  }
0x1d2: {  	[tilespmem:s12], [sflag:$0x2] =	stream.indirect_vreg.gather [hbm4b:s6+s2], $0x80, v4, vm0, $0xb8;
	[tilespmem:$0x18180] =	vst v63  }
0x1d3: {  	s12 =	simm.s32 $0x10180  }
0x1d4: {  	[tilespmem:s12], [sflag:$0x2] =	stream.indirect_vreg.gather [hbm4b:s7+s2], $0x80, v4, vm0, $0xb8;
	[tilespmem:$0x18180] =	vst v63  }
0x1d5: {  	s12 =	simm.s32 $0x10980  }
0x1d6: {  	[tilespmem:s12], [sflag:$0x2] =	stream.indirect_vreg.gather [hbm4b:s3+s2], $0x80, v3, vm0, $0xb8;
	[tilespmem:$0x18180] =	vst v63  }
0x1d7: {  	s12 =	simm.s32 $0x11180  }
0x1d8: {  	[tilespmem:s12], [sflag:$0x2] =	stream.indirect_vreg.gather [hbm4b:s6+s2], $0x80, v3, vm0, $0xb8;
	[tilespmem:$0x18180] =	vst v63  }
0x1d9: {  	s12 =	simm.s32 $0x11980  }
0x1da: {  	[tilespmem:s12], [sflag:$0x2] =	stream.indirect_vreg.gather [hbm4b:s7+s2], $0x80, v3, vm0, $0xb8;
	[tilespmem:$0x18180] =	vst v63  }
0x1db: {  	v3 =	vld [tilespmem:$0x160];
	_ =	sdelay $0x4  }
0x1dc: {  	v62 =	vshrl.u32 v3, $0x3  }
0x1dd: {  	v4 =	vmul.u32 $0x30, v62  }
0x1de: {  	v3 =	vand.u32 $0x7, v3  }
0x1df: {  	v3 =	vor.u32 v3, v4  }
0x1e0: {  	v4 =	vperm.xlane v3, v0;
	_ =	sdelay $0x1  }
0x1e1: {  	v4 =	vadd.s32 v1, v4;
	_ =	sdelay $0x3  }
0x1e2: {  	s12 =	simm.s32 $0x12180;
	v3 =	vperm.xlane v3, v2  }
0x1e3: {  	[tilespmem:s12], [sflag:$0x2] =	stream.indirect_vreg.gather [hbm4b:s3+s2], $0x80, v4, vm0, $0xb8;
	[tilespmem:$0x18180] =	vst v63  }
0x1e4: {  	v3 =	vadd.s32 v1, v3;
	s12 =	simm.s32 $0x12980  }
0x1e5: {  	[tilespmem:s12], [sflag:$0x2] =	stream.indirect_vreg.gather [hbm4b:s6+s2], $0x80, v4, vm0, $0xb8;
	[tilespmem:$0x18180] =	vst v63  }
0x1e6: {  	s12 =	simm.s32 $0x13180  }
0x1e7: {  	[tilespmem:s12], [sflag:$0x2] =	stream.indirect_vreg.gather [hbm4b:s7+s2], $0x80, v4, vm0, $0xb8;
	[tilespmem:$0x18180] =	vst v63  }
0x1e8: {  	s12 =	simm.s32 $0x13980  }
0x1e9: {  	[tilespmem:s12], [sflag:$0x2] =	stream.indirect_vreg.gather [hbm4b:s3+s2], $0x80, v3, vm0, $0xb8;
	[tilespmem:$0x18180] =	vst v63  }
0x1ea: {  	s12 =	simm.s32 $0x14180  }
0x1eb: {  	[tilespmem:s12], [sflag:$0x2] =	stream.indirect_vreg.gather [hbm4b:s6+s2], $0x80, v3, vm0, $0xb8;
	[tilespmem:$0x18180] =	vst v63  }
0x1ec: {  	s12 =	simm.s32 $0x14980  }
0x1ed: {  	[tilespmem:s12], [sflag:$0x2] =	stream.indirect_vreg.gather [hbm4b:s7+s2], $0x80, v3, vm0, $0xb8;
	[tilespmem:$0x18180] =	vst v63  }
0x1ee: {  	v3 =	vld [tilespmem:$0x170];
	_ =	sdelay $0x4  }
0x1ef: {  	v63 =	vshrl.u32 v3, $0x3  }
0x1f0: {  	v4 =	vmul.u32 $0x30, v63  }
0x1f1: {  	v3 =	vand.u32 $0x7, v3  }
0x1f2: {  	v3 =	vor.u32 v3, v4  }
0x1f3: {  	v4 =	vperm.xlane v3, v0;
	_ =	sdelay $0x1  }
0x1f4: {  	v4 =	vadd.s32 v1, v4;
	_ =	sdelay $0x3  }
0x1f5: {  	s12 =	simm.s32 $0x15180;
	v3 =	vperm.xlane v3, v2  }
0x1f6: {  	[tilespmem:s12], [sflag:$0x2] =	stream.indirect_vreg.gather [hbm4b:s3+s2], $0x80, v4, vm0, $0xb8;
	[tilespmem:$0x18180] =	vst v63  }
0x1f7: {  	v3 =	vadd.s32 v1, v3;
	s12 =	simm.s32 $0x15980  }
0x1f8: {  	[tilespmem:s12], [sflag:$0x2] =	stream.indirect_vreg.gather [hbm4b:s6+s2], $0x80, v4, vm0, $0xb8;
	[tilespmem:$0x18180] =	vst v63  }
0x1f9: {  	s12 =	simm.s32 $0x16180  }
0x1fa: {  	[tilespmem:s12], [sflag:$0x2] =	stream.indirect_vreg.gather [hbm4b:s7+s2], $0x80, v4, vm0, $0xb8;
	[tilespmem:$0x18180] =	vst v63  }
0x1fb: {  	s12 =	simm.s32 $0x16980  }
0x1fc: {  	[tilespmem:s12], [sflag:$0x2] =	stream.indirect_vreg.gather [hbm4b:s3+s2], $0x80, v3, vm0, $0xb8;
	[tilespmem:$0x18180] =	vst v63  }
0x1fd: {  	s12 =	simm.s32 $0x17180  }
0x1fe: {  	[tilespmem:s12], [sflag:$0x2] =	stream.indirect_vreg.gather [hbm4b:s6+s2], $0x80, v3, vm0, $0xb8;
	[tilespmem:$0x18180] =	vst v63  }
0x1ff: {  	s12 =	simm.s32 $0x17980  }
0x200: {  	[tilespmem:s12], [sflag:$0x2] =	stream.indirect_vreg.gather [hbm4b:s7+s2], $0x80, v3, vm0, $0xb8;
	[tilespmem:$0x18180] =	vst v63  }
0x201: {  	_ =	swait.ge [sflag:s10], $0xC000  }
0x202: {  	[sflag:s10] =	ssyncset.done $0x0  }
0x203: {  	s1 =	rddreg [dreg:$0x6];
	[sflag:s10] =	ssyncadd.s32 $0xFFFF4000  }
0x204: {  	[hbm4b:s1+s2] =	stream.linear.scatter [tilespmem:s4], [sflag:$0x3], $0xC000, $0x38;
	[tilespmem:$0x18180] =	vst v63  }
0x205: {  	_ =	swait.ge [sflag:s8], $0xC000  }
0x206: {  	[sflag:s8] =	ssyncset.done $0x0  }
0x207: {  	[sflag:s8] =	ssyncadd.s32 $0xFFFF4000  }
0x208: {  	_ =	swait.ge [sflag:s11], $0xC000  }
0x209: {  	p0 =	sne.s32 s5, $0x1;
	[sflag:s11] =	ssyncset.done $0x0  }
.Ltmp0:
0x20a: {  	s1 =	rddreg [dreg:$0x7];
	[sflag:s11] =	ssyncadd.s32 $0xFFFF4000;
	(pc) =	sbr.rel @p0 .LBB2_1-.Ltmp0, $4  }
0x20b: {  	[hbm4b:s1+s2] =	stream.linear.scatter [tilespmem:s0], [sflag:$0x3], $0xC000, $0x38;
	[tilespmem:$0x18180] =	vst v63  }
0x20c: {  	_ =	swait.ge [sflag:s8], $0xC000  }
0x20d: {  	[sflag:s8] =	ssyncset.done $0x0  }
0x20e: {  	s5 =	sadd.s32 $0xFFFFFFFF, s5;
	[sflag:s8] =	ssyncadd.s32 $0xFFFF4000  }
0x20f: {  	_ =	sfence.sel $0x180000  }
0x210: {  	[bflag:$0x0] =	sbarrier.arrive $0xFFFF  }
0x211: {  	_ =	strace $0x90000047  }
0x212: {  	s0 =	stileid.u32;
	[bflag:$0x2] =	sbarrier.arrive $0xFFFF  }
0x213: {  	p0 =	sne.s32 s0, $0x0;
	s0 =	rddreg [dreg:$0x2]  }
0x214: {  	s0 =	sadd.s32 @!p0 $0x100000, s0  }
0x215: {  	[sflag:s0] =	ssyncadd.tile.s32 @!p0 $0x1;
	_ =	shalt  }
.Lfunc_end2:
_tile_overlayer_lowered:
.L_overlay_start_2:
0x216: {  	(tag) =	ssettag $0x2  }
0x217: {  	s0 =	rddreg [dreg:$0x0];
	s2 =	stileid.u32  }
0x218: {  	s1 =	rddreg [dreg:$0x1];
	p0 =	sne.s32 s2, $0x0  }
0x219: {  	s3 =	rddreg [dreg:$0x2];
	[bflag:$0x3] =	sbarrier.arrive $0xFFFF;
	s2 =	simm.s32 @!p0 $0x1C03  }
0x21a: {  	[timem:s3], [sflag:s2] =	dma.local @!p0 [hbm:s0], s1  }
0x21b: {  	s0 =	simm.s32 @!p0 $0x3  }
0x21c: {  	_ =	swait.ge @!p0 [sflag:s0], s1  }
0x21d: {  	s1 =	ssub.s32 @!p0 $0x0, s1;
	[sflag:s0] =	ssyncset.done @!p0 $0x0  }
0x21e: {  	[sflag:s0] =	ssyncadd.s32 @!p0 s1  }
0x21f: {  	[bflag:$0x3] =	sbarrier.arrive $0xFFFF  }
0x220: {  	_ =	shalt  }

</sc_bundles>
